<compile_context>
chip_gen: v7x
topology: tpu7x:2x2x1
jax: 0.10.2.dev20260603
libtpu: 0.0.44.dev20260713+nightly
codegen_flags: <defaults>
</compile_context>

<pallas_src>
import functools

import jax
import jax.numpy as jnp
from jax import lax
from jax.experimental import pallas as pl
from jax.experimental.pallas import tpu as pltpu
from jax.experimental.pallas import tpu_sc as plsc

_NC = 2
_NS = 16
_R = 4
_NBUF = 8


def _start(src, dst, sem):
    pltpu.async_copy(src, dst, sem)


def _add_chunk(xb, pb, rows, d):
    for r in range(rows):
        @plsc.parallel_loop(0, d, 16, unroll=8)
        def _(col):
            plsc.addupdate(xb.at[r, pl.ds(col, 16)], pb[r, pl.ds(col, 16)])


def kernel(x, pe_weight):
    B, S, D = x.shape
    nw = _NC * _NS
    seq_per_w = S // nw
    n_seq_chunks = seq_per_w // _R
    n_groups = n_seq_chunks // 2

    mesh = plsc.VectorSubcoreMesh(core_axis_name="c", subcore_axis_name="s")

    vmem_chunk = pltpu.VMEM((_R, D), jnp.float32)
    @functools.partial(
        pl.kernel,
        mesh=mesh,
        out_type=jax.ShapeDtypeStruct((B, S, D), x.dtype),
        scratch_types=(
            [vmem_chunk] * _NBUF + [vmem_chunk] * 2
            + [pltpu.SemaphoreType.DMA] * (2 * _NBUF + 2)
        ),
    )
    def run(x_hbm, pe_hbm, out_hbm, *scr):
        xbs = scr[0:_NBUF]
        pbs = scr[_NBUF:_NBUF + 2]
        lsem = scr[_NBUF + 2:2 * _NBUF + 2]
        ssem = scr[2 * _NBUF + 2:3 * _NBUF + 2]
        psem = scr[3 * _NBUF + 2:3 * _NBUF + 4]

        wid = lax.axis_index("s") * _NC + lax.axis_index("c")
        sbase = wid * seq_per_w

        def x_slice(j, b):
            return x_hbm.at[b, pl.ds(sbase + j * _R, _R)]

        def out_slice(j, b):
            return out_hbm.at[b, pl.ds(sbase + j * _R, _R)]

        def pe_slice(j):
            return pe_hbm.at[pl.ds(sbase + j * _R, _R)]

        pltpu.async_copy(pe_slice(0), pbs[0], psem[0])
        for b in range(4):
            pltpu.async_copy(x_slice(0, b), xbs[b], lsem[b])

        def group(g, carry):
            for i in range(8):
                b = i % 4
                j = 2 * g + (1 if i >= 4 else 0)
                p = (i + 4) % 8
                if i == 0:
                    pltpu.make_async_copy(pe_slice(2 * g), pbs[0], psem[0]).wait()
                    pltpu.async_copy(pe_slice(2 * g + 1), pbs[1], psem[1])
                if i == 4:
                    pltpu.make_async_copy(pe_slice(2 * g + 1), pbs[1], psem[1]).wait()
                    pl.when(g < n_groups - 1)(
                        lambda: _start(pe_slice(2 * g + 2), pbs[0], psem[0]))

                jn = 2 * g + 1 + (1 if i >= 4 else 0)
                jo = 2 * g - (1 if i < 4 else 0)
                store_wait = lambda: pltpu.make_async_copy(
                    xbs[p], out_slice(jo, b), ssem[p]).wait()
                load_next = lambda: _start(x_slice(jn, b), xbs[p], lsem[p])
                if i < 4:
                    pl.when(g > 0)(store_wait)
                    load_next()
                else:
                    store_wait()
                    pl.when(g < n_groups - 1)(load_next)

                pltpu.make_async_copy(x_slice(j, b), xbs[i], lsem[i]).wait()
                _add_chunk(xbs[i], pbs[0 if i < 4 else 1], _R, D)
                pltpu.async_copy(xbs[i], out_slice(j, b), ssem[i])
            return carry

        lax.fori_loop(0, n_groups, group, 0)

        for i in range(4, 8):
            pltpu.make_async_copy(
                xbs[i], out_slice(2 * n_groups - 1, i % 4), ssem[i]).wait()

    return run(x, pe_weight)

# --- scband reference (transcript-rebuilt; emitter-appended) ---
"""Pipeline reference for scband-learnable-positional-encoding-85298050499320 (READ-ONLY COPY).

The authoritative reference and input builder live on the scoring server;
editing this copy changes nothing except your own understanding.
"""

import jax, jax.numpy as jnp
import numpy as np

D_MODEL = 2048
MAX_LEN = 8192

def setup_inputs(seed: int = 0) -> dict:
    key = jax.random.key(seed)
    k1, k2 = jax.random.split(key)
    x = jax.random.normal(k1, (4, 4096, D_MODEL), dtype=jnp.float32)
    pe_weight = 0.02 * jax.random.normal(k2, (MAX_LEN, D_MODEL), dtype=jnp.float32)
    return {"x": x, "pe_weight": pe_weight}

def reference(x, pe_weight):
    # positions = arange(seq_len)[None, :]; x = x + pe(positions)
    seq_len = x.shape[1]
    positions = jnp.arange(seq_len)
    pos_emb = jnp.take(pe_weight, positions, axis=0)  # [S, d_model]
    out = x + pos_emb[None, :, :]
    # dropout is identity in eval mode
    return out

if __name__ == "__main__":
    import jax
    _d = setup_inputs()
    print(jax.jit(kernel)(*tuple(_d.values())))

</pallas_src>

<mosaic_0001>
#map = affine_map<(d0, d1) -> (0, 0, 0)>
#map1 = affine_map<(d0, d1) -> (0, 0)>
module attributes {stable_mosaic.version = 14 : i64} {
  func.func @run(%arg0: i32, %arg1: i32, %arg2: memref<4x4096x2048xf32, #tpu.memory_space<hbm>>, %arg3: memref<8192x2048xf32, #tpu.memory_space<hbm>>, %arg4: memref<4x4096x2048xf32, #tpu.memory_space<hbm>>, %arg5: memref<4x2048xf32, #tpu.memory_space<vmem>>, %arg6: memref<4x2048xf32, #tpu.memory_space<vmem>>, %arg7: memref<4x2048xf32, #tpu.memory_space<vmem>>, %arg8: memref<4x2048xf32, #tpu.memory_space<vmem>>, %arg9: memref<4x2048xf32, #tpu.memory_space<vmem>>, %arg10: memref<4x2048xf32, #tpu.memory_space<vmem>>, %arg11: memref<4x2048xf32, #tpu.memory_space<vmem>>, %arg12: memref<4x2048xf32, #tpu.memory_space<vmem>>, %arg13: memref<4x2048xf32, #tpu.memory_space<vmem>>, %arg14: memref<4x2048xf32, #tpu.memory_space<vmem>>, %arg15: memref<!tpu.dma_semaphore, #tpu.memory_space<semaphore_mem>>, %arg16: memref<!tpu.dma_semaphore, #tpu.memory_space<semaphore_mem>>, %arg17: memref<!tpu.dma_semaphore, #tpu.memory_space<semaphore_mem>>, %arg18: memref<!tpu.dma_semaphore, #tpu.memory_space<semaphore_mem>>, %arg19: memref<!tpu.dma_semaphore, #tpu.memory_space<semaphore_mem>>, %arg20: memref<!tpu.dma_semaphore, #tpu.memory_space<semaphore_mem>>, %arg21: memref<!tpu.dma_semaphore, #tpu.memory_space<semaphore_mem>>, %arg22: memref<!tpu.dma_semaphore, #tpu.memory_space<semaphore_mem>>, %arg23: memref<!tpu.dma_semaphore, #tpu.memory_space<semaphore_mem>>, %arg24: memref<!tpu.dma_semaphore, #tpu.memory_space<semaphore_mem>>, %arg25: memref<!tpu.dma_semaphore, #tpu.memory_space<semaphore_mem>>, %arg26: memref<!tpu.dma_semaphore, #tpu.memory_space<semaphore_mem>>, %arg27: memref<!tpu.dma_semaphore, #tpu.memory_space<semaphore_mem>>, %arg28: memref<!tpu.dma_semaphore, #tpu.memory_space<semaphore_mem>>, %arg29: memref<!tpu.dma_semaphore, #tpu.memory_space<semaphore_mem>>, %arg30: memref<!tpu.dma_semaphore, #tpu.memory_space<semaphore_mem>>, %arg31: memref<!tpu.dma_semaphore, #tpu.memory_space<semaphore_mem>>, %arg32: memref<!tpu.dma_semaphore, #tpu.memory_space<semaphore_mem>>) attributes {dimension_semantics = [#tpu.dimension_semantics<core_parallel>, #tpu.dimension_semantics<subcore_parallel>], iteration_bounds = array<i64: 2, 16>, scalar_prefetch = 0 : i64, scratch_operands = 28 : i64, tpu.core_type = #tpu.core_type<sc_vector_subcore>, window_params = [{transform_indices = #map}, {transform_indices = #map1}, {transform_indices = #map}]} {
    %mul3A = arith.constant 2 : i32
    %mul3A_0 = arith.muli %arg1, %mul3A : i32
    %add3A = arith.addi %mul3A_0, %arg0 : i32
    %mul3A_1 = arith.constant 128 : i32
    %mul3A_2 = arith.muli %add3A, %mul3A_1 : i32
    %add3A_3 = arith.constant 0 : i32
    %add3A_4 = arith.addi %mul3A_2, %add3A_3 : i32
    %dma_start3A = arith.constant 0 : i32
    %dma_start3A_5 = tpu.memref_slice %arg3[%add3A_4, %dma_start3A] : memref<8192x2048xf32, #tpu.memory_space<hbm>> -> memref<4x2048xf32, #tpu.memory_space<hbm>>
    %dma_start3A_6 = arith.constant 0 : i32
    %dma_start3A_7 = tpu.memref_slice %arg3[%add3A_4, %dma_start3A_6] : memref<8192x2048xf32, #tpu.memory_space<hbm>> -> memref<4x2048xf32, #tpu.memory_space<hbm>>
    tpu.enqueue_dma source(%dma_start3A_7 : memref<4x2048xf32, #tpu.memory_space<hbm>>) target(%arg13 : memref<4x2048xf32, #tpu.memory_space<vmem>>) target_semaphore(%arg31 : memref<!tpu.dma_semaphore, #tpu.memory_space<semaphore_mem>>)
    %add3A_8 = arith.constant 0 : i32
    %add3A_9 = arith.addi %mul3A_2, %add3A_8 : i32
    %dma_start3A_10 = arith.constant 0 : i32
    %dma_start3A_11 = arith.constant 0 : i32
    %dma_start3A_12 = tpu.memref_slice %arg2[%dma_start3A_10, %add3A_9, %dma_start3A_11] : memref<4x4096x2048xf32, #tpu.memory_space<hbm>> -> memref<1x4x2048xf32, #tpu.memory_space<hbm>>
    %dma_start3A_13 = tpu.memref_squeeze %dma_start3A_12 : memref<1x4x2048xf32, #tpu.memory_space<hbm>> -> memref<4x2048xf32, #tpu.memory_space<hbm>>
    %dma_start3A_14 = arith.constant 0 : i32
    %dma_start3A_15 = tpu.memref_slice %arg2[%dma_start3A_10, %add3A_9, %dma_start3A_14] : memref<4x4096x2048xf32, #tpu.memory_space<hbm>> -> memref<1x4x2048xf32, #tpu.memory_space<hbm>>
    %dma_start3A_16 = tpu.memref_squeeze %dma_start3A_15 : memref<1x4x2048xf32, #tpu.memory_space<hbm>> -> memref<4x2048xf32, #tpu.memory_space<hbm>>
    tpu.enqueue_dma source(%dma_start3A_16 : memref<4x2048xf32, #tpu.memory_space<hbm>>) target(%arg5 : memref<4x2048xf32, #tpu.memory_space<vmem>>) target_semaphore(%arg15 : memref<!tpu.dma_semaphore, #tpu.memory_space<semaphore_mem>>)
    %add3A_17 = arith.constant 0 : i32
    %add3A_18 = arith.addi %mul3A_2, %add3A_17 : i32
    %dma_start3A_19 = arith.constant 1 : i32
    %dma_start3A_20 = arith.constant 0 : i32
    %dma_start3A_21 = tpu.memref_slice %arg2[%dma_start3A_19, %add3A_18, %dma_start3A_20] : memref<4x4096x2048xf32, #tpu.memory_space<hbm>> -> memref<1x4x2048xf32, #tpu.memory_space<hbm>>
    %dma_start3A_22 = tpu.memref_squeeze %dma_start3A_21 : memref<1x4x2048xf32, #tpu.memory_space<hbm>> -> memref<4x2048xf32, #tpu.memory_space<hbm>>
    %dma_start3A_23 = arith.constant 0 : i32
    %dma_start3A_24 = tpu.memref_slice %arg2[%dma_start3A_19, %add3A_18, %dma_start3A_23] : memref<4x4096x2048xf32, #tpu.memory_space<hbm>> -> memref<1x4x2048xf32, #tpu.memory_space<hbm>>
    %dma_start3A_25 = tpu.memref_squeeze %dma_start3A_24 : memref<1x4x2048xf32, #tpu.memory_space<hbm>> -> memref<4x2048xf32, #tpu.memory_space<hbm>>
    tpu.enqueue_dma source(%dma_start3A_25 : memref<4x2048xf32, #tpu.memory_space<hbm>>) target(%arg6 : memref<4x2048xf32, #tpu.memory_space<vmem>>) target_semaphore(%arg16 : memref<!tpu.dma_semaphore, #tpu.memory_space<semaphore_mem>>)
    %add3A_26 = arith.constant 0 : i32
    %add3A_27 = arith.addi %mul3A_2, %add3A_26 : i32
    %dma_start3A_28 = arith.constant 2 : i32
    %dma_start3A_29 = arith.constant 0 : i32
    %dma_start3A_30 = tpu.memref_slice %arg2[%dma_start3A_28, %add3A_27, %dma_start3A_29] : memref<4x4096x2048xf32, #tpu.memory_space<hbm>> -> memref<1x4x2048xf32, #tpu.memory_space<hbm>>
    %dma_start3A_31 = tpu.memref_squeeze %dma_start3A_30 : memref<1x4x2048xf32, #tpu.memory_space<hbm>> -> memref<4x2048xf32, #tpu.memory_space<hbm>>
    %dma_start3A_32 = arith.constant 0 : i32
    %dma_start3A_33 = tpu.memref_slice %arg2[%dma_start3A_28, %add3A_27, %dma_start3A_32] : memref<4x4096x2048xf32, #tpu.memory_space<hbm>> -> memref<1x4x2048xf32, #tpu.memory_space<hbm>>
    %dma_start3A_34 = tpu.memref_squeeze %dma_start3A_33 : memref<1x4x2048xf32, #tpu.memory_space<hbm>> -> memref<4x2048xf32, #tpu.memory_space<hbm>>
    tpu.enqueue_dma source(%dma_start3A_34 : memref<4x2048xf32, #tpu.memory_space<hbm>>) target(%arg7 : memref<4x2048xf32, #tpu.memory_space<vmem>>) target_semaphore(%arg17 : memref<!tpu.dma_semaphore, #tpu.memory_space<semaphore_mem>>)
    %add3A_35 = arith.constant 0 : i32
    %add3A_36 = arith.addi %mul3A_2, %add3A_35 : i32
    %dma_start3A_37 = arith.constant 3 : i32
    %dma_start3A_38 = arith.constant 0 : i32
    %dma_start3A_39 = tpu.memref_slice %arg2[%dma_start3A_37, %add3A_36, %dma_start3A_38] : memref<4x4096x2048xf32, #tpu.memory_space<hbm>> -> memref<1x4x2048xf32, #tpu.memory_space<hbm>>
    %dma_start3A_40 = tpu.memref_squeeze %dma_start3A_39 : memref<1x4x2048xf32, #tpu.memory_space<hbm>> -> memref<4x2048xf32, #tpu.memory_space<hbm>>
    %dma_start3A_41 = arith.constant 0 : i32
    %dma_start3A_42 = tpu.memref_slice %arg2[%dma_start3A_37, %add3A_36, %dma_start3A_41] : memref<4x4096x2048xf32, #tpu.memory_space<hbm>> -> memref<1x4x2048xf32, #tpu.memory_space<hbm>>
    %dma_start3A_43 = tpu.memref_squeeze %dma_start3A_42 : memref<1x4x2048xf32, #tpu.memory_space<hbm>> -> memref<4x2048xf32, #tpu.memory_space<hbm>>
    tpu.enqueue_dma source(%dma_start3A_43 : memref<4x2048xf32, #tpu.memory_space<hbm>>) target(%arg8 : memref<4x2048xf32, #tpu.memory_space<vmem>>) target_semaphore(%arg18 : memref<!tpu.dma_semaphore, #tpu.memory_space<semaphore_mem>>)
    %scan3A = arith.constant 0 : i32
    %scan3A_44 = arith.constant 0 : i32
    %scan3A_45 = arith.constant 16 : i32
    %scan3A_46 = arith.addi %scan3A_44, %scan3A_45 : i32
    %scan3A_47 = arith.constant 1 : i32
    scf.for %scan3A_84 = %scan3A_44 to %scan3A_46 step %scan3A_47  : i32 {
      %mul3A_85 = arith.constant 2 : i32
      %mul3A_86 = arith.muli %mul3A_85, %scan3A_84 : i32
      %add3A_87 = arith.constant 0 : i32
      %add3A_88 = arith.addi %mul3A_86, %add3A_87 : i32
      %mul3A_89 = arith.constant 2 : i32
      %mul3A_90 = arith.muli %mul3A_89, %scan3A_84 : i32
      %mul3A_91 = arith.constant 4 : i32
      %mul3A_92 = arith.muli %mul3A_90, %mul3A_91 : i32
      %add3A_93 = arith.addi %mul3A_2, %mul3A_92 : i32
      %dma_wait3A_94 = arith.constant 0 : i32
      %dma_wait3A_95 = tpu.memref_slice %arg3[%add3A_93, %dma_wait3A_94] : memref<8192x2048xf32, #tpu.memory_space<hbm>> -> memref<4x2048xf32, #tpu.memory_space<hbm>>
      %dma_wait3A_96 = arith.constant 0 : i32
      %dma_wait3A_97 = tpu.memref_slice %arg3[%add3A_93, %dma_wait3A_96] : memref<8192x2048xf32, #tpu.memory_space<hbm>> -> memref<4x2048xf32, #tpu.memory_space<hbm>>
      tpu.wait_dma2 semaphore(%arg31 : memref<!tpu.dma_semaphore, #tpu.memory_space<semaphore_mem>>) src(%dma_wait3A_97 : memref<4x2048xf32, #tpu.memory_space<hbm>>) dst(%arg13 : memref<4x2048xf32, #tpu.memory_space<vmem>>)
      %mul3A_98 = arith.constant 2 : i32
      %mul3A_99 = arith.muli %mul3A_98, %scan3A_84 : i32
      %add3A_100 = arith.constant 1 : i32
      %add3A_101 = arith.addi %mul3A_99, %add3A_100 : i32
      %mul3A_102 = arith.constant 4 : i32
      %mul3A_103 = arith.muli %add3A_101, %mul3A_102 : i32
      %add3A_104 = arith.addi %mul3A_2, %mul3A_103 : i32
      %dma_start3A_105 = arith.constant 0 : i32
      %dma_start3A_106 = tpu.memref_slice %arg3[%add3A_104, %dma_start3A_105] : memref<8192x2048xf32, #tpu.memory_space<hbm>> -> memref<4x2048xf32, #tpu.memory_space<hbm>>
      %dma_start3A_107 = arith.constant 0 : i32
      %dma_start3A_108 = tpu.memref_slice %arg3[%add3A_104, %dma_start3A_107] : memref<8192x2048xf32, #tpu.memory_space<hbm>> -> memref<4x2048xf32, #tpu.memory_space<hbm>>
      tpu.enqueue_dma source(%dma_start3A_108 : memref<4x2048xf32, #tpu.memory_space<hbm>>) target(%arg14 : memref<4x2048xf32, #tpu.memory_space<vmem>>) target_semaphore(%arg32 : memref<!tpu.dma_semaphore, #tpu.memory_space<semaphore_mem>>)
      %mul3A_109 = arith.constant 2 : i32
      %mul3A_110 = arith.muli %mul3A_109, %scan3A_84 : i32
      %add3A_111 = arith.constant 1 : i32
      %add3A_112 = arith.addi %mul3A_110, %add3A_111 : i32
      %add3A_113 = arith.constant 0 : i32
      %add3A_114 = arith.addi %add3A_112, %add3A_113 : i32
      %mul3A_115 = arith.constant 2 : i32
      %mul3A_116 = arith.muli %mul3A_115, %scan3A_84 : i32
      %sub3A = arith.constant 1 : i32
      %sub3A_117 = arith.subi %mul3A_116, %sub3A : i32
      %gt3A = arith.constant 0 : i32
      %gt3A_118 = arith.cmpi sgt, %scan3A_84, %gt3A : i32
      %convert_element_type3A = arith.extui %gt3A_118 : i1 to i32
      %cond3A = arith.constant 0 : i32
      %cond3A_119 = arith.cmpi ne, %convert_element_type3A, %cond3A : i32
      scf.if %cond3A_119 {
        %mul3A_603 = arith.constant 4 : i32
        %mul3A_604 = arith.muli %sub3A_117, %mul3A_603 : i32
        %add3A_605 = arith.addi %mul3A_2, %mul3A_604 : i32
        %dma_wait3A_606 = arith.constant 0 : i32
        %dma_wait3A_607 = arith.constant 0 : i32
        %dma_wait3A_608 = tpu.memref_slice %arg4[%dma_wait3A_606, %add3A_605, %dma_wait3A_607] : memref<4x4096x2048xf32, #tpu.memory_space<hbm>> -> memref<1x4x2048xf32, #tpu.memory_space<hbm>>
        %dma_wait3A_609 = tpu.memref_squeeze %dma_wait3A_608 : memref<1x4x2048xf32, #tpu.memory_space<hbm>> -> memref<4x2048xf32, #tpu.memory_space<hbm>>
        %dma_wait3A_610 = arith.constant 0 : i32
        %dma_wait3A_611 = tpu.memref_slice %arg4[%dma_wait3A_606, %add3A_605, %dma_wait3A_610] : memref<4x4096x2048xf32, #tpu.memory_space<hbm>> -> memref<1x4x2048xf32, #tpu.memory_space<hbm>>
        %dma_wait3A_612 = tpu.memref_squeeze %dma_wait3A_611 : memref<1x4x2048xf32, #tpu.memory_space<hbm>> -> memref<4x2048xf32, #tpu.memory_space<hbm>>
        tpu.wait_dma2 semaphore(%arg27 : memref<!tpu.dma_semaphore, #tpu.memory_space<semaphore_mem>>) src(%arg9 : memref<4x2048xf32, #tpu.memory_space<vmem>>) dst(%dma_wait3A_612 : memref<4x2048xf32, #tpu.memory_space<hbm>>)
      } else {
      }
      %mul3A_120 = arith.constant 4 : i32
      %mul3A_121 = arith.muli %add3A_114, %mul3A_120 : i32
      %add3A_122 = arith.addi %mul3A_2, %mul3A_121 : i32
      %dma_start3A_123 = arith.constant 0 : i32
      %dma_start3A_124 = arith.constant 0 : i32
      %dma_start3A_125 = tpu.memref_slice %arg2[%dma_start3A_123, %add3A_122, %dma_start3A_124] : memref<4x4096x2048xf32, #tpu.memory_space<hbm>> -> memref<1x4x2048xf32, #tpu.memory_space<hbm>>
      %dma_start3A_126 = tpu.memref_squeeze %dma_start3A_125 : memref<1x4x2048xf32, #tpu.memory_space<hbm>> -> memref<4x2048xf32, #tpu.memory_space<hbm>>
      %dma_start3A_127 = arith.constant 0 : i32
      %dma_start3A_128 = tpu.memref_slice %arg2[%dma_start3A_123, %add3A_122, %dma_start3A_127] : memref<4x4096x2048xf32, #tpu.memory_space<hbm>> -> memref<1x4x2048xf32, #tpu.memory_space<hbm>>
      %dma_start3A_129 = tpu.memref_squeeze %dma_start3A_128 : memref<1x4x2048xf32, #tpu.memory_space<hbm>> -> memref<4x2048xf32, #tpu.memory_space<hbm>>
      tpu.enqueue_dma source(%dma_start3A_129 : memref<4x2048xf32, #tpu.memory_space<hbm>>) target(%arg9 : memref<4x2048xf32, #tpu.memory_space<vmem>>) target_semaphore(%arg19 : memref<!tpu.dma_semaphore, #tpu.memory_space<semaphore_mem>>)
      %mul3A_130 = arith.constant 4 : i32
      %mul3A_131 = arith.muli %add3A_88, %mul3A_130 : i32
      %add3A_132 = arith.addi %mul3A_2, %mul3A_131 : i32
      %dma_wait3A_133 = arith.constant 0 : i32
      %dma_wait3A_134 = arith.constant 0 : i32
      %dma_wait3A_135 = tpu.memref_slice %arg2[%dma_wait3A_133, %add3A_132, %dma_wait3A_134] : memref<4x4096x2048xf32, #tpu.memory_space<hbm>> -> memref<1x4x2048xf32, #tpu.memory_space<hbm>>
      %dma_wait3A_136 = tpu.memref_squeeze %dma_wait3A_135 : memref<1x4x2048xf32, #tpu.memory_space<hbm>> -> memref<4x2048xf32, #tpu.memory_space<hbm>>
      %dma_wait3A_137 = arith.constant 0 : i32
      %dma_wait3A_138 = tpu.memref_slice %arg2[%dma_wait3A_133, %add3A_132, %dma_wait3A_137] : memref<4x4096x2048xf32, #tpu.memory_space<hbm>> -> memref<1x4x2048xf32, #tpu.memory_space<hbm>>
      %dma_wait3A_139 = tpu.memref_squeeze %dma_wait3A_138 : memref<1x4x2048xf32, #tpu.memory_space<hbm>> -> memref<4x2048xf32, #tpu.memory_space<hbm>>
      tpu.wait_dma2 semaphore(%arg15 : memref<!tpu.dma_semaphore, #tpu.memory_space<semaphore_mem>>) src(%dma_wait3A_139 : memref<4x2048xf32, #tpu.memory_space<hbm>>) dst(%arg5 : memref<4x2048xf32, #tpu.memory_space<vmem>>)
      %parallel_loop3A = arith.constant 0 : i32
      %parallel_loop3A_140 = arith.constant 2048 : i32
      %parallel_loop3A_141 = arith.constant 16 : i32
      scf.for %parallel_loop3A_603 = %parallel_loop3A to %parallel_loop3A_140 step %parallel_loop3A_141  : i32 {
        %parallel_loop3A_604 = arith.constant 0 : i32
        %parallel_loop3A_605 = arith.index_cast %parallel_loop3A_604 : i32 to index
        %parallel_loop3A_606 = arith.index_cast %parallel_loop3A_603 : i32 to index
        %parallel_loop3A_607 = tpu.vector_load %arg13[%parallel_loop3A_605, %parallel_loop3A_606] {strides = array<i32>} : memref<4x2048xf32, #tpu.memory_space<vmem>>, vector<1x16xf32>,
        %parallel_loop3A_608 = vector.shape_cast %parallel_loop3A_607 : vector<1x16xf32> to vector<16xf32>
        %parallel_loop3A_609 = arith.constant 0 : i32
        %parallel_loop3A_610 = arith.index_cast %parallel_loop3A_609 : i32 to index
        %parallel_loop3A_611 = arith.index_cast %parallel_loop3A_603 : i32 to index
        %parallel_loop3A_612 = tpu.vector_load %arg5[%parallel_loop3A_610, %parallel_loop3A_611] {strides = array<i32>} : memref<4x2048xf32, #tpu.memory_space<vmem>>, vector<1x16xf32>,
        %parallel_loop3A_613 = vector.shape_cast %parallel_loop3A_612 : vector<1x16xf32> to vector<16xf32>
        %parallel_loop3A_614 = vector.shape_cast %parallel_loop3A_608 : vector<16xf32> to vector<1x16xf32>
        tpu.vector_store %arg5[%parallel_loop3A_610, %parallel_loop3A_611], %parallel_loop3A_614 {add = true, strides = array<i32>} : memref<4x2048xf32, #tpu.memory_space<vmem>>, vector<1x16xf32>,
      } {sc.loop_unroll_factor = 8 : i64, sc.parallel_access}
      %parallel_loop3A_142 = arith.constant 0 : i32
      %parallel_loop3A_143 = arith.constant 2048 : i32
      %parallel_loop3A_144 = arith.constant 16 : i32
      scf.for %parallel_loop3A_603 = %parallel_loop3A_142 to %parallel_loop3A_143 step %parallel_loop3A_144  : i32 {
        %parallel_loop3A_604 = arith.constant 1 : i32
        %parallel_loop3A_605 = arith.index_cast %parallel_loop3A_604 : i32 to index
        %parallel_loop3A_606 = arith.index_cast %parallel_loop3A_603 : i32 to index
        %parallel_loop3A_607 = tpu.vector_load %arg13[%parallel_loop3A_605, %parallel_loop3A_606] {strides = array<i32>} : memref<4x2048xf32, #tpu.memory_space<vmem>>, vector<1x16xf32>,
        %parallel_loop3A_608 = vector.shape_cast %parallel_loop3A_607 : vector<1x16xf32> to vector<16xf32>
        %parallel_loop3A_609 = arith.constant 1 : i32
        %parallel_loop3A_610 = arith.index_cast %parallel_loop3A_609 : i32 to index
        %parallel_loop3A_611 = arith.index_cast %parallel_loop3A_603 : i32 to index
        %parallel_loop3A_612 = tpu.vector_load %arg5[%parallel_loop3A_610, %parallel_loop3A_611] {strides = array<i32>} : memref<4x2048xf32, #tpu.memory_space<vmem>>, vector<1x16xf32>,
        %parallel_loop3A_613 = vector.shape_cast %parallel_loop3A_612 : vector<1x16xf32> to vector<16xf32>
        %parallel_loop3A_614 = vector.shape_cast %parallel_loop3A_608 : vector<16xf32> to vector<1x16xf32>
        tpu.vector_store %arg5[%parallel_loop3A_610, %parallel_loop3A_611], %parallel_loop3A_614 {add = true, strides = array<i32>} : memref<4x2048xf32, #tpu.memory_space<vmem>>, vector<1x16xf32>,
      } {sc.loop_unroll_factor = 8 : i64, sc.parallel_access}
      %parallel_loop3A_145 = arith.constant 0 : i32
      %parallel_loop3A_146 = arith.constant 2048 : i32
      %parallel_loop3A_147 = arith.constant 16 : i32
      scf.for %parallel_loop3A_603 = %parallel_loop3A_145 to %parallel_loop3A_146 step %parallel_loop3A_147  : i32 {
        %parallel_loop3A_604 = arith.constant 2 : i32
        %parallel_loop3A_605 = arith.index_cast %parallel_loop3A_604 : i32 to index
        %parallel_loop3A_606 = arith.index_cast %parallel_loop3A_603 : i32 to index
        %parallel_loop3A_607 = tpu.vector_load %arg13[%parallel_loop3A_605, %parallel_loop3A_606] {strides = array<i32>} : memref<4x2048xf32, #tpu.memory_space<vmem>>, vector<1x16xf32>,
        %parallel_loop3A_608 = vector.shape_cast %parallel_loop3A_607 : vector<1x16xf32> to vector<16xf32>
        %parallel_loop3A_609 = arith.constant 2 : i32
        %parallel_loop3A_610 = arith.index_cast %parallel_loop3A_609 : i32 to index
        %parallel_loop3A_611 = arith.index_cast %parallel_loop3A_603 : i32 to index
        %parallel_loop3A_612 = tpu.vector_load %arg5[%parallel_loop3A_610, %parallel_loop3A_611] {strides = array<i32>} : memref<4x2048xf32, #tpu.memory_space<vmem>>, vector<1x16xf32>,
        %parallel_loop3A_613 = vector.shape_cast %parallel_loop3A_612 : vector<1x16xf32> to vector<16xf32>
        %parallel_loop3A_614 = vector.shape_cast %parallel_loop3A_608 : vector<16xf32> to vector<1x16xf32>
        tpu.vector_store %arg5[%parallel_loop3A_610, %parallel_loop3A_611], %parallel_loop3A_614 {add = true, strides = array<i32>} : memref<4x2048xf32, #tpu.memory_space<vmem>>, vector<1x16xf32>,
      } {sc.loop_unroll_factor = 8 : i64, sc.parallel_access}
      %parallel_loop3A_148 = arith.constant 0 : i32
      %parallel_loop3A_149 = arith.constant 2048 : i32
      %parallel_loop3A_150 = arith.constant 16 : i32
      scf.for %parallel_loop3A_603 = %parallel_loop3A_148 to %parallel_loop3A_149 step %parallel_loop3A_150  : i32 {
        %parallel_loop3A_604 = arith.constant 3 : i32
        %parallel_loop3A_605 = arith.index_cast %parallel_loop3A_604 : i32 to index
        %parallel_loop3A_606 = arith.index_cast %parallel_loop3A_603 : i32 to index
        %parallel_loop3A_607 = tpu.vector_load %arg13[%parallel_loop3A_605, %parallel_loop3A_606] {strides = array<i32>} : memref<4x2048xf32, #tpu.memory_space<vmem>>, vector<1x16xf32>,
        %parallel_loop3A_608 = vector.shape_cast %parallel_loop3A_607 : vector<1x16xf32> to vector<16xf32>
        %parallel_loop3A_609 = arith.constant 3 : i32
        %parallel_loop3A_610 = arith.index_cast %parallel_loop3A_609 : i32 to index
        %parallel_loop3A_611 = arith.index_cast %parallel_loop3A_603 : i32 to index
        %parallel_loop3A_612 = tpu.vector_load %arg5[%parallel_loop3A_610, %parallel_loop3A_611] {strides = array<i32>} : memref<4x2048xf32, #tpu.memory_space<vmem>>, vector<1x16xf32>,
        %parallel_loop3A_613 = vector.shape_cast %parallel_loop3A_612 : vector<1x16xf32> to vector<16xf32>
        %parallel_loop3A_614 = vector.shape_cast %parallel_loop3A_608 : vector<16xf32> to vector<1x16xf32>
        tpu.vector_store %arg5[%parallel_loop3A_610, %parallel_loop3A_611], %parallel_loop3A_614 {add = true, strides = array<i32>} : memref<4x2048xf32, #tpu.memory_space<vmem>>, vector<1x16xf32>,
      } {sc.loop_unroll_factor = 8 : i64, sc.parallel_access}
      %mul3A_151 = arith.constant 4 : i32
      %mul3A_152 = arith.muli %add3A_88, %mul3A_151 : i32
      %add3A_153 = arith.addi %mul3A_2, %mul3A_152 : i32
      %dma_start3A_154 = arith.constant 0 : i32
      %dma_start3A_155 = arith.constant 0 : i32
      %dma_start3A_156 = tpu.memref_slice %arg4[%dma_start3A_154, %add3A_153, %dma_start3A_155] : memref<4x4096x2048xf32, #tpu.memory_space<hbm>> -> memref<1x4x2048xf32, #tpu.memory_space<hbm>>
      %dma_start3A_157 = tpu.memref_squeeze %dma_start3A_156 : memref<1x4x2048xf32, #tpu.memory_space<hbm>> -> memref<4x2048xf32, #tpu.memory_space<hbm>>
      %dma_start3A_158 = arith.constant 0 : i32
      %dma_start3A_159 = tpu.memref_slice %arg4[%dma_start3A_154, %add3A_153, %dma_start3A_158] : memref<4x4096x2048xf32, #tpu.memory_space<hbm>> -> memref<1x4x2048xf32, #tpu.memory_space<hbm>>
      %dma_start3A_160 = tpu.memref_squeeze %dma_start3A_159 : memref<1x4x2048xf32, #tpu.memory_space<hbm>> -> memref<4x2048xf32, #tpu.memory_space<hbm>>
      tpu.enqueue_dma source(%arg5 : memref<4x2048xf32, #tpu.memory_space<vmem>>) target(%dma_start3A_160 : memref<4x2048xf32, #tpu.memory_space<hbm>>) target_semaphore(%arg23 : memref<!tpu.dma_semaphore, #tpu.memory_space<semaphore_mem>>)
      %mul3A_161 = arith.constant 2 : i32
      %mul3A_162 = arith.muli %mul3A_161, %scan3A_84 : i32
      %add3A_163 = arith.constant 0 : i32
      %add3A_164 = arith.addi %mul3A_162, %add3A_163 : i32
      %mul3A_165 = arith.constant 2 : i32
      %mul3A_166 = arith.muli %mul3A_165, %scan3A_84 : i32
      %add3A_167 = arith.constant 1 : i32
      %add3A_168 = arith.addi %mul3A_166, %add3A_167 : i32
      %add3A_169 = arith.constant 0 : i32
      %add3A_170 = arith.addi %add3A_168, %add3A_169 : i32
      %mul3A_171 = arith.constant 2 : i32
      %mul3A_172 = arith.muli %mul3A_171, %scan3A_84 : i32
      %sub3A_173 = arith.constant 1 : i32
      %sub3A_174 = arith.subi %mul3A_172, %sub3A_173 : i32
      %gt3A_175 = arith.constant 0 : i32
      %gt3A_176 = arith.cmpi sgt, %scan3A_84, %gt3A_175 : i32
      %convert_element_type3A_177 = arith.extui %gt3A_176 : i1 to i32
      %cond3A_178 = arith.constant 0 : i32
      %cond3A_179 = arith.cmpi ne, %convert_element_type3A_177, %cond3A_178 : i32
      scf.if %cond3A_179 {
        %mul3A_603 = arith.constant 4 : i32
        %mul3A_604 = arith.muli %sub3A_174, %mul3A_603 : i32
        %add3A_605 = arith.addi %mul3A_2, %mul3A_604 : i32
        %dma_wait3A_606 = arith.constant 1 : i32
        %dma_wait3A_607 = arith.constant 0 : i32
        %dma_wait3A_608 = tpu.memref_slice %arg4[%dma_wait3A_606, %add3A_605, %dma_wait3A_607] : memref<4x4096x2048xf32, #tpu.memory_space<hbm>> -> memref<1x4x2048xf32, #tpu.memory_space<hbm>>
        %dma_wait3A_609 = tpu.memref_squeeze %dma_wait3A_608 : memref<1x4x2048xf32, #tpu.memory_space<hbm>> -> memref<4x2048xf32, #tpu.memory_space<hbm>>
        %dma_wait3A_610 = arith.constant 0 : i32
        %dma_wait3A_611 = tpu.memref_slice %arg4[%dma_wait3A_606, %add3A_605, %dma_wait3A_610] : memref<4x4096x2048xf32, #tpu.memory_space<hbm>> -> memref<1x4x2048xf32, #tpu.memory_space<hbm>>
        %dma_wait3A_612 = tpu.memref_squeeze %dma_wait3A_611 : memref<1x4x2048xf32, #tpu.memory_space<hbm>> -> memref<4x2048xf32, #tpu.memory_space<hbm>>
        tpu.wait_dma2 semaphore(%arg28 : memref<!tpu.dma_semaphore, #tpu.memory_space<semaphore_mem>>) src(%arg10 : memref<4x2048xf32, #tpu.memory_space<vmem>>) dst(%dma_wait3A_612 : memref<4x2048xf32, #tpu.memory_space<hbm>>)
      } else {
      }
      %mul3A_180 = arith.constant 4 : i32
      %mul3A_181 = arith.muli %add3A_170, %mul3A_180 : i32
      %add3A_182 = arith.addi %mul3A_2, %mul3A_181 : i32
      %dma_start3A_183 = arith.constant 1 : i32
      %dma_start3A_184 = arith.constant 0 : i32
      %dma_start3A_185 = tpu.memref_slice %arg2[%dma_start3A_183, %add3A_182, %dma_start3A_184] : memref<4x4096x2048xf32, #tpu.memory_space<hbm>> -> memref<1x4x2048xf32, #tpu.memory_space<hbm>>
      %dma_start3A_186 = tpu.memref_squeeze %dma_start3A_185 : memref<1x4x2048xf32, #tpu.memory_space<hbm>> -> memref<4x2048xf32, #tpu.memory_space<hbm>>
      %dma_start3A_187 = arith.constant 0 : i32
      %dma_start3A_188 = tpu.memref_slice %arg2[%dma_start3A_183, %add3A_182, %dma_start3A_187] : memref<4x4096x2048xf32, #tpu.memory_space<hbm>> -> memref<1x4x2048xf32, #tpu.memory_space<hbm>>
      %dma_start3A_189 = tpu.memref_squeeze %dma_start3A_188 : memref<1x4x2048xf32, #tpu.memory_space<hbm>> -> memref<4x2048xf32, #tpu.memory_space<hbm>>
      tpu.enqueue_dma source(%dma_start3A_189 : memref<4x2048xf32, #tpu.memory_space<hbm>>) target(%arg10 : memref<4x2048xf32, #tpu.memory_space<vmem>>) target_semaphore(%arg20 : memref<!tpu.dma_semaphore, #tpu.memory_space<semaphore_mem>>)
      %mul3A_190 = arith.constant 4 : i32
      %mul3A_191 = arith.muli %add3A_164, %mul3A_190 : i32
      %add3A_192 = arith.addi %mul3A_2, %mul3A_191 : i32
      %dma_wait3A_193 = arith.constant 1 : i32
      %dma_wait3A_194 = arith.constant 0 : i32
      %dma_wait3A_195 = tpu.memref_slice %arg2[%dma_wait3A_193, %add3A_192, %dma_wait3A_194] : memref<4x4096x2048xf32, #tpu.memory_space<hbm>> -> memref<1x4x2048xf32, #tpu.memory_space<hbm>>
      %dma_wait3A_196 = tpu.memref_squeeze %dma_wait3A_195 : memref<1x4x2048xf32, #tpu.memory_space<hbm>> -> memref<4x2048xf32, #tpu.memory_space<hbm>>
      %dma_wait3A_197 = arith.constant 0 : i32
      %dma_wait3A_198 = tpu.memref_slice %arg2[%dma_wait3A_193, %add3A_192, %dma_wait3A_197] : memref<4x4096x2048xf32, #tpu.memory_space<hbm>> -> memref<1x4x2048xf32, #tpu.memory_space<hbm>>
      %dma_wait3A_199 = tpu.memref_squeeze %dma_wait3A_198 : memref<1x4x2048xf32, #tpu.memory_space<hbm>> -> memref<4x2048xf32, #tpu.memory_space<hbm>>
      tpu.wait_dma2 semaphore(%arg16 : memref<!tpu.dma_semaphore, #tpu.memory_space<semaphore_mem>>) src(%dma_wait3A_199 : memref<4x2048xf32, #tpu.memory_space<hbm>>) dst(%arg6 : memref<4x2048xf32, #tpu.memory_space<vmem>>)
      %parallel_loop3A_200 = arith.constant 0 : i32
      %parallel_loop3A_201 = arith.constant 2048 : i32
      %parallel_loop3A_202 = arith.constant 16 : i32
      scf.for %parallel_loop3A_603 = %parallel_loop3A_200 to %parallel_loop3A_201 step %parallel_loop3A_202  : i32 {
        %parallel_loop3A_604 = arith.constant 0 : i32
        %parallel_loop3A_605 = arith.index_cast %parallel_loop3A_604 : i32 to index
        %parallel_loop3A_606 = arith.index_cast %parallel_loop3A_603 : i32 to index
        %parallel_loop3A_607 = tpu.vector_load %arg13[%parallel_loop3A_605, %parallel_loop3A_606] {strides = array<i32>} : memref<4x2048xf32, #tpu.memory_space<vmem>>, vector<1x16xf32>,
        %parallel_loop3A_608 = vector.shape_cast %parallel_loop3A_607 : vector<1x16xf32> to vector<16xf32>
        %parallel_loop3A_609 = arith.constant 0 : i32
        %parallel_loop3A_610 = arith.index_cast %parallel_loop3A_609 : i32 to index
        %parallel_loop3A_611 = arith.index_cast %parallel_loop3A_603 : i32 to index
        %parallel_loop3A_612 = tpu.vector_load %arg6[%parallel_loop3A_610, %parallel_loop3A_611] {strides = array<i32>} : memref<4x2048xf32, #tpu.memory_space<vmem>>, vector<1x16xf32>,
        %parallel_loop3A_613 = vector.shape_cast %parallel_loop3A_612 : vector<1x16xf32> to vector<16xf32>
        %parallel_loop3A_614 = vector.shape_cast %parallel_loop3A_608 : vector<16xf32> to vector<1x16xf32>
        tpu.vector_store %arg6[%parallel_loop3A_610, %parallel_loop3A_611], %parallel_loop3A_614 {add = true, strides = array<i32>} : memref<4x2048xf32, #tpu.memory_space<vmem>>, vector<1x16xf32>,
      } {sc.loop_unroll_factor = 8 : i64, sc.parallel_access}
      %parallel_loop3A_203 = arith.constant 0 : i32
      %parallel_loop3A_204 = arith.constant 2048 : i32
      %parallel_loop3A_205 = arith.constant 16 : i32
      scf.for %parallel_loop3A_603 = %parallel_loop3A_203 to %parallel_loop3A_204 step %parallel_loop3A_205  : i32 {
        %parallel_loop3A_604 = arith.constant 1 : i32
        %parallel_loop3A_605 = arith.index_cast %parallel_loop3A_604 : i32 to index
        %parallel_loop3A_606 = arith.index_cast %parallel_loop3A_603 : i32 to index
        %parallel_loop3A_607 = tpu.vector_load %arg13[%parallel_loop3A_605, %parallel_loop3A_606] {strides = array<i32>} : memref<4x2048xf32, #tpu.memory_space<vmem>>, vector<1x16xf32>,
        %parallel_loop3A_608 = vector.shape_cast %parallel_loop3A_607 : vector<1x16xf32> to vector<16xf32>
        %parallel_loop3A_609 = arith.constant 1 : i32
        %parallel_loop3A_610 = arith.index_cast %parallel_loop3A_609 : i32 to index
        %parallel_loop3A_611 = arith.index_cast %parallel_loop3A_603 : i32 to index
        %parallel_loop3A_612 = tpu.vector_load %arg6[%parallel_loop3A_610, %parallel_loop3A_611] {strides = array<i32>} : memref<4x2048xf32, #tpu.memory_space<vmem>>, vector<1x16xf32>,
        %parallel_loop3A_613 = vector.shape_cast %parallel_loop3A_612 : vector<1x16xf32> to vector<16xf32>
        %parallel_loop3A_614 = vector.shape_cast %parallel_loop3A_608 : vector<16xf32> to vector<1x16xf32>
        tpu.vector_store %arg6[%parallel_loop3A_610, %parallel_loop3A_611], %parallel_loop3A_614 {add = true, strides = array<i32>} : memref<4x2048xf32, #tpu.memory_space<vmem>>, vector<1x16xf32>,
      } {sc.loop_unroll_factor = 8 : i64, sc.parallel_access}
      %parallel_loop3A_206 = arith.constant 0 : i32
      %parallel_loop3A_207 = arith.constant 2048 : i32
      %parallel_loop3A_208 = arith.constant 16 : i32
      scf.for %parallel_loop3A_603 = %parallel_loop3A_206 to %parallel_loop3A_207 step %parallel_loop3A_208  : i32 {
        %parallel_loop3A_604 = arith.constant 2 : i32
        %parallel_loop3A_605 = arith.index_cast %parallel_loop3A_604 : i32 to index
        %parallel_loop3A_606 = arith.index_cast %parallel_loop3A_603 : i32 to index
        %parallel_loop3A_607 = tpu.vector_load %arg13[%parallel_loop3A_605, %parallel_loop3A_606] {strides = array<i32>} : memref<4x2048xf32, #tpu.memory_space<vmem>>, vector<1x16xf32>,
        %parallel_loop3A_608 = vector.shape_cast %parallel_loop3A_607 : vector<1x16xf32> to vector<16xf32>
        %parallel_loop3A_609 = arith.constant 2 : i32
        %parallel_loop3A_610 = arith.index_cast %parallel_loop3A_609 : i32 to index
        %parallel_loop3A_611 = arith.index_cast %parallel_loop3A_603 : i32 to index
        %parallel_loop3A_612 = tpu.vector_load %arg6[%parallel_loop3A_610, %parallel_loop3A_611] {strides = array<i32>} : memref<4x2048xf32, #tpu.memory_space<vmem>>, vector<1x16xf32>,
        %parallel_loop3A_613 = vector.shape_cast %parallel_loop3A_612 : vector<1x16xf32> to vector<16xf32>
        %parallel_loop3A_614 = vector.shape_cast %parallel_loop3A_608 : vector<16xf32> to vector<1x16xf32>
        tpu.vector_store %arg6[%parallel_loop3A_610, %parallel_loop3A_611], %parallel_loop3A_614 {add = true, strides = array<i32>} : memref<4x2048xf32, #tpu.memory_space<vmem>>, vector<1x16xf32>,
      } {sc.loop_unroll_factor = 8 : i64, sc.parallel_access}
      %parallel_loop3A_209 = arith.constant 0 : i32
      %parallel_loop3A_210 = arith.constant 2048 : i32
      %parallel_loop3A_211 = arith.constant 16 : i32
      scf.for %parallel_loop3A_603 = %parallel_loop3A_209 to %parallel_loop3A_210 step %parallel_loop3A_211  : i32 {
        %parallel_loop3A_604 = arith.constant 3 : i32
        %parallel_loop3A_605 = arith.index_cast %parallel_loop3A_604 : i32 to index
        %parallel_loop3A_606 = arith.index_cast %parallel_loop3A_603 : i32 to index
        %parallel_loop3A_607 = tpu.vector_load %arg13[%parallel_loop3A_605, %parallel_loop3A_606] {strides = array<i32>} : memref<4x2048xf32, #tpu.memory_space<vmem>>, vector<1x16xf32>,
        %parallel_loop3A_608 = vector.shape_cast %parallel_loop3A_607 : vector<1x16xf32> to vector<16xf32>
        %parallel_loop3A_609 = arith.constant 3 : i32
        %parallel_loop3A_610 = arith.index_cast %parallel_loop3A_609 : i32 to index
        %parallel_loop3A_611 = arith.index_cast %parallel_loop3A_603 : i32 to index
        %parallel_loop3A_612 = tpu.vector_load %arg6[%parallel_loop3A_610, %parallel_loop3A_611] {strides = array<i32>} : memref<4x2048xf32, #tpu.memory_space<vmem>>, vector<1x16xf32>,
        %parallel_loop3A_613 = vector.shape_cast %parallel_loop3A_612 : vector<1x16xf32> to vector<16xf32>
        %parallel_loop3A_614 = vector.shape_cast %parallel_loop3A_608 : vector<16xf32> to vector<1x16xf32>
        tpu.vector_store %arg6[%parallel_loop3A_610, %parallel_loop3A_611], %parallel_loop3A_614 {add = true, strides = array<i32>} : memref<4x2048xf32, #tpu.memory_space<vmem>>, vector<1x16xf32>,
      } {sc.loop_unroll_factor = 8 : i64, sc.parallel_access}
      %mul3A_212 = arith.constant 4 : i32
      %mul3A_213 = arith.muli %add3A_164, %mul3A_212 : i32
      %add3A_214 = arith.addi %mul3A_2, %mul3A_213 : i32
      %dma_start3A_215 = arith.constant 1 : i32
      %dma_start3A_216 = arith.constant 0 : i32
      %dma_start3A_217 = tpu.memref_slice %arg4[%dma_start3A_215, %add3A_214, %dma_start3A_216] : memref<4x4096x2048xf32, #tpu.memory_space<hbm>> -> memref<1x4x2048xf32, #tpu.memory_space<hbm>>
      %dma_start3A_218 = tpu.memref_squeeze %dma_start3A_217 : memref<1x4x2048xf32, #tpu.memory_space<hbm>> -> memref<4x2048xf32, #tpu.memory_space<hbm>>
      %dma_start3A_219 = arith.constant 0 : i32
      %dma_start3A_220 = tpu.memref_slice %arg4[%dma_start3A_215, %add3A_214, %dma_start3A_219] : memref<4x4096x2048xf32, #tpu.memory_space<hbm>> -> memref<1x4x2048xf32, #tpu.memory_space<hbm>>
      %dma_start3A_221 = tpu.memref_squeeze %dma_start3A_220 : memref<1x4x2048xf32, #tpu.memory_space<hbm>> -> memref<4x2048xf32, #tpu.memory_space<hbm>>
      tpu.enqueue_dma source(%arg6 : memref<4x2048xf32, #tpu.memory_space<vmem>>) target(%dma_start3A_221 : memref<4x2048xf32, #tpu.memory_space<hbm>>) target_semaphore(%arg24 : memref<!tpu.dma_semaphore, #tpu.memory_space<semaphore_mem>>)
      %mul3A_222 = arith.constant 2 : i32
      %mul3A_223 = arith.muli %mul3A_222, %scan3A_84 : i32
      %add3A_224 = arith.constant 0 : i32
      %add3A_225 = arith.addi %mul3A_223, %add3A_224 : i32
      %mul3A_226 = arith.constant 2 : i32
      %mul3A_227 = arith.muli %mul3A_226, %scan3A_84 : i32
      %add3A_228 = arith.constant 1 : i32
      %add3A_229 = arith.addi %mul3A_227, %add3A_228 : i32
      %add3A_230 = arith.constant 0 : i32
      %add3A_231 = arith.addi %add3A_229, %add3A_230 : i32
      %mul3A_232 = arith.constant 2 : i32
      %mul3A_233 = arith.muli %mul3A_232, %scan3A_84 : i32
      %sub3A_234 = arith.constant 1 : i32
      %sub3A_235 = arith.subi %mul3A_233, %sub3A_234 : i32
      %gt3A_236 = arith.constant 0 : i32
      %gt3A_237 = arith.cmpi sgt, %scan3A_84, %gt3A_236 : i32
      %convert_element_type3A_238 = arith.extui %gt3A_237 : i1 to i32
      %cond3A_239 = arith.constant 0 : i32
      %cond3A_240 = arith.cmpi ne, %convert_element_type3A_238, %cond3A_239 : i32
      scf.if %cond3A_240 {
        %mul3A_603 = arith.constant 4 : i32
        %mul3A_604 = arith.muli %sub3A_235, %mul3A_603 : i32
        %add3A_605 = arith.addi %mul3A_2, %mul3A_604 : i32
        %dma_wait3A_606 = arith.constant 2 : i32
        %dma_wait3A_607 = arith.constant 0 : i32
        %dma_wait3A_608 = tpu.memref_slice %arg4[%dma_wait3A_606, %add3A_605, %dma_wait3A_607] : memref<4x4096x2048xf32, #tpu.memory_space<hbm>> -> memref<1x4x2048xf32, #tpu.memory_space<hbm>>
        %dma_wait3A_609 = tpu.memref_squeeze %dma_wait3A_608 : memref<1x4x2048xf32, #tpu.memory_space<hbm>> -> memref<4x2048xf32, #tpu.memory_space<hbm>>
        %dma_wait3A_610 = arith.constant 0 : i32
        %dma_wait3A_611 = tpu.memref_slice %arg4[%dma_wait3A_606, %add3A_605, %dma_wait3A_610] : memref<4x4096x2048xf32, #tpu.memory_space<hbm>> -> memref<1x4x2048xf32, #tpu.memory_space<hbm>>
        %dma_wait3A_612 = tpu.memref_squeeze %dma_wait3A_611 : memref<1x4x2048xf32, #tpu.memory_space<hbm>> -> memref<4x2048xf32, #tpu.memory_space<hbm>>
        tpu.wait_dma2 semaphore(%arg29 : memref<!tpu.dma_semaphore, #tpu.memory_space<semaphore_mem>>) src(%arg11 : memref<4x2048xf32, #tpu.memory_space<vmem>>) dst(%dma_wait3A_612 : memref<4x2048xf32, #tpu.memory_space<hbm>>)
      } else {
      }
      %mul3A_241 = arith.constant 4 : i32
      %mul3A_242 = arith.muli %add3A_231, %mul3A_241 : i32
      %add3A_243 = arith.addi %mul3A_2, %mul3A_242 : i32
      %dma_start3A_244 = arith.constant 2 : i32
      %dma_start3A_245 = arith.constant 0 : i32
      %dma_start3A_246 = tpu.memref_slice %arg2[%dma_start3A_244, %add3A_243, %dma_start3A_245] : memref<4x4096x2048xf32, #tpu.memory_space<hbm>> -> memref<1x4x2048xf32, #tpu.memory_space<hbm>>
      %dma_start3A_247 = tpu.memref_squeeze %dma_start3A_246 : memref<1x4x2048xf32, #tpu.memory_space<hbm>> -> memref<4x2048xf32, #tpu.memory_space<hbm>>
      %dma_start3A_248 = arith.constant 0 : i32
      %dma_start3A_249 = tpu.memref_slice %arg2[%dma_start3A_244, %add3A_243, %dma_start3A_248] : memref<4x4096x2048xf32, #tpu.memory_space<hbm>> -> memref<1x4x2048xf32, #tpu.memory_space<hbm>>
      %dma_start3A_250 = tpu.memref_squeeze %dma_start3A_249 : memref<1x4x2048xf32, #tpu.memory_space<hbm>> -> memref<4x2048xf32, #tpu.memory_space<hbm>>
      tpu.enqueue_dma source(%dma_start3A_250 : memref<4x2048xf32, #tpu.memory_space<hbm>>) target(%arg11 : memref<4x2048xf32, #tpu.memory_space<vmem>>) target_semaphore(%arg21 : memref<!tpu.dma_semaphore, #tpu.memory_space<semaphore_mem>>)
      %mul3A_251 = arith.constant 4 : i32
      %mul3A_252 = arith.muli %add3A_225, %mul3A_251 : i32
      %add3A_253 = arith.addi %mul3A_2, %mul3A_252 : i32
      %dma_wait3A_254 = arith.constant 2 : i32
      %dma_wait3A_255 = arith.constant 0 : i32
      %dma_wait3A_256 = tpu.memref_slice %arg2[%dma_wait3A_254, %add3A_253, %dma_wait3A_255] : memref<4x4096x2048xf32, #tpu.memory_space<hbm>> -> memref<1x4x2048xf32, #tpu.memory_space<hbm>>
      %dma_wait3A_257 = tpu.memref_squeeze %dma_wait3A_256 : memref<1x4x2048xf32, #tpu.memory_space<hbm>> -> memref<4x2048xf32, #tpu.memory_space<hbm>>
      %dma_wait3A_258 = arith.constant 0 : i32
      %dma_wait3A_259 = tpu.memref_slice %arg2[%dma_wait3A_254, %add3A_253, %dma_wait3A_258] : memref<4x4096x2048xf32, #tpu.memory_space<hbm>> -> memref<1x4x2048xf32, #tpu.memory_space<hbm>>
      %dma_wait3A_260 = tpu.memref_squeeze %dma_wait3A_259 : memref<1x4x2048xf32, #tpu.memory_space<hbm>> -> memref<4x2048xf32, #tpu.memory_space<hbm>>
      tpu.wait_dma2 semaphore(%arg17 : memref<!tpu.dma_semaphore, #tpu.memory_space<semaphore_mem>>) src(%dma_wait3A_260 : memref<4x2048xf32, #tpu.memory_space<hbm>>) dst(%arg7 : memref<4x2048xf32, #tpu.memory_space<vmem>>)
      %parallel_loop3A_261 = arith.constant 0 : i32
      %parallel_loop3A_262 = arith.constant 2048 : i32
      %parallel_loop3A_263 = arith.constant 16 : i32
      scf.for %parallel_loop3A_603 = %parallel_loop3A_261 to %parallel_loop3A_262 step %parallel_loop3A_263  : i32 {
        %parallel_loop3A_604 = arith.constant 0 : i32
        %parallel_loop3A_605 = arith.index_cast %parallel_loop3A_604 : i32 to index
        %parallel_loop3A_606 = arith.index_cast %parallel_loop3A_603 : i32 to index
        %parallel_loop3A_607 = tpu.vector_load %arg13[%parallel_loop3A_605, %parallel_loop3A_606] {strides = array<i32>} : memref<4x2048xf32, #tpu.memory_space<vmem>>, vector<1x16xf32>,
        %parallel_loop3A_608 = vector.shape_cast %parallel_loop3A_607 : vector<1x16xf32> to vector<16xf32>
        %parallel_loop3A_609 = arith.constant 0 : i32
        %parallel_loop3A_610 = arith.index_cast %parallel_loop3A_609 : i32 to index
        %parallel_loop3A_611 = arith.index_cast %parallel_loop3A_603 : i32 to index
        %parallel_loop3A_612 = tpu.vector_load %arg7[%parallel_loop3A_610, %parallel_loop3A_611] {strides = array<i32>} : memref<4x2048xf32, #tpu.memory_space<vmem>>, vector<1x16xf32>,
        %parallel_loop3A_613 = vector.shape_cast %parallel_loop3A_612 : vector<1x16xf32> to vector<16xf32>
        %parallel_loop3A_614 = vector.shape_cast %parallel_loop3A_608 : vector<16xf32> to vector<1x16xf32>
        tpu.vector_store %arg7[%parallel_loop3A_610, %parallel_loop3A_611], %parallel_loop3A_614 {add = true, strides = array<i32>} : memref<4x2048xf32, #tpu.memory_space<vmem>>, vector<1x16xf32>,
      } {sc.loop_unroll_factor = 8 : i64, sc.parallel_access}
      %parallel_loop3A_264 = arith.constant 0 : i32
      %parallel_loop3A_265 = arith.constant 2048 : i32
      %parallel_loop3A_266 = arith.constant 16 : i32
      scf.for %parallel_loop3A_603 = %parallel_loop3A_264 to %parallel_loop3A_265 step %parallel_loop3A_266  : i32 {
        %parallel_loop3A_604 = arith.constant 1 : i32
        %parallel_loop3A_605 = arith.index_cast %parallel_loop3A_604 : i32 to index
        %parallel_loop3A_606 = arith.index_cast %parallel_loop3A_603 : i32 to index
        %parallel_loop3A_607 = tpu.vector_load %arg13[%parallel_loop3A_605, %parallel_loop3A_606] {strides = array<i32>} : memref<4x2048xf32, #tpu.memory_space<vmem>>, vector<1x16xf32>,
        %parallel_loop3A_608 = vector.shape_cast %parallel_loop3A_607 : vector<1x16xf32> to vector<16xf32>
        %parallel_loop3A_609 = arith.constant 1 : i32
        %parallel_loop3A_610 = arith.index_cast %parallel_loop3A_609 : i32 to index
        %parallel_loop3A_611 = arith.index_cast %parallel_loop3A_603 : i32 to index
        %parallel_loop3A_612 = tpu.vector_load %arg7[%parallel_loop3A_610, %parallel_loop3A_611] {strides = array<i32>} : memref<4x2048xf32, #tpu.memory_space<vmem>>, vector<1x16xf32>,
        %parallel_loop3A_613 = vector.shape_cast %parallel_loop3A_612 : vector<1x16xf32> to vector<16xf32>
        %parallel_loop3A_614 = vector.shape_cast %parallel_loop3A_608 : vector<16xf32> to vector<1x16xf32>
        tpu.vector_store %arg7[%parallel_loop3A_610, %parallel_loop3A_611], %parallel_loop3A_614 {add = true, strides = array<i32>} : memref<4x2048xf32, #tpu.memory_space<vmem>>, vector<1x16xf32>,
      } {sc.loop_unroll_factor = 8 : i64, sc.parallel_access}
      %parallel_loop3A_267 = arith.constant 0 : i32
      %parallel_loop3A_268 = arith.constant 2048 : i32
      %parallel_loop3A_269 = arith.constant 16 : i32
      scf.for %parallel_loop3A_603 = %parallel_loop3A_267 to %parallel_loop3A_268 step %parallel_loop3A_269  : i32 {
        %parallel_loop3A_604 = arith.constant 2 : i32
        %parallel_loop3A_605 = arith.index_cast %parallel_loop3A_604 : i32 to index
        %parallel_loop3A_606 = arith.index_cast %parallel_loop3A_603 : i32 to index
        %parallel_loop3A_607 = tpu.vector_load %arg13[%parallel_loop3A_605, %parallel_loop3A_606] {strides = array<i32>} : memref<4x2048xf32, #tpu.memory_space<vmem>>, vector<1x16xf32>,
        %parallel_loop3A_608 = vector.shape_cast %parallel_loop3A_607 : vector<1x16xf32> to vector<16xf32>
        %parallel_loop3A_609 = arith.constant 2 : i32
        %parallel_loop3A_610 = arith.index_cast %parallel_loop3A_609 : i32 to index
        %parallel_loop3A_611 = arith.index_cast %parallel_loop3A_603 : i32 to index
        %parallel_loop3A_612 = tpu.vector_load %arg7[%parallel_loop3A_610, %parallel_loop3A_611] {strides = array<i32>} : memref<4x2048xf32, #tpu.memory_space<vmem>>, vector<1x16xf32>,
        %parallel_loop3A_613 = vector.shape_cast %parallel_loop3A_612 : vector<1x16xf32> to vector<16xf32>
        %parallel_loop3A_614 = vector.shape_cast %parallel_loop3A_608 : vector<16xf32> to vector<1x16xf32>
        tpu.vector_store %arg7[%parallel_loop3A_610, %parallel_loop3A_611], %parallel_loop3A_614 {add = true, strides = array<i32>} : memref<4x2048xf32, #tpu.memory_space<vmem>>, vector<1x16xf32>,
      } {sc.loop_unroll_factor = 8 : i64, sc.parallel_access}
      %parallel_loop3A_270 = arith.constant 0 : i32
      %parallel_loop3A_271 = arith.constant 2048 : i32
      %parallel_loop3A_272 = arith.constant 16 : i32
      scf.for %parallel_loop3A_603 = %parallel_loop3A_270 to %parallel_loop3A_271 step %parallel_loop3A_272  : i32 {
        %parallel_loop3A_604 = arith.constant 3 : i32
        %parallel_loop3A_605 = arith.index_cast %parallel_loop3A_604 : i32 to index
        %parallel_loop3A_606 = arith.index_cast %parallel_loop3A_603 : i32 to index
        %parallel_loop3A_607 = tpu.vector_load %arg13[%parallel_loop3A_605, %parallel_loop3A_606] {strides = array<i32>} : memref<4x2048xf32, #tpu.memory_space<vmem>>, vector<1x16xf32>,
        %parallel_loop3A_608 = vector.shape_cast %parallel_loop3A_607 : vector<1x16xf32> to vector<16xf32>
        %parallel_loop3A_609 = arith.constant 3 : i32
        %parallel_loop3A_610 = arith.index_cast %parallel_loop3A_609 : i32 to index
        %parallel_loop3A_611 = arith.index_cast %parallel_loop3A_603 : i32 to index
        %parallel_loop3A_612 = tpu.vector_load %arg7[%parallel_loop3A_610, %parallel_loop3A_611] {strides = array<i32>} : memref<4x2048xf32, #tpu.memory_space<vmem>>, vector<1x16xf32>,
        %parallel_loop3A_613 = vector.shape_cast %parallel_loop3A_612 : vector<1x16xf32> to vector<16xf32>
        %parallel_loop3A_614 = vector.shape_cast %parallel_loop3A_608 : vector<16xf32> to vector<1x16xf32>
        tpu.vector_store %arg7[%parallel_loop3A_610, %parallel_loop3A_611], %parallel_loop3A_614 {add = true, strides = array<i32>} : memref<4x2048xf32, #tpu.memory_space<vmem>>, vector<1x16xf32>,
      } {sc.loop_unroll_factor = 8 : i64, sc.parallel_access}
      %mul3A_273 = arith.constant 4 : i32
      %mul3A_274 = arith.muli %add3A_225, %mul3A_273 : i32
      %add3A_275 = arith.addi %mul3A_2, %mul3A_274 : i32
      %dma_start3A_276 = arith.constant 2 : i32
      %dma_start3A_277 = arith.constant 0 : i32
      %dma_start3A_278 = tpu.memref_slice %arg4[%dma_start3A_276, %add3A_275, %dma_start3A_277] : memref<4x4096x2048xf32, #tpu.memory_space<hbm>> -> memref<1x4x2048xf32, #tpu.memory_space<hbm>>
      %dma_start3A_279 = tpu.memref_squeeze %dma_start3A_278 : memref<1x4x2048xf32, #tpu.memory_space<hbm>> -> memref<4x2048xf32, #tpu.memory_space<hbm>>
      %dma_start3A_280 = arith.constant 0 : i32
      %dma_start3A_281 = tpu.memref_slice %arg4[%dma_start3A_276, %add3A_275, %dma_start3A_280] : memref<4x4096x2048xf32, #tpu.memory_space<hbm>> -> memref<1x4x2048xf32, #tpu.memory_space<hbm>>
      %dma_start3A_282 = tpu.memref_squeeze %dma_start3A_281 : memref<1x4x2048xf32, #tpu.memory_space<hbm>> -> memref<4x2048xf32, #tpu.memory_space<hbm>>
      tpu.enqueue_dma source(%arg7 : memref<4x2048xf32, #tpu.memory_space<vmem>>) target(%dma_start3A_282 : memref<4x2048xf32, #tpu.memory_space<hbm>>) target_semaphore(%arg25 : memref<!tpu.dma_semaphore, #tpu.memory_space<semaphore_mem>>)
      %mul3A_283 = arith.constant 2 : i32
      %mul3A_284 = arith.muli %mul3A_283, %scan3A_84 : i32
      %add3A_285 = arith.constant 0 : i32
      %add3A_286 = arith.addi %mul3A_284, %add3A_285 : i32
      %mul3A_287 = arith.constant 2 : i32
      %mul3A_288 = arith.muli %mul3A_287, %scan3A_84 : i32
      %add3A_289 = arith.constant 1 : i32
      %add3A_290 = arith.addi %mul3A_288, %add3A_289 : i32
      %add3A_291 = arith.constant 0 : i32
      %add3A_292 = arith.addi %add3A_290, %add3A_291 : i32
      %mul3A_293 = arith.constant 2 : i32
      %mul3A_294 = arith.muli %mul3A_293, %scan3A_84 : i32
      %sub3A_295 = arith.constant 1 : i32
      %sub3A_296 = arith.subi %mul3A_294, %sub3A_295 : i32
      %gt3A_297 = arith.constant 0 : i32
      %gt3A_298 = arith.cmpi sgt, %scan3A_84, %gt3A_297 : i32
      %convert_element_type3A_299 = arith.extui %gt3A_298 : i1 to i32
      %cond3A_300 = arith.constant 0 : i32
      %cond3A_301 = arith.cmpi ne, %convert_element_type3A_299, %cond3A_300 : i32
      scf.if %cond3A_301 {
        %mul3A_603 = arith.constant 4 : i32
        %mul3A_604 = arith.muli %sub3A_296, %mul3A_603 : i32
        %add3A_605 = arith.addi %mul3A_2, %mul3A_604 : i32
        %dma_wait3A_606 = arith.constant 3 : i32
        %dma_wait3A_607 = arith.constant 0 : i32
        %dma_wait3A_608 = tpu.memref_slice %arg4[%dma_wait3A_606, %add3A_605, %dma_wait3A_607] : memref<4x4096x2048xf32, #tpu.memory_space<hbm>> -> memref<1x4x2048xf32, #tpu.memory_space<hbm>>
        %dma_wait3A_609 = tpu.memref_squeeze %dma_wait3A_608 : memref<1x4x2048xf32, #tpu.memory_space<hbm>> -> memref<4x2048xf32, #tpu.memory_space<hbm>>
        %dma_wait3A_610 = arith.constant 0 : i32
        %dma_wait3A_611 = tpu.memref_slice %arg4[%dma_wait3A_606, %add3A_605, %dma_wait3A_610] : memref<4x4096x2048xf32, #tpu.memory_space<hbm>> -> memref<1x4x2048xf32, #tpu.memory_space<hbm>>
        %dma_wait3A_612 = tpu.memref_squeeze %dma_wait3A_611 : memref<1x4x2048xf32, #tpu.memory_space<hbm>> -> memref<4x2048xf32, #tpu.memory_space<hbm>>
        tpu.wait_dma2 semaphore(%arg30 : memref<!tpu.dma_semaphore, #tpu.memory_space<semaphore_mem>>) src(%arg12 : memref<4x2048xf32, #tpu.memory_space<vmem>>) dst(%dma_wait3A_612 : memref<4x2048xf32, #tpu.memory_space<hbm>>)
      } else {
      }
      %mul3A_302 = arith.constant 4 : i32
      %mul3A_303 = arith.muli %add3A_292, %mul3A_302 : i32
      %add3A_304 = arith.addi %mul3A_2, %mul3A_303 : i32
      %dma_start3A_305 = arith.constant 3 : i32
      %dma_start3A_306 = arith.constant 0 : i32
      %dma_start3A_307 = tpu.memref_slice %arg2[%dma_start3A_305, %add3A_304, %dma_start3A_306] : memref<4x4096x2048xf32, #tpu.memory_space<hbm>> -> memref<1x4x2048xf32, #tpu.memory_space<hbm>>
      %dma_start3A_308 = tpu.memref_squeeze %dma_start3A_307 : memref<1x4x2048xf32, #tpu.memory_space<hbm>> -> memref<4x2048xf32, #tpu.memory_space<hbm>>
      %dma_start3A_309 = arith.constant 0 : i32
      %dma_start3A_310 = tpu.memref_slice %arg2[%dma_start3A_305, %add3A_304, %dma_start3A_309] : memref<4x4096x2048xf32, #tpu.memory_space<hbm>> -> memref<1x4x2048xf32, #tpu.memory_space<hbm>>
      %dma_start3A_311 = tpu.memref_squeeze %dma_start3A_310 : memref<1x4x2048xf32, #tpu.memory_space<hbm>> -> memref<4x2048xf32, #tpu.memory_space<hbm>>
      tpu.enqueue_dma source(%dma_start3A_311 : memref<4x2048xf32, #tpu.memory_space<hbm>>) target(%arg12 : memref<4x2048xf32, #tpu.memory_space<vmem>>) target_semaphore(%arg22 : memref<!tpu.dma_semaphore, #tpu.memory_space<semaphore_mem>>)
      %mul3A_312 = arith.constant 4 : i32
      %mul3A_313 = arith.muli %add3A_286, %mul3A_312 : i32
      %add3A_314 = arith.addi %mul3A_2, %mul3A_313 : i32
      %dma_wait3A_315 = arith.constant 3 : i32
      %dma_wait3A_316 = arith.constant 0 : i32
      %dma_wait3A_317 = tpu.memref_slice %arg2[%dma_wait3A_315, %add3A_314, %dma_wait3A_316] : memref<4x4096x2048xf32, #tpu.memory_space<hbm>> -> memref<1x4x2048xf32, #tpu.memory_space<hbm>>
      %dma_wait3A_318 = tpu.memref_squeeze %dma_wait3A_317 : memref<1x4x2048xf32, #tpu.memory_space<hbm>> -> memref<4x2048xf32, #tpu.memory_space<hbm>>
      %dma_wait3A_319 = arith.constant 0 : i32
      %dma_wait3A_320 = tpu.memref_slice %arg2[%dma_wait3A_315, %add3A_314, %dma_wait3A_319] : memref<4x4096x2048xf32, #tpu.memory_space<hbm>> -> memref<1x4x2048xf32, #tpu.memory_space<hbm>>
      %dma_wait3A_321 = tpu.memref_squeeze %dma_wait3A_320 : memref<1x4x2048xf32, #tpu.memory_space<hbm>> -> memref<4x2048xf32, #tpu.memory_space<hbm>>
      tpu.wait_dma2 semaphore(%arg18 : memref<!tpu.dma_semaphore, #tpu.memory_space<semaphore_mem>>) src(%dma_wait3A_321 : memref<4x2048xf32, #tpu.memory_space<hbm>>) dst(%arg8 : memref<4x2048xf32, #tpu.memory_space<vmem>>)
      %parallel_loop3A_322 = arith.constant 0 : i32
      %parallel_loop3A_323 = arith.constant 2048 : i32
      %parallel_loop3A_324 = arith.constant 16 : i32
      scf.for %parallel_loop3A_603 = %parallel_loop3A_322 to %parallel_loop3A_323 step %parallel_loop3A_324  : i32 {
        %parallel_loop3A_604 = arith.constant 0 : i32
        %parallel_loop3A_605 = arith.index_cast %parallel_loop3A_604 : i32 to index
        %parallel_loop3A_606 = arith.index_cast %parallel_loop3A_603 : i32 to index
        %parallel_loop3A_607 = tpu.vector_load %arg13[%parallel_loop3A_605, %parallel_loop3A_606] {strides = array<i32>} : memref<4x2048xf32, #tpu.memory_space<vmem>>, vector<1x16xf32>,
        %parallel_loop3A_608 = vector.shape_cast %parallel_loop3A_607 : vector<1x16xf32> to vector<16xf32>
        %parallel_loop3A_609 = arith.constant 0 : i32
        %parallel_loop3A_610 = arith.index_cast %parallel_loop3A_609 : i32 to index
        %parallel_loop3A_611 = arith.index_cast %parallel_loop3A_603 : i32 to index
        %parallel_loop3A_612 = tpu.vector_load %arg8[%parallel_loop3A_610, %parallel_loop3A_611] {strides = array<i32>} : memref<4x2048xf32, #tpu.memory_space<vmem>>, vector<1x16xf32>,
        %parallel_loop3A_613 = vector.shape_cast %parallel_loop3A_612 : vector<1x16xf32> to vector<16xf32>
        %parallel_loop3A_614 = vector.shape_cast %parallel_loop3A_608 : vector<16xf32> to vector<1x16xf32>
        tpu.vector_store %arg8[%parallel_loop3A_610, %parallel_loop3A_611], %parallel_loop3A_614 {add = true, strides = array<i32>} : memref<4x2048xf32, #tpu.memory_space<vmem>>, vector<1x16xf32>,
      } {sc.loop_unroll_factor = 8 : i64, sc.parallel_access}
      %parallel_loop3A_325 = arith.constant 0 : i32
      %parallel_loop3A_326 = arith.constant 2048 : i32
      %parallel_loop3A_327 = arith.constant 16 : i32
      scf.for %parallel_loop3A_603 = %parallel_loop3A_325 to %parallel_loop3A_326 step %parallel_loop3A_327  : i32 {
        %parallel_loop3A_604 = arith.constant 1 : i32
        %parallel_loop3A_605 = arith.index_cast %parallel_loop3A_604 : i32 to index
        %parallel_loop3A_606 = arith.index_cast %parallel_loop3A_603 : i32 to index
        %parallel_loop3A_607 = tpu.vector_load %arg13[%parallel_loop3A_605, %parallel_loop3A_606] {strides = array<i32>} : memref<4x2048xf32, #tpu.memory_space<vmem>>, vector<1x16xf32>,
        %parallel_loop3A_608 = vector.shape_cast %parallel_loop3A_607 : vector<1x16xf32> to vector<16xf32>
        %parallel_loop3A_609 = arith.constant 1 : i32
        %parallel_loop3A_610 = arith.index_cast %parallel_loop3A_609 : i32 to index
        %parallel_loop3A_611 = arith.index_cast %parallel_loop3A_603 : i32 to index
        %parallel_loop3A_612 = tpu.vector_load %arg8[%parallel_loop3A_610, %parallel_loop3A_611] {strides = array<i32>} : memref<4x2048xf32, #tpu.memory_space<vmem>>, vector<1x16xf32>,
        %parallel_loop3A_613 = vector.shape_cast %parallel_loop3A_612 : vector<1x16xf32> to vector<16xf32>
        %parallel_loop3A_614 = vector.shape_cast %parallel_loop3A_608 : vector<16xf32> to vector<1x16xf32>
        tpu.vector_store %arg8[%parallel_loop3A_610, %parallel_loop3A_611], %parallel_loop3A_614 {add = true, strides = array<i32>} : memref<4x2048xf32, #tpu.memory_space<vmem>>, vector<1x16xf32>,
      } {sc.loop_unroll_factor = 8 : i64, sc.parallel_access}
      %parallel_loop3A_328 = arith.constant 0 : i32
      %parallel_loop3A_329 = arith.constant 2048 : i32
      %parallel_loop3A_330 = arith.constant 16 : i32
      scf.for %parallel_loop3A_603 = %parallel_loop3A_328 to %parallel_loop3A_329 step %parallel_loop3A_330  : i32 {
        %parallel_loop3A_604 = arith.constant 2 : i32
        %parallel_loop3A_605 = arith.index_cast %parallel_loop3A_604 : i32 to index
        %parallel_loop3A_606 = arith.index_cast %parallel_loop3A_603 : i32 to index
        %parallel_loop3A_607 = tpu.vector_load %arg13[%parallel_loop3A_605, %parallel_loop3A_606] {strides = array<i32>} : memref<4x2048xf32, #tpu.memory_space<vmem>>, vector<1x16xf32>,
        %parallel_loop3A_608 = vector.shape_cast %parallel_loop3A_607 : vector<1x16xf32> to vector<16xf32>
        %parallel_loop3A_609 = arith.constant 2 : i32
        %parallel_loop3A_610 = arith.index_cast %parallel_loop3A_609 : i32 to index
        %parallel_loop3A_611 = arith.index_cast %parallel_loop3A_603 : i32 to index
        %parallel_loop3A_612 = tpu.vector_load %arg8[%parallel_loop3A_610, %parallel_loop3A_611] {strides = array<i32>} : memref<4x2048xf32, #tpu.memory_space<vmem>>, vector<1x16xf32>,
        %parallel_loop3A_613 = vector.shape_cast %parallel_loop3A_612 : vector<1x16xf32> to vector<16xf32>
        %parallel_loop3A_614 = vector.shape_cast %parallel_loop3A_608 : vector<16xf32> to vector<1x16xf32>
        tpu.vector_store %arg8[%parallel_loop3A_610, %parallel_loop3A_611], %parallel_loop3A_614 {add = true, strides = array<i32>} : memref<4x2048xf32, #tpu.memory_space<vmem>>, vector<1x16xf32>,
      } {sc.loop_unroll_factor = 8 : i64, sc.parallel_access}
      %parallel_loop3A_331 = arith.constant 0 : i32
      %parallel_loop3A_332 = arith.constant 2048 : i32
      %parallel_loop3A_333 = arith.constant 16 : i32
      scf.for %parallel_loop3A_603 = %parallel_loop3A_331 to %parallel_loop3A_332 step %parallel_loop3A_333  : i32 {
        %parallel_loop3A_604 = arith.constant 3 : i32
        %parallel_loop3A_605 = arith.index_cast %parallel_loop3A_604 : i32 to index
        %parallel_loop3A_606 = arith.index_cast %parallel_loop3A_603 : i32 to index
        %parallel_loop3A_607 = tpu.vector_load %arg13[%parallel_loop3A_605, %parallel_loop3A_606] {strides = array<i32>} : memref<4x2048xf32, #tpu.memory_space<vmem>>, vector<1x16xf32>,
        %parallel_loop3A_608 = vector.shape_cast %parallel_loop3A_607 : vector<1x16xf32> to vector<16xf32>
        %parallel_loop3A_609 = arith.constant 3 : i32
        %parallel_loop3A_610 = arith.index_cast %parallel_loop3A_609 : i32 to index
        %parallel_loop3A_611 = arith.index_cast %parallel_loop3A_603 : i32 to index
        %parallel_loop3A_612 = tpu.vector_load %arg8[%parallel_loop3A_610, %parallel_loop3A_611] {strides = array<i32>} : memref<4x2048xf32, #tpu.memory_space<vmem>>, vector<1x16xf32>,
        %parallel_loop3A_613 = vector.shape_cast %parallel_loop3A_612 : vector<1x16xf32> to vector<16xf32>
        %parallel_loop3A_614 = vector.shape_cast %parallel_loop3A_608 : vector<16xf32> to vector<1x16xf32>
        tpu.vector_store %arg8[%parallel_loop3A_610, %parallel_loop3A_611], %parallel_loop3A_614 {add = true, strides = array<i32>} : memref<4x2048xf32, #tpu.memory_space<vmem>>, vector<1x16xf32>,
      } {sc.loop_unroll_factor = 8 : i64, sc.parallel_access}
      %mul3A_334 = arith.constant 4 : i32
      %mul3A_335 = arith.muli %add3A_286, %mul3A_334 : i32
      %add3A_336 = arith.addi %mul3A_2, %mul3A_335 : i32
      %dma_start3A_337 = arith.constant 3 : i32
      %dma_start3A_338 = arith.constant 0 : i32
      %dma_start3A_339 = tpu.memref_slice %arg4[%dma_start3A_337, %add3A_336, %dma_start3A_338] : memref<4x4096x2048xf32, #tpu.memory_space<hbm>> -> memref<1x4x2048xf32, #tpu.memory_space<hbm>>
      %dma_start3A_340 = tpu.memref_squeeze %dma_start3A_339 : memref<1x4x2048xf32, #tpu.memory_space<hbm>> -> memref<4x2048xf32, #tpu.memory_space<hbm>>
      %dma_start3A_341 = arith.constant 0 : i32
      %dma_start3A_342 = tpu.memref_slice %arg4[%dma_start3A_337, %add3A_336, %dma_start3A_341] : memref<4x4096x2048xf32, #tpu.memory_space<hbm>> -> memref<1x4x2048xf32, #tpu.memory_space<hbm>>
      %dma_start3A_343 = tpu.memref_squeeze %dma_start3A_342 : memref<1x4x2048xf32, #tpu.memory_space<hbm>> -> memref<4x2048xf32, #tpu.memory_space<hbm>>
      tpu.enqueue_dma source(%arg8 : memref<4x2048xf32, #tpu.memory_space<vmem>>) target(%dma_start3A_343 : memref<4x2048xf32, #tpu.memory_space<hbm>>) target_semaphore(%arg26 : memref<!tpu.dma_semaphore, #tpu.memory_space<semaphore_mem>>)
      %mul3A_344 = arith.constant 2 : i32
      %mul3A_345 = arith.muli %mul3A_344, %scan3A_84 : i32
      %add3A_346 = arith.constant 1 : i32
      %add3A_347 = arith.addi %mul3A_345, %add3A_346 : i32
      %mul3A_348 = arith.constant 2 : i32
      %mul3A_349 = arith.muli %mul3A_348, %scan3A_84 : i32
      %add3A_350 = arith.constant 1 : i32
      %add3A_351 = arith.addi %mul3A_349, %add3A_350 : i32
      %mul3A_352 = arith.constant 4 : i32
      %mul3A_353 = arith.muli %add3A_351, %mul3A_352 : i32
      %add3A_354 = arith.addi %mul3A_2, %mul3A_353 : i32
      %dma_wait3A_355 = arith.constant 0 : i32
      %dma_wait3A_356 = tpu.memref_slice %arg3[%add3A_354, %dma_wait3A_355] : memref<8192x2048xf32, #tpu.memory_space<hbm>> -> memref<4x2048xf32, #tpu.memory_space<hbm>>
      %dma_wait3A_357 = arith.constant 0 : i32
      %dma_wait3A_358 = tpu.memref_slice %arg3[%add3A_354, %dma_wait3A_357] : memref<8192x2048xf32, #tpu.memory_space<hbm>> -> memref<4x2048xf32, #tpu.memory_space<hbm>>
      tpu.wait_dma2 semaphore(%arg32 : memref<!tpu.dma_semaphore, #tpu.memory_space<semaphore_mem>>) src(%dma_wait3A_358 : memref<4x2048xf32, #tpu.memory_space<hbm>>) dst(%arg14 : memref<4x2048xf32, #tpu.memory_space<vmem>>)
      %lt3A = arith.constant 15 : i32
      %lt3A_359 = arith.cmpi slt, %scan3A_84, %lt3A : i32
      %convert_element_type3A_360 = arith.extui %lt3A_359 : i1 to i32
      %cond3A_361 = arith.constant 0 : i32
      %cond3A_362 = arith.cmpi ne, %convert_element_type3A_360, %cond3A_361 : i32
      scf.if %cond3A_362 {
        %mul3A_603 = arith.constant 2 : i32
        %mul3A_604 = arith.muli %mul3A_603, %scan3A_84 : i32
        %add3A_605 = arith.constant 2 : i32
        %add3A_606 = arith.addi %mul3A_604, %add3A_605 : i32
        %mul3A_607 = arith.constant 4 : i32
        %mul3A_608 = arith.muli %add3A_606, %mul3A_607 : i32
        %add3A_609 = arith.addi %mul3A_2, %mul3A_608 : i32
        %dma_start3A_610 = arith.constant 0 : i32
        %dma_start3A_611 = tpu.memref_slice %arg3[%add3A_609, %dma_start3A_610] : memref<8192x2048xf32, #tpu.memory_space<hbm>> -> memref<4x2048xf32, #tpu.memory_space<hbm>>
        %dma_start3A_612 = arith.constant 0 : i32
        %dma_start3A_613 = tpu.memref_slice %arg3[%add3A_609, %dma_start3A_612] : memref<8192x2048xf32, #tpu.memory_space<hbm>> -> memref<4x2048xf32, #tpu.memory_space<hbm>>
        tpu.enqueue_dma source(%dma_start3A_613 : memref<4x2048xf32, #tpu.memory_space<hbm>>) target(%arg13 : memref<4x2048xf32, #tpu.memory_space<vmem>>) target_semaphore(%arg31 : memref<!tpu.dma_semaphore, #tpu.memory_space<semaphore_mem>>)
      } else {
      }
      %mul3A_363 = arith.constant 2 : i32
      %mul3A_364 = arith.muli %mul3A_363, %scan3A_84 : i32
      %add3A_365 = arith.constant 1 : i32
      %add3A_366 = arith.addi %mul3A_364, %add3A_365 : i32
      %add3A_367 = arith.constant 1 : i32
      %add3A_368 = arith.addi %add3A_366, %add3A_367 : i32
      %mul3A_369 = arith.constant 2 : i32
      %mul3A_370 = arith.muli %mul3A_369, %scan3A_84 : i32
      %sub3A_371 = arith.constant 0 : i32
      %sub3A_372 = arith.subi %mul3A_370, %sub3A_371 : i32
      %mul3A_373 = arith.constant 4 : i32
      %mul3A_374 = arith.muli %sub3A_372, %mul3A_373 : i32
      %add3A_375 = arith.addi %mul3A_2, %mul3A_374 : i32
      %dma_wait3A_376 = arith.constant 0 : i32
      %dma_wait3A_377 = arith.constant 0 : i32
      %dma_wait3A_378 = tpu.memref_slice %arg4[%dma_wait3A_376, %add3A_375, %dma_wait3A_377] : memref<4x4096x2048xf32, #tpu.memory_space<hbm>> -> memref<1x4x2048xf32, #tpu.memory_space<hbm>>
      %dma_wait3A_379 = tpu.memref_squeeze %dma_wait3A_378 : memref<1x4x2048xf32, #tpu.memory_space<hbm>> -> memref<4x2048xf32, #tpu.memory_space<hbm>>
      %dma_wait3A_380 = arith.constant 0 : i32
      %dma_wait3A_381 = tpu.memref_slice %arg4[%dma_wait3A_376, %add3A_375, %dma_wait3A_380] : memref<4x4096x2048xf32, #tpu.memory_space<hbm>> -> memref<1x4x2048xf32, #tpu.memory_space<hbm>>
      %dma_wait3A_382 = tpu.memref_squeeze %dma_wait3A_381 : memref<1x4x2048xf32, #tpu.memory_space<hbm>> -> memref<4x2048xf32, #tpu.memory_space<hbm>>
      tpu.wait_dma2 semaphore(%arg23 : memref<!tpu.dma_semaphore, #tpu.memory_space<semaphore_mem>>) src(%arg5 : memref<4x2048xf32, #tpu.memory_space<vmem>>) dst(%dma_wait3A_382 : memref<4x2048xf32, #tpu.memory_space<hbm>>)
      %lt3A_383 = arith.constant 15 : i32
      %lt3A_384 = arith.cmpi slt, %scan3A_84, %lt3A_383 : i32
      %convert_element_type3A_385 = arith.extui %lt3A_384 : i1 to i32
      %cond3A_386 = arith.constant 0 : i32
      %cond3A_387 = arith.cmpi ne, %convert_element_type3A_385, %cond3A_386 : i32
      scf.if %cond3A_387 {
        %mul3A_603 = arith.constant 4 : i32
        %mul3A_604 = arith.muli %add3A_368, %mul3A_603 : i32
        %add3A_605 = arith.addi %mul3A_2, %mul3A_604 : i32
        %dma_start3A_606 = arith.constant 0 : i32
        %dma_start3A_607 = arith.constant 0 : i32
        %dma_start3A_608 = tpu.memref_slice %arg2[%dma_start3A_606, %add3A_605, %dma_start3A_607] : memref<4x4096x2048xf32, #tpu.memory_space<hbm>> -> memref<1x4x2048xf32, #tpu.memory_space<hbm>>
        %dma_start3A_609 = tpu.memref_squeeze %dma_start3A_608 : memref<1x4x2048xf32, #tpu.memory_space<hbm>> -> memref<4x2048xf32, #tpu.memory_space<hbm>>
        %dma_start3A_610 = arith.constant 0 : i32
        %dma_start3A_611 = tpu.memref_slice %arg2[%dma_start3A_606, %add3A_605, %dma_start3A_610] : memref<4x4096x2048xf32, #tpu.memory_space<hbm>> -> memref<1x4x2048xf32, #tpu.memory_space<hbm>>
        %dma_start3A_612 = tpu.memref_squeeze %dma_start3A_611 : memref<1x4x2048xf32, #tpu.memory_space<hbm>> -> memref<4x2048xf32, #tpu.memory_space<hbm>>
        tpu.enqueue_dma source(%dma_start3A_612 : memref<4x2048xf32, #tpu.memory_space<hbm>>) target(%arg5 : memref<4x2048xf32, #tpu.memory_space<vmem>>) target_semaphore(%arg15 : memref<!tpu.dma_semaphore, #tpu.memory_space<semaphore_mem>>)
      } else {
      }
      %mul3A_388 = arith.constant 4 : i32
      %mul3A_389 = arith.muli %add3A_347, %mul3A_388 : i32
      %add3A_390 = arith.addi %mul3A_2, %mul3A_389 : i32
      %dma_wait3A_391 = arith.constant 0 : i32
      %dma_wait3A_392 = arith.constant 0 : i32
      %dma_wait3A_393 = tpu.memref_slice %arg2[%dma_wait3A_391, %add3A_390, %dma_wait3A_392] : memref<4x4096x2048xf32, #tpu.memory_space<hbm>> -> memref<1x4x2048xf32, #tpu.memory_space<hbm>>
      %dma_wait3A_394 = tpu.memref_squeeze %dma_wait3A_393 : memref<1x4x2048xf32, #tpu.memory_space<hbm>> -> memref<4x2048xf32, #tpu.memory_space<hbm>>
      %dma_wait3A_395 = arith.constant 0 : i32
      %dma_wait3A_396 = tpu.memref_slice %arg2[%dma_wait3A_391, %add3A_390, %dma_wait3A_395] : memref<4x4096x2048xf32, #tpu.memory_space<hbm>> -> memref<1x4x2048xf32, #tpu.memory_space<hbm>>
      %dma_wait3A_397 = tpu.memref_squeeze %dma_wait3A_396 : memref<1x4x2048xf32, #tpu.memory_space<hbm>> -> memref<4x2048xf32, #tpu.memory_space<hbm>>
      tpu.wait_dma2 semaphore(%arg19 : memref<!tpu.dma_semaphore, #tpu.memory_space<semaphore_mem>>) src(%dma_wait3A_397 : memref<4x2048xf32, #tpu.memory_space<hbm>>) dst(%arg9 : memref<4x2048xf32, #tpu.memory_space<vmem>>)
      %parallel_loop3A_398 = arith.constant 0 : i32
      %parallel_loop3A_399 = arith.constant 2048 : i32
      %parallel_loop3A_400 = arith.constant 16 : i32
      scf.for %parallel_loop3A_603 = %parallel_loop3A_398 to %parallel_loop3A_399 step %parallel_loop3A_400  : i32 {
        %parallel_loop3A_604 = arith.constant 0 : i32
        %parallel_loop3A_605 = arith.index_cast %parallel_loop3A_604 : i32 to index
        %parallel_loop3A_606 = arith.index_cast %parallel_loop3A_603 : i32 to index
        %parallel_loop3A_607 = tpu.vector_load %arg14[%parallel_loop3A_605, %parallel_loop3A_606] {strides = array<i32>} : memref<4x2048xf32, #tpu.memory_space<vmem>>, vector<1x16xf32>,
        %parallel_loop3A_608 = vector.shape_cast %parallel_loop3A_607 : vector<1x16xf32> to vector<16xf32>
        %parallel_loop3A_609 = arith.constant 0 : i32
        %parallel_loop3A_610 = arith.index_cast %parallel_loop3A_609 : i32 to index
        %parallel_loop3A_611 = arith.index_cast %parallel_loop3A_603 : i32 to index
        %parallel_loop3A_612 = tpu.vector_load %arg9[%parallel_loop3A_610, %parallel_loop3A_611] {strides = array<i32>} : memref<4x2048xf32, #tpu.memory_space<vmem>>, vector<1x16xf32>,
        %parallel_loop3A_613 = vector.shape_cast %parallel_loop3A_612 : vector<1x16xf32> to vector<16xf32>
        %parallel_loop3A_614 = vector.shape_cast %parallel_loop3A_608 : vector<16xf32> to vector<1x16xf32>
        tpu.vector_store %arg9[%parallel_loop3A_610, %parallel_loop3A_611], %parallel_loop3A_614 {add = true, strides = array<i32>} : memref<4x2048xf32, #tpu.memory_space<vmem>>, vector<1x16xf32>,
      } {sc.loop_unroll_factor = 8 : i64, sc.parallel_access}
      %parallel_loop3A_401 = arith.constant 0 : i32
      %parallel_loop3A_402 = arith.constant 2048 : i32
      %parallel_loop3A_403 = arith.constant 16 : i32
      scf.for %parallel_loop3A_603 = %parallel_loop3A_401 to %parallel_loop3A_402 step %parallel_loop3A_403  : i32 {
        %parallel_loop3A_604 = arith.constant 1 : i32
        %parallel_loop3A_605 = arith.index_cast %parallel_loop3A_604 : i32 to index
        %parallel_loop3A_606 = arith.index_cast %parallel_loop3A_603 : i32 to index
        %parallel_loop3A_607 = tpu.vector_load %arg14[%parallel_loop3A_605, %parallel_loop3A_606] {strides = array<i32>} : memref<4x2048xf32, #tpu.memory_space<vmem>>, vector<1x16xf32>,
        %parallel_loop3A_608 = vector.shape_cast %parallel_loop3A_607 : vector<1x16xf32> to vector<16xf32>
        %parallel_loop3A_609 = arith.constant 1 : i32
        %parallel_loop3A_610 = arith.index_cast %parallel_loop3A_609 : i32 to index
        %parallel_loop3A_611 = arith.index_cast %parallel_loop3A_603 : i32 to index
        %parallel_loop3A_612 = tpu.vector_load %arg9[%parallel_loop3A_610, %parallel_loop3A_611] {strides = array<i32>} : memref<4x2048xf32, #tpu.memory_space<vmem>>, vector<1x16xf32>,
        %parallel_loop3A_613 = vector.shape_cast %parallel_loop3A_612 : vector<1x16xf32> to vector<16xf32>
        %parallel_loop3A_614 = vector.shape_cast %parallel_loop3A_608 : vector<16xf32> to vector<1x16xf32>
        tpu.vector_store %arg9[%parallel_loop3A_610, %parallel_loop3A_611], %parallel_loop3A_614 {add = true, strides = array<i32>} : memref<4x2048xf32, #tpu.memory_space<vmem>>, vector<1x16xf32>,
      } {sc.loop_unroll_factor = 8 : i64, sc.parallel_access}
      %parallel_loop3A_404 = arith.constant 0 : i32
      %parallel_loop3A_405 = arith.constant 2048 : i32
      %parallel_loop3A_406 = arith.constant 16 : i32
      scf.for %parallel_loop3A_603 = %parallel_loop3A_404 to %parallel_loop3A_405 step %parallel_loop3A_406  : i32 {
        %parallel_loop3A_604 = arith.constant 2 : i32
        %parallel_loop3A_605 = arith.index_cast %parallel_loop3A_604 : i32 to index
        %parallel_loop3A_606 = arith.index_cast %parallel_loop3A_603 : i32 to index
        %parallel_loop3A_607 = tpu.vector_load %arg14[%parallel_loop3A_605, %parallel_loop3A_606] {strides = array<i32>} : memref<4x2048xf32, #tpu.memory_space<vmem>>, vector<1x16xf32>,
        %parallel_loop3A_608 = vector.shape_cast %parallel_loop3A_607 : vector<1x16xf32> to vector<16xf32>
        %parallel_loop3A_609 = arith.constant 2 : i32
        %parallel_loop3A_610 = arith.index_cast %parallel_loop3A_609 : i32 to index
        %parallel_loop3A_611 = arith.index_cast %parallel_loop3A_603 : i32 to index
        %parallel_loop3A_612 = tpu.vector_load %arg9[%parallel_loop3A_610, %parallel_loop3A_611] {strides = array<i32>} : memref<4x2048xf32, #tpu.memory_space<vmem>>, vector<1x16xf32>,
        %parallel_loop3A_613 = vector.shape_cast %parallel_loop3A_612 : vector<1x16xf32> to vector<16xf32>
        %parallel_loop3A_614 = vector.shape_cast %parallel_loop3A_608 : vector<16xf32> to vector<1x16xf32>
        tpu.vector_store %arg9[%parallel_loop3A_610, %parallel_loop3A_611], %parallel_loop3A_614 {add = true, strides = array<i32>} : memref<4x2048xf32, #tpu.memory_space<vmem>>, vector<1x16xf32>,
      } {sc.loop_unroll_factor = 8 : i64, sc.parallel_access}
      %parallel_loop3A_407 = arith.constant 0 : i32
      %parallel_loop3A_408 = arith.constant 2048 : i32
      %parallel_loop3A_409 = arith.constant 16 : i32
      scf.for %parallel_loop3A_603 = %parallel_loop3A_407 to %parallel_loop3A_408 step %parallel_loop3A_409  : i32 {
        %parallel_loop3A_604 = arith.constant 3 : i32
        %parallel_loop3A_605 = arith.index_cast %parallel_loop3A_604 : i32 to index
        %parallel_loop3A_606 = arith.index_cast %parallel_loop3A_603 : i32 to index
        %parallel_loop3A_607 = tpu.vector_load %arg14[%parallel_loop3A_605, %parallel_loop3A_606] {strides = array<i32>} : memref<4x2048xf32, #tpu.memory_space<vmem>>, vector<1x16xf32>,
        %parallel_loop3A_608 = vector.shape_cast %parallel_loop3A_607 : vector<1x16xf32> to vector<16xf32>
        %parallel_loop3A_609 = arith.constant 3 : i32
        %parallel_loop3A_610 = arith.index_cast %parallel_loop3A_609 : i32 to index
        %parallel_loop3A_611 = arith.index_cast %parallel_loop3A_603 : i32 to index
        %parallel_loop3A_612 = tpu.vector_load %arg9[%parallel_loop3A_610, %parallel_loop3A_611] {strides = array<i32>} : memref<4x2048xf32, #tpu.memory_space<vmem>>, vector<1x16xf32>,
        %parallel_loop3A_613 = vector.shape_cast %parallel_loop3A_612 : vector<1x16xf32> to vector<16xf32>
        %parallel_loop3A_614 = vector.shape_cast %parallel_loop3A_608 : vector<16xf32> to vector<1x16xf32>
        tpu.vector_store %arg9[%parallel_loop3A_610, %parallel_loop3A_611], %parallel_loop3A_614 {add = true, strides = array<i32>} : memref<4x2048xf32, #tpu.memory_space<vmem>>, vector<1x16xf32>,
      } {sc.loop_unroll_factor = 8 : i64, sc.parallel_access}
      %mul3A_410 = arith.constant 4 : i32
      %mul3A_411 = arith.muli %add3A_347, %mul3A_410 : i32
      %add3A_412 = arith.addi %mul3A_2, %mul3A_411 : i32
      %dma_start3A_413 = arith.constant 0 : i32
      %dma_start3A_414 = arith.constant 0 : i32
      %dma_start3A_415 = tpu.memref_slice %arg4[%dma_start3A_413, %add3A_412, %dma_start3A_414] : memref<4x4096x2048xf32, #tpu.memory_space<hbm>> -> memref<1x4x2048xf32, #tpu.memory_space<hbm>>
      %dma_start3A_416 = tpu.memref_squeeze %dma_start3A_415 : memref<1x4x2048xf32, #tpu.memory_space<hbm>> -> memref<4x2048xf32, #tpu.memory_space<hbm>>
      %dma_start3A_417 = arith.constant 0 : i32
      %dma_start3A_418 = tpu.memref_slice %arg4[%dma_start3A_413, %add3A_412, %dma_start3A_417] : memref<4x4096x2048xf32, #tpu.memory_space<hbm>> -> memref<1x4x2048xf32, #tpu.memory_space<hbm>>
      %dma_start3A_419 = tpu.memref_squeeze %dma_start3A_418 : memref<1x4x2048xf32, #tpu.memory_space<hbm>> -> memref<4x2048xf32, #tpu.memory_space<hbm>>
      tpu.enqueue_dma source(%arg9 : memref<4x2048xf32, #tpu.memory_space<vmem>>) target(%dma_start3A_419 : memref<4x2048xf32, #tpu.memory_space<hbm>>) target_semaphore(%arg27 : memref<!tpu.dma_semaphore, #tpu.memory_space<semaphore_mem>>)
      %mul3A_420 = arith.constant 2 : i32
      %mul3A_421 = arith.muli %mul3A_420, %scan3A_84 : i32
      %add3A_422 = arith.constant 1 : i32
      %add3A_423 = arith.addi %mul3A_421, %add3A_422 : i32
      %mul3A_424 = arith.constant 2 : i32
      %mul3A_425 = arith.muli %mul3A_424, %scan3A_84 : i32
      %add3A_426 = arith.constant 1 : i32
      %add3A_427 = arith.addi %mul3A_425, %add3A_426 : i32
      %add3A_428 = arith.constant 1 : i32
      %add3A_429 = arith.addi %add3A_427, %add3A_428 : i32
      %mul3A_430 = arith.constant 2 : i32
      %mul3A_431 = arith.muli %mul3A_430, %scan3A_84 : i32
      %sub3A_432 = arith.constant 0 : i32
      %sub3A_433 = arith.subi %mul3A_431, %sub3A_432 : i32
      %mul3A_434 = arith.constant 4 : i32
      %mul3A_435 = arith.muli %sub3A_433, %mul3A_434 : i32
      %add3A_436 = arith.addi %mul3A_2, %mul3A_435 : i32
      %dma_wait3A_437 = arith.constant 1 : i32
      %dma_wait3A_438 = arith.constant 0 : i32
      %dma_wait3A_439 = tpu.memref_slice %arg4[%dma_wait3A_437, %add3A_436, %dma_wait3A_438] : memref<4x4096x2048xf32, #tpu.memory_space<hbm>> -> memref<1x4x2048xf32, #tpu.memory_space<hbm>>
      %dma_wait3A_440 = tpu.memref_squeeze %dma_wait3A_439 : memref<1x4x2048xf32, #tpu.memory_space<hbm>> -> memref<4x2048xf32, #tpu.memory_space<hbm>>
      %dma_wait3A_441 = arith.constant 0 : i32
      %dma_wait3A_442 = tpu.memref_slice %arg4[%dma_wait3A_437, %add3A_436, %dma_wait3A_441] : memref<4x4096x2048xf32, #tpu.memory_space<hbm>> -> memref<1x4x2048xf32, #tpu.memory_space<hbm>>
      %dma_wait3A_443 = tpu.memref_squeeze %dma_wait3A_442 : memref<1x4x2048xf32, #tpu.memory_space<hbm>> -> memref<4x2048xf32, #tpu.memory_space<hbm>>
      tpu.wait_dma2 semaphore(%arg24 : memref<!tpu.dma_semaphore, #tpu.memory_space<semaphore_mem>>) src(%arg6 : memref<4x2048xf32, #tpu.memory_space<vmem>>) dst(%dma_wait3A_443 : memref<4x2048xf32, #tpu.memory_space<hbm>>)
      %lt3A_444 = arith.constant 15 : i32
      %lt3A_445 = arith.cmpi slt, %scan3A_84, %lt3A_444 : i32
      %convert_element_type3A_446 = arith.extui %lt3A_445 : i1 to i32
      %cond3A_447 = arith.constant 0 : i32
      %cond3A_448 = arith.cmpi ne, %convert_element_type3A_446, %cond3A_447 : i32
      scf.if %cond3A_448 {
        %mul3A_603 = arith.constant 4 : i32
        %mul3A_604 = arith.muli %add3A_429, %mul3A_603 : i32
        %add3A_605 = arith.addi %mul3A_2, %mul3A_604 : i32
        %dma_start3A_606 = arith.constant 1 : i32
        %dma_start3A_607 = arith.constant 0 : i32
        %dma_start3A_608 = tpu.memref_slice %arg2[%dma_start3A_606, %add3A_605, %dma_start3A_607] : memref<4x4096x2048xf32, #tpu.memory_space<hbm>> -> memref<1x4x2048xf32, #tpu.memory_space<hbm>>
        %dma_start3A_609 = tpu.memref_squeeze %dma_start3A_608 : memref<1x4x2048xf32, #tpu.memory_space<hbm>> -> memref<4x2048xf32, #tpu.memory_space<hbm>>
        %dma_start3A_610 = arith.constant 0 : i32
        %dma_start3A_611 = tpu.memref_slice %arg2[%dma_start3A_606, %add3A_605, %dma_start3A_610] : memref<4x4096x2048xf32, #tpu.memory_space<hbm>> -> memref<1x4x2048xf32, #tpu.memory_space<hbm>>
        %dma_start3A_612 = tpu.memref_squeeze %dma_start3A_611 : memref<1x4x2048xf32, #tpu.memory_space<hbm>> -> memref<4x2048xf32, #tpu.memory_space<hbm>>
        tpu.enqueue_dma source(%dma_start3A_612 : memref<4x2048xf32, #tpu.memory_space<hbm>>) target(%arg6 : memref<4x2048xf32, #tpu.memory_space<vmem>>) target_semaphore(%arg16 : memref<!tpu.dma_semaphore, #tpu.memory_space<semaphore_mem>>)
      } else {
      }
      %mul3A_449 = arith.constant 4 : i32
      %mul3A_450 = arith.muli %add3A_423, %mul3A_449 : i32
      %add3A_451 = arith.addi %mul3A_2, %mul3A_450 : i32
      %dma_wait3A_452 = arith.constant 1 : i32
      %dma_wait3A_453 = arith.constant 0 : i32
      %dma_wait3A_454 = tpu.memref_slice %arg2[%dma_wait3A_452, %add3A_451, %dma_wait3A_453] : memref<4x4096x2048xf32, #tpu.memory_space<hbm>> -> memref<1x4x2048xf32, #tpu.memory_space<hbm>>
      %dma_wait3A_455 = tpu.memref_squeeze %dma_wait3A_454 : memref<1x4x2048xf32, #tpu.memory_space<hbm>> -> memref<4x2048xf32, #tpu.memory_space<hbm>>
      %dma_wait3A_456 = arith.constant 0 : i32
      %dma_wait3A_457 = tpu.memref_slice %arg2[%dma_wait3A_452, %add3A_451, %dma_wait3A_456] : memref<4x4096x2048xf32, #tpu.memory_space<hbm>> -> memref<1x4x2048xf32, #tpu.memory_space<hbm>>
      %dma_wait3A_458 = tpu.memref_squeeze %dma_wait3A_457 : memref<1x4x2048xf32, #tpu.memory_space<hbm>> -> memref<4x2048xf32, #tpu.memory_space<hbm>>
      tpu.wait_dma2 semaphore(%arg20 : memref<!tpu.dma_semaphore, #tpu.memory_space<semaphore_mem>>) src(%dma_wait3A_458 : memref<4x2048xf32, #tpu.memory_space<hbm>>) dst(%arg10 : memref<4x2048xf32, #tpu.memory_space<vmem>>)
      %parallel_loop3A_459 = arith.constant 0 : i32
      %parallel_loop3A_460 = arith.constant 2048 : i32
      %parallel_loop3A_461 = arith.constant 16 : i32
      scf.for %parallel_loop3A_603 = %parallel_loop3A_459 to %parallel_loop3A_460 step %parallel_loop3A_461  : i32 {
        %parallel_loop3A_604 = arith.constant 0 : i32
        %parallel_loop3A_605 = arith.index_cast %parallel_loop3A_604 : i32 to index
        %parallel_loop3A_606 = arith.index_cast %parallel_loop3A_603 : i32 to index
        %parallel_loop3A_607 = tpu.vector_load %arg14[%parallel_loop3A_605, %parallel_loop3A_606] {strides = array<i32>} : memref<4x2048xf32, #tpu.memory_space<vmem>>, vector<1x16xf32>,
        %parallel_loop3A_608 = vector.shape_cast %parallel_loop3A_607 : vector<1x16xf32> to vector<16xf32>
        %parallel_loop3A_609 = arith.constant 0 : i32
        %parallel_loop3A_610 = arith.index_cast %parallel_loop3A_609 : i32 to index
        %parallel_loop3A_611 = arith.index_cast %parallel_loop3A_603 : i32 to index
        %parallel_loop3A_612 = tpu.vector_load %arg10[%parallel_loop3A_610, %parallel_loop3A_611] {strides = array<i32>} : memref<4x2048xf32, #tpu.memory_space<vmem>>, vector<1x16xf32>,
        %parallel_loop3A_613 = vector.shape_cast %parallel_loop3A_612 : vector<1x16xf32> to vector<16xf32>
        %parallel_loop3A_614 = vector.shape_cast %parallel_loop3A_608 : vector<16xf32> to vector<1x16xf32>
        tpu.vector_store %arg10[%parallel_loop3A_610, %parallel_loop3A_611], %parallel_loop3A_614 {add = true, strides = array<i32>} : memref<4x2048xf32, #tpu.memory_space<vmem>>, vector<1x16xf32>,
      } {sc.loop_unroll_factor = 8 : i64, sc.parallel_access}
      %parallel_loop3A_462 = arith.constant 0 : i32
      %parallel_loop3A_463 = arith.constant 2048 : i32
      %parallel_loop3A_464 = arith.constant 16 : i32
      scf.for %parallel_loop3A_603 = %parallel_loop3A_462 to %parallel_loop3A_463 step %parallel_loop3A_464  : i32 {
        %parallel_loop3A_604 = arith.constant 1 : i32
        %parallel_loop3A_605 = arith.index_cast %parallel_loop3A_604 : i32 to index
        %parallel_loop3A_606 = arith.index_cast %parallel_loop3A_603 : i32 to index
        %parallel_loop3A_607 = tpu.vector_load %arg14[%parallel_loop3A_605, %parallel_loop3A_606] {strides = array<i32>} : memref<4x2048xf32, #tpu.memory_space<vmem>>, vector<1x16xf32>,
        %parallel_loop3A_608 = vector.shape_cast %parallel_loop3A_607 : vector<1x16xf32> to vector<16xf32>
        %parallel_loop3A_609 = arith.constant 1 : i32
        %parallel_loop3A_610 = arith.index_cast %parallel_loop3A_609 : i32 to index
        %parallel_loop3A_611 = arith.index_cast %parallel_loop3A_603 : i32 to index
        %parallel_loop3A_612 = tpu.vector_load %arg10[%parallel_loop3A_610, %parallel_loop3A_611] {strides = array<i32>} : memref<4x2048xf32, #tpu.memory_space<vmem>>, vector<1x16xf32>,
        %parallel_loop3A_613 = vector.shape_cast %parallel_loop3A_612 : vector<1x16xf32> to vector<16xf32>
        %parallel_loop3A_614 = vector.shape_cast %parallel_loop3A_608 : vector<16xf32> to vector<1x16xf32>
        tpu.vector_store %arg10[%parallel_loop3A_610, %parallel_loop3A_611], %parallel_loop3A_614 {add = true, strides = array<i32>} : memref<4x2048xf32, #tpu.memory_space<vmem>>, vector<1x16xf32>,
      } {sc.loop_unroll_factor = 8 : i64, sc.parallel_access}
      %parallel_loop3A_465 = arith.constant 0 : i32
      %parallel_loop3A_466 = arith.constant 2048 : i32
      %parallel_loop3A_467 = arith.constant 16 : i32
      scf.for %parallel_loop3A_603 = %parallel_loop3A_465 to %parallel_loop3A_466 step %parallel_loop3A_467  : i32 {
        %parallel_loop3A_604 = arith.constant 2 : i32
        %parallel_loop3A_605 = arith.index_cast %parallel_loop3A_604 : i32 to index
        %parallel_loop3A_606 = arith.index_cast %parallel_loop3A_603 : i32 to index
        %parallel_loop3A_607 = tpu.vector_load %arg14[%parallel_loop3A_605, %parallel_loop3A_606] {strides = array<i32>} : memref<4x2048xf32, #tpu.memory_space<vmem>>, vector<1x16xf32>,
        %parallel_loop3A_608 = vector.shape_cast %parallel_loop3A_607 : vector<1x16xf32> to vector<16xf32>
        %parallel_loop3A_609 = arith.constant 2 : i32
        %parallel_loop3A_610 = arith.index_cast %parallel_loop3A_609 : i32 to index
        %parallel_loop3A_611 = arith.index_cast %parallel_loop3A_603 : i32 to index
        %parallel_loop3A_612 = tpu.vector_load %arg10[%parallel_loop3A_610, %parallel_loop3A_611] {strides = array<i32>} : memref<4x2048xf32, #tpu.memory_space<vmem>>, vector<1x16xf32>,
        %parallel_loop3A_613 = vector.shape_cast %parallel_loop3A_612 : vector<1x16xf32> to vector<16xf32>
        %parallel_loop3A_614 = vector.shape_cast %parallel_loop3A_608 : vector<16xf32> to vector<1x16xf32>
        tpu.vector_store %arg10[%parallel_loop3A_610, %parallel_loop3A_611], %parallel_loop3A_614 {add = true, strides = array<i32>} : memref<4x2048xf32, #tpu.memory_space<vmem>>, vector<1x16xf32>,
      } {sc.loop_unroll_factor = 8 : i64, sc.parallel_access}
      %parallel_loop3A_468 = arith.constant 0 : i32
      %parallel_loop3A_469 = arith.constant 2048 : i32
      %parallel_loop3A_470 = arith.constant 16 : i32
      scf.for %parallel_loop3A_603 = %parallel_loop3A_468 to %parallel_loop3A_469 step %parallel_loop3A_470  : i32 {
        %parallel_loop3A_604 = arith.constant 3 : i32
        %parallel_loop3A_605 = arith.index_cast %parallel_loop3A_604 : i32 to index
        %parallel_loop3A_606 = arith.index_cast %parallel_loop3A_603 : i32 to index
        %parallel_loop3A_607 = tpu.vector_load %arg14[%parallel_loop3A_605, %parallel_loop3A_606] {strides = array<i32>} : memref<4x2048xf32, #tpu.memory_space<vmem>>, vector<1x16xf32>,
        %parallel_loop3A_608 = vector.shape_cast %parallel_loop3A_607 : vector<1x16xf32> to vector<16xf32>
        %parallel_loop3A_609 = arith.constant 3 : i32
        %parallel_loop3A_610 = arith.index_cast %parallel_loop3A_609 : i32 to index
        %parallel_loop3A_611 = arith.index_cast %parallel_loop3A_603 : i32 to index
        %parallel_loop3A_612 = tpu.vector_load %arg10[%parallel_loop3A_610, %parallel_loop3A_611] {strides = array<i32>} : memref<4x2048xf32, #tpu.memory_space<vmem>>, vector<1x16xf32>,
        %parallel_loop3A_613 = vector.shape_cast %parallel_loop3A_612 : vector<1x16xf32> to vector<16xf32>
        %parallel_loop3A_614 = vector.shape_cast %parallel_loop3A_608 : vector<16xf32> to vector<1x16xf32>
        tpu.vector_store %arg10[%parallel_loop3A_610, %parallel_loop3A_611], %parallel_loop3A_614 {add = true, strides = array<i32>} : memref<4x2048xf32, #tpu.memory_space<vmem>>, vector<1x16xf32>,
      } {sc.loop_unroll_factor = 8 : i64, sc.parallel_access}
      %mul3A_471 = arith.constant 4 : i32
      %mul3A_472 = arith.muli %add3A_423, %mul3A_471 : i32
      %add3A_473 = arith.addi %mul3A_2, %mul3A_472 : i32
      %dma_start3A_474 = arith.constant 1 : i32
      %dma_start3A_475 = arith.constant 0 : i32
      %dma_start3A_476 = tpu.memref_slice %arg4[%dma_start3A_474, %add3A_473, %dma_start3A_475] : memref<4x4096x2048xf32, #tpu.memory_space<hbm>> -> memref<1x4x2048xf32, #tpu.memory_space<hbm>>
      %dma_start3A_477 = tpu.memref_squeeze %dma_start3A_476 : memref<1x4x2048xf32, #tpu.memory_space<hbm>> -> memref<4x2048xf32, #tpu.memory_space<hbm>>
      %dma_start3A_478 = arith.constant 0 : i32
      %dma_start3A_479 = tpu.memref_slice %arg4[%dma_start3A_474, %add3A_473, %dma_start3A_478] : memref<4x4096x2048xf32, #tpu.memory_space<hbm>> -> memref<1x4x2048xf32, #tpu.memory_space<hbm>>
      %dma_start3A_480 = tpu.memref_squeeze %dma_start3A_479 : memref<1x4x2048xf32, #tpu.memory_space<hbm>> -> memref<4x2048xf32, #tpu.memory_space<hbm>>
      tpu.enqueue_dma source(%arg10 : memref<4x2048xf32, #tpu.memory_space<vmem>>) target(%dma_start3A_480 : memref<4x2048xf32, #tpu.memory_space<hbm>>) target_semaphore(%arg28 : memref<!tpu.dma_semaphore, #tpu.memory_space<semaphore_mem>>)
      %mul3A_481 = arith.constant 2 : i32
      %mul3A_482 = arith.muli %mul3A_481, %scan3A_84 : i32
      %add3A_483 = arith.constant 1 : i32
      %add3A_484 = arith.addi %mul3A_482, %add3A_483 : i32
      %mul3A_485 = arith.constant 2 : i32
      %mul3A_486 = arith.muli %mul3A_485, %scan3A_84 : i32
      %add3A_487 = arith.constant 1 : i32
      %add3A_488 = arith.addi %mul3A_486, %add3A_487 : i32
      %add3A_489 = arith.constant 1 : i32
      %add3A_490 = arith.addi %add3A_488, %add3A_489 : i32
      %mul3A_491 = arith.constant 2 : i32
      %mul3A_492 = arith.muli %mul3A_491, %scan3A_84 : i32
      %sub3A_493 = arith.constant 0 : i32
      %sub3A_494 = arith.subi %mul3A_492, %sub3A_493 : i32
      %mul3A_495 = arith.constant 4 : i32
      %mul3A_496 = arith.muli %sub3A_494, %mul3A_495 : i32
      %add3A_497 = arith.addi %mul3A_2, %mul3A_496 : i32
      %dma_wait3A_498 = arith.constant 2 : i32
      %dma_wait3A_499 = arith.constant 0 : i32
      %dma_wait3A_500 = tpu.memref_slice %arg4[%dma_wait3A_498, %add3A_497, %dma_wait3A_499] : memref<4x4096x2048xf32, #tpu.memory_space<hbm>> -> memref<1x4x2048xf32, #tpu.memory_space<hbm>>
      %dma_wait3A_501 = tpu.memref_squeeze %dma_wait3A_500 : memref<1x4x2048xf32, #tpu.memory_space<hbm>> -> memref<4x2048xf32, #tpu.memory_space<hbm>>
      %dma_wait3A_502 = arith.constant 0 : i32
      %dma_wait3A_503 = tpu.memref_slice %arg4[%dma_wait3A_498, %add3A_497, %dma_wait3A_502] : memref<4x4096x2048xf32, #tpu.memory_space<hbm>> -> memref<1x4x2048xf32, #tpu.memory_space<hbm>>
      %dma_wait3A_504 = tpu.memref_squeeze %dma_wait3A_503 : memref<1x4x2048xf32, #tpu.memory_space<hbm>> -> memref<4x2048xf32, #tpu.memory_space<hbm>>
      tpu.wait_dma2 semaphore(%arg25 : memref<!tpu.dma_semaphore, #tpu.memory_space<semaphore_mem>>) src(%arg7 : memref<4x2048xf32, #tpu.memory_space<vmem>>) dst(%dma_wait3A_504 : memref<4x2048xf32, #tpu.memory_space<hbm>>)
      %lt3A_505 = arith.constant 15 : i32
      %lt3A_506 = arith.cmpi slt, %scan3A_84, %lt3A_505 : i32
      %convert_element_type3A_507 = arith.extui %lt3A_506 : i1 to i32
      %cond3A_508 = arith.constant 0 : i32
      %cond3A_509 = arith.cmpi ne, %convert_element_type3A_507, %cond3A_508 : i32
      scf.if %cond3A_509 {
        %mul3A_603 = arith.constant 4 : i32
        %mul3A_604 = arith.muli %add3A_490, %mul3A_603 : i32
        %add3A_605 = arith.addi %mul3A_2, %mul3A_604 : i32
        %dma_start3A_606 = arith.constant 2 : i32
        %dma_start3A_607 = arith.constant 0 : i32
        %dma_start3A_608 = tpu.memref_slice %arg2[%dma_start3A_606, %add3A_605, %dma_start3A_607] : memref<4x4096x2048xf32, #tpu.memory_space<hbm>> -> memref<1x4x2048xf32, #tpu.memory_space<hbm>>
        %dma_start3A_609 = tpu.memref_squeeze %dma_start3A_608 : memref<1x4x2048xf32, #tpu.memory_space<hbm>> -> memref<4x2048xf32, #tpu.memory_space<hbm>>
        %dma_start3A_610 = arith.constant 0 : i32
        %dma_start3A_611 = tpu.memref_slice %arg2[%dma_start3A_606, %add3A_605, %dma_start3A_610] : memref<4x4096x2048xf32, #tpu.memory_space<hbm>> -> memref<1x4x2048xf32, #tpu.memory_space<hbm>>
        %dma_start3A_612 = tpu.memref_squeeze %dma_start3A_611 : memref<1x4x2048xf32, #tpu.memory_space<hbm>> -> memref<4x2048xf32, #tpu.memory_space<hbm>>
        tpu.enqueue_dma source(%dma_start3A_612 : memref<4x2048xf32, #tpu.memory_space<hbm>>) target(%arg7 : memref<4x2048xf32, #tpu.memory_space<vmem>>) target_semaphore(%arg17 : memref<!tpu.dma_semaphore, #tpu.memory_space<semaphore_mem>>)
      } else {
      }
      %mul3A_510 = arith.constant 4 : i32
      %mul3A_511 = arith.muli %add3A_484, %mul3A_510 : i32
      %add3A_512 = arith.addi %mul3A_2, %mul3A_511 : i32
      %dma_wait3A_513 = arith.constant 2 : i32
      %dma_wait3A_514 = arith.constant 0 : i32
      %dma_wait3A_515 = tpu.memref_slice %arg2[%dma_wait3A_513, %add3A_512, %dma_wait3A_514] : memref<4x4096x2048xf32, #tpu.memory_space<hbm>> -> memref<1x4x2048xf32, #tpu.memory_space<hbm>>
      %dma_wait3A_516 = tpu.memref_squeeze %dma_wait3A_515 : memref<1x4x2048xf32, #tpu.memory_space<hbm>> -> memref<4x2048xf32, #tpu.memory_space<hbm>>
      %dma_wait3A_517 = arith.constant 0 : i32
      %dma_wait3A_518 = tpu.memref_slice %arg2[%dma_wait3A_513, %add3A_512, %dma_wait3A_517] : memref<4x4096x2048xf32, #tpu.memory_space<hbm>> -> memref<1x4x2048xf32, #tpu.memory_space<hbm>>
      %dma_wait3A_519 = tpu.memref_squeeze %dma_wait3A_518 : memref<1x4x2048xf32, #tpu.memory_space<hbm>> -> memref<4x2048xf32, #tpu.memory_space<hbm>>
      tpu.wait_dma2 semaphore(%arg21 : memref<!tpu.dma_semaphore, #tpu.memory_space<semaphore_mem>>) src(%dma_wait3A_519 : memref<4x2048xf32, #tpu.memory_space<hbm>>) dst(%arg11 : memref<4x2048xf32, #tpu.memory_space<vmem>>)
      %parallel_loop3A_520 = arith.constant 0 : i32
      %parallel_loop3A_521 = arith.constant 2048 : i32
      %parallel_loop3A_522 = arith.constant 16 : i32
      scf.for %parallel_loop3A_603 = %parallel_loop3A_520 to %parallel_loop3A_521 step %parallel_loop3A_522  : i32 {
        %parallel_loop3A_604 = arith.constant 0 : i32
        %parallel_loop3A_605 = arith.index_cast %parallel_loop3A_604 : i32 to index
        %parallel_loop3A_606 = arith.index_cast %parallel_loop3A_603 : i32 to index
        %parallel_loop3A_607 = tpu.vector_load %arg14[%parallel_loop3A_605, %parallel_loop3A_606] {strides = array<i32>} : memref<4x2048xf32, #tpu.memory_space<vmem>>, vector<1x16xf32>,
        %parallel_loop3A_608 = vector.shape_cast %parallel_loop3A_607 : vector<1x16xf32> to vector<16xf32>
        %parallel_loop3A_609 = arith.constant 0 : i32
        %parallel_loop3A_610 = arith.index_cast %parallel_loop3A_609 : i32 to index
        %parallel_loop3A_611 = arith.index_cast %parallel_loop3A_603 : i32 to index
        %parallel_loop3A_612 = tpu.vector_load %arg11[%parallel_loop3A_610, %parallel_loop3A_611] {strides = array<i32>} : memref<4x2048xf32, #tpu.memory_space<vmem>>, vector<1x16xf32>,
        %parallel_loop3A_613 = vector.shape_cast %parallel_loop3A_612 : vector<1x16xf32> to vector<16xf32>
        %parallel_loop3A_614 = vector.shape_cast %parallel_loop3A_608 : vector<16xf32> to vector<1x16xf32>
        tpu.vector_store %arg11[%parallel_loop3A_610, %parallel_loop3A_611], %parallel_loop3A_614 {add = true, strides = array<i32>} : memref<4x2048xf32, #tpu.memory_space<vmem>>, vector<1x16xf32>,
      } {sc.loop_unroll_factor = 8 : i64, sc.parallel_access}
      %parallel_loop3A_523 = arith.constant 0 : i32
      %parallel_loop3A_524 = arith.constant 2048 : i32
      %parallel_loop3A_525 = arith.constant 16 : i32
      scf.for %parallel_loop3A_603 = %parallel_loop3A_523 to %parallel_loop3A_524 step %parallel_loop3A_525  : i32 {
        %parallel_loop3A_604 = arith.constant 1 : i32
        %parallel_loop3A_605 = arith.index_cast %parallel_loop3A_604 : i32 to index
        %parallel_loop3A_606 = arith.index_cast %parallel_loop3A_603 : i32 to index
        %parallel_loop3A_607 = tpu.vector_load %arg14[%parallel_loop3A_605, %parallel_loop3A_606] {strides = array<i32>} : memref<4x2048xf32, #tpu.memory_space<vmem>>, vector<1x16xf32>,
        %parallel_loop3A_608 = vector.shape_cast %parallel_loop3A_607 : vector<1x16xf32> to vector<16xf32>
        %parallel_loop3A_609 = arith.constant 1 : i32
        %parallel_loop3A_610 = arith.index_cast %parallel_loop3A_609 : i32 to index
        %parallel_loop3A_611 = arith.index_cast %parallel_loop3A_603 : i32 to index
        %parallel_loop3A_612 = tpu.vector_load %arg11[%parallel_loop3A_610, %parallel_loop3A_611] {strides = array<i32>} : memref<4x2048xf32, #tpu.memory_space<vmem>>, vector<1x16xf32>,
        %parallel_loop3A_613 = vector.shape_cast %parallel_loop3A_612 : vector<1x16xf32> to vector<16xf32>
        %parallel_loop3A_614 = vector.shape_cast %parallel_loop3A_608 : vector<16xf32> to vector<1x16xf32>
        tpu.vector_store %arg11[%parallel_loop3A_610, %parallel_loop3A_611], %parallel_loop3A_614 {add = true, strides = array<i32>} : memref<4x2048xf32, #tpu.memory_space<vmem>>, vector<1x16xf32>,
      } {sc.loop_unroll_factor = 8 : i64, sc.parallel_access}
      %parallel_loop3A_526 = arith.constant 0 : i32
      %parallel_loop3A_527 = arith.constant 2048 : i32
      %parallel_loop3A_528 = arith.constant 16 : i32
      scf.for %parallel_loop3A_603 = %parallel_loop3A_526 to %parallel_loop3A_527 step %parallel_loop3A_528  : i32 {
        %parallel_loop3A_604 = arith.constant 2 : i32
        %parallel_loop3A_605 = arith.index_cast %parallel_loop3A_604 : i32 to index
        %parallel_loop3A_606 = arith.index_cast %parallel_loop3A_603 : i32 to index
        %parallel_loop3A_607 = tpu.vector_load %arg14[%parallel_loop3A_605, %parallel_loop3A_606] {strides = array<i32>} : memref<4x2048xf32, #tpu.memory_space<vmem>>, vector<1x16xf32>,
        %parallel_loop3A_608 = vector.shape_cast %parallel_loop3A_607 : vector<1x16xf32> to vector<16xf32>
        %parallel_loop3A_609 = arith.constant 2 : i32
        %parallel_loop3A_610 = arith.index_cast %parallel_loop3A_609 : i32 to index
        %parallel_loop3A_611 = arith.index_cast %parallel_loop3A_603 : i32 to index
        %parallel_loop3A_612 = tpu.vector_load %arg11[%parallel_loop3A_610, %parallel_loop3A_611] {strides = array<i32>} : memref<4x2048xf32, #tpu.memory_space<vmem>>, vector<1x16xf32>,
        %parallel_loop3A_613 = vector.shape_cast %parallel_loop3A_612 : vector<1x16xf32> to vector<16xf32>
        %parallel_loop3A_614 = vector.shape_cast %parallel_loop3A_608 : vector<16xf32> to vector<1x16xf32>
        tpu.vector_store %arg11[%parallel_loop3A_610, %parallel_loop3A_611], %parallel_loop3A_614 {add = true, strides = array<i32>} : memref<4x2048xf32, #tpu.memory_space<vmem>>, vector<1x16xf32>,
      } {sc.loop_unroll_factor = 8 : i64, sc.parallel_access}
      %parallel_loop3A_529 = arith.constant 0 : i32
      %parallel_loop3A_530 = arith.constant 2048 : i32
      %parallel_loop3A_531 = arith.constant 16 : i32
      scf.for %parallel_loop3A_603 = %parallel_loop3A_529 to %parallel_loop3A_530 step %parallel_loop3A_531  : i32 {
        %parallel_loop3A_604 = arith.constant 3 : i32
        %parallel_loop3A_605 = arith.index_cast %parallel_loop3A_604 : i32 to index
        %parallel_loop3A_606 = arith.index_cast %parallel_loop3A_603 : i32 to index
        %parallel_loop3A_607 = tpu.vector_load %arg14[%parallel_loop3A_605, %parallel_loop3A_606] {strides = array<i32>} : memref<4x2048xf32, #tpu.memory_space<vmem>>, vector<1x16xf32>,
        %parallel_loop3A_608 = vector.shape_cast %parallel_loop3A_607 : vector<1x16xf32> to vector<16xf32>
        %parallel_loop3A_609 = arith.constant 3 : i32
        %parallel_loop3A_610 = arith.index_cast %parallel_loop3A_609 : i32 to index
        %parallel_loop3A_611 = arith.index_cast %parallel_loop3A_603 : i32 to index
        %parallel_loop3A_612 = tpu.vector_load %arg11[%parallel_loop3A_610, %parallel_loop3A_611] {strides = array<i32>} : memref<4x2048xf32, #tpu.memory_space<vmem>>, vector<1x16xf32>,
        %parallel_loop3A_613 = vector.shape_cast %parallel_loop3A_612 : vector<1x16xf32> to vector<16xf32>
        %parallel_loop3A_614 = vector.shape_cast %parallel_loop3A_608 : vector<16xf32> to vector<1x16xf32>
        tpu.vector_store %arg11[%parallel_loop3A_610, %parallel_loop3A_611], %parallel_loop3A_614 {add = true, strides = array<i32>} : memref<4x2048xf32, #tpu.memory_space<vmem>>, vector<1x16xf32>,
      } {sc.loop_unroll_factor = 8 : i64, sc.parallel_access}
      %mul3A_532 = arith.constant 4 : i32
      %mul3A_533 = arith.muli %add3A_484, %mul3A_532 : i32
      %add3A_534 = arith.addi %mul3A_2, %mul3A_533 : i32
      %dma_start3A_535 = arith.constant 2 : i32
      %dma_start3A_536 = arith.constant 0 : i32
      %dma_start3A_537 = tpu.memref_slice %arg4[%dma_start3A_535, %add3A_534, %dma_start3A_536] : memref<4x4096x2048xf32, #tpu.memory_space<hbm>> -> memref<1x4x2048xf32, #tpu.memory_space<hbm>>
      %dma_start3A_538 = tpu.memref_squeeze %dma_start3A_537 : memref<1x4x2048xf32, #tpu.memory_space<hbm>> -> memref<4x2048xf32, #tpu.memory_space<hbm>>
      %dma_start3A_539 = arith.constant 0 : i32
      %dma_start3A_540 = tpu.memref_slice %arg4[%dma_start3A_535, %add3A_534, %dma_start3A_539] : memref<4x4096x2048xf32, #tpu.memory_space<hbm>> -> memref<1x4x2048xf32, #tpu.memory_space<hbm>>
      %dma_start3A_541 = tpu.memref_squeeze %dma_start3A_540 : memref<1x4x2048xf32, #tpu.memory_space<hbm>> -> memref<4x2048xf32, #tpu.memory_space<hbm>>
      tpu.enqueue_dma source(%arg11 : memref<4x2048xf32, #tpu.memory_space<vmem>>) target(%dma_start3A_541 : memref<4x2048xf32, #tpu.memory_space<hbm>>) target_semaphore(%arg29 : memref<!tpu.dma_semaphore, #tpu.memory_space<semaphore_mem>>)
      %mul3A_542 = arith.constant 2 : i32
      %mul3A_543 = arith.muli %mul3A_542, %scan3A_84 : i32
      %add3A_544 = arith.constant 1 : i32
      %add3A_545 = arith.addi %mul3A_543, %add3A_544 : i32
      %mul3A_546 = arith.constant 2 : i32
      %mul3A_547 = arith.muli %mul3A_546, %scan3A_84 : i32
      %add3A_548 = arith.constant 1 : i32
      %add3A_549 = arith.addi %mul3A_547, %add3A_548 : i32
      %add3A_550 = arith.constant 1 : i32
      %add3A_551 = arith.addi %add3A_549, %add3A_550 : i32
      %mul3A_552 = arith.constant 2 : i32
      %mul3A_553 = arith.muli %mul3A_552, %scan3A_84 : i32
      %sub3A_554 = arith.constant 0 : i32
      %sub3A_555 = arith.subi %mul3A_553, %sub3A_554 : i32
      %mul3A_556 = arith.constant 4 : i32
      %mul3A_557 = arith.muli %sub3A_555, %mul3A_556 : i32
      %add3A_558 = arith.addi %mul3A_2, %mul3A_557 : i32
      %dma_wait3A_559 = arith.constant 3 : i32
      %dma_wait3A_560 = arith.constant 0 : i32
      %dma_wait3A_561 = tpu.memref_slice %arg4[%dma_wait3A_559, %add3A_558, %dma_wait3A_560] : memref<4x4096x2048xf32, #tpu.memory_space<hbm>> -> memref<1x4x2048xf32, #tpu.memory_space<hbm>>
      %dma_wait3A_562 = tpu.memref_squeeze %dma_wait3A_561 : memref<1x4x2048xf32, #tpu.memory_space<hbm>> -> memref<4x2048xf32, #tpu.memory_space<hbm>>
      %dma_wait3A_563 = arith.constant 0 : i32
      %dma_wait3A_564 = tpu.memref_slice %arg4[%dma_wait3A_559, %add3A_558, %dma_wait3A_563] : memref<4x4096x2048xf32, #tpu.memory_space<hbm>> -> memref<1x4x2048xf32, #tpu.memory_space<hbm>>
      %dma_wait3A_565 = tpu.memref_squeeze %dma_wait3A_564 : memref<1x4x2048xf32, #tpu.memory_space<hbm>> -> memref<4x2048xf32, #tpu.memory_space<hbm>>
      tpu.wait_dma2 semaphore(%arg26 : memref<!tpu.dma_semaphore, #tpu.memory_space<semaphore_mem>>) src(%arg8 : memref<4x2048xf32, #tpu.memory_space<vmem>>) dst(%dma_wait3A_565 : memref<4x2048xf32, #tpu.memory_space<hbm>>)
      %lt3A_566 = arith.constant 15 : i32
      %lt3A_567 = arith.cmpi slt, %scan3A_84, %lt3A_566 : i32
      %convert_element_type3A_568 = arith.extui %lt3A_567 : i1 to i32
      %cond3A_569 = arith.constant 0 : i32
      %cond3A_570 = arith.cmpi ne, %convert_element_type3A_568, %cond3A_569 : i32
      scf.if %cond3A_570 {
        %mul3A_603 = arith.constant 4 : i32
        %mul3A_604 = arith.muli %add3A_551, %mul3A_603 : i32
        %add3A_605 = arith.addi %mul3A_2, %mul3A_604 : i32
        %dma_start3A_606 = arith.constant 3 : i32
        %dma_start3A_607 = arith.constant 0 : i32
        %dma_start3A_608 = tpu.memref_slice %arg2[%dma_start3A_606, %add3A_605, %dma_start3A_607] : memref<4x4096x2048xf32, #tpu.memory_space<hbm>> -> memref<1x4x2048xf32, #tpu.memory_space<hbm>>
        %dma_start3A_609 = tpu.memref_squeeze %dma_start3A_608 : memref<1x4x2048xf32, #tpu.memory_space<hbm>> -> memref<4x2048xf32, #tpu.memory_space<hbm>>
        %dma_start3A_610 = arith.constant 0 : i32
        %dma_start3A_611 = tpu.memref_slice %arg2[%dma_start3A_606, %add3A_605, %dma_start3A_610] : memref<4x4096x2048xf32, #tpu.memory_space<hbm>> -> memref<1x4x2048xf32, #tpu.memory_space<hbm>>
        %dma_start3A_612 = tpu.memref_squeeze %dma_start3A_611 : memref<1x4x2048xf32, #tpu.memory_space<hbm>> -> memref<4x2048xf32, #tpu.memory_space<hbm>>
        tpu.enqueue_dma source(%dma_start3A_612 : memref<4x2048xf32, #tpu.memory_space<hbm>>) target(%arg8 : memref<4x2048xf32, #tpu.memory_space<vmem>>) target_semaphore(%arg18 : memref<!tpu.dma_semaphore, #tpu.memory_space<semaphore_mem>>)
      } else {
      }
      %mul3A_571 = arith.constant 4 : i32
      %mul3A_572 = arith.muli %add3A_545, %mul3A_571 : i32
      %add3A_573 = arith.addi %mul3A_2, %mul3A_572 : i32
      %dma_wait3A_574 = arith.constant 3 : i32
      %dma_wait3A_575 = arith.constant 0 : i32
      %dma_wait3A_576 = tpu.memref_slice %arg2[%dma_wait3A_574, %add3A_573, %dma_wait3A_575] : memref<4x4096x2048xf32, #tpu.memory_space<hbm>> -> memref<1x4x2048xf32, #tpu.memory_space<hbm>>
      %dma_wait3A_577 = tpu.memref_squeeze %dma_wait3A_576 : memref<1x4x2048xf32, #tpu.memory_space<hbm>> -> memref<4x2048xf32, #tpu.memory_space<hbm>>
      %dma_wait3A_578 = arith.constant 0 : i32
      %dma_wait3A_579 = tpu.memref_slice %arg2[%dma_wait3A_574, %add3A_573, %dma_wait3A_578] : memref<4x4096x2048xf32, #tpu.memory_space<hbm>> -> memref<1x4x2048xf32, #tpu.memory_space<hbm>>
      %dma_wait3A_580 = tpu.memref_squeeze %dma_wait3A_579 : memref<1x4x2048xf32, #tpu.memory_space<hbm>> -> memref<4x2048xf32, #tpu.memory_space<hbm>>
      tpu.wait_dma2 semaphore(%arg22 : memref<!tpu.dma_semaphore, #tpu.memory_space<semaphore_mem>>) src(%dma_wait3A_580 : memref<4x2048xf32, #tpu.memory_space<hbm>>) dst(%arg12 : memref<4x2048xf32, #tpu.memory_space<vmem>>)
      %parallel_loop3A_581 = arith.constant 0 : i32
      %parallel_loop3A_582 = arith.constant 2048 : i32
      %parallel_loop3A_583 = arith.constant 16 : i32
      scf.for %parallel_loop3A_603 = %parallel_loop3A_581 to %parallel_loop3A_582 step %parallel_loop3A_583  : i32 {
        %parallel_loop3A_604 = arith.constant 0 : i32
        %parallel_loop3A_605 = arith.index_cast %parallel_loop3A_604 : i32 to index
        %parallel_loop3A_606 = arith.index_cast %parallel_loop3A_603 : i32 to index
        %parallel_loop3A_607 = tpu.vector_load %arg14[%parallel_loop3A_605, %parallel_loop3A_606] {strides = array<i32>} : memref<4x2048xf32, #tpu.memory_space<vmem>>, vector<1x16xf32>,
        %parallel_loop3A_608 = vector.shape_cast %parallel_loop3A_607 : vector<1x16xf32> to vector<16xf32>
        %parallel_loop3A_609 = arith.constant 0 : i32
        %parallel_loop3A_610 = arith.index_cast %parallel_loop3A_609 : i32 to index
        %parallel_loop3A_611 = arith.index_cast %parallel_loop3A_603 : i32 to index
        %parallel_loop3A_612 = tpu.vector_load %arg12[%parallel_loop3A_610, %parallel_loop3A_611] {strides = array<i32>} : memref<4x2048xf32, #tpu.memory_space<vmem>>, vector<1x16xf32>,
        %parallel_loop3A_613 = vector.shape_cast %parallel_loop3A_612 : vector<1x16xf32> to vector<16xf32>
        %parallel_loop3A_614 = vector.shape_cast %parallel_loop3A_608 : vector<16xf32> to vector<1x16xf32>
        tpu.vector_store %arg12[%parallel_loop3A_610, %parallel_loop3A_611], %parallel_loop3A_614 {add = true, strides = array<i32>} : memref<4x2048xf32, #tpu.memory_space<vmem>>, vector<1x16xf32>,
      } {sc.loop_unroll_factor = 8 : i64, sc.parallel_access}
      %parallel_loop3A_584 = arith.constant 0 : i32
      %parallel_loop3A_585 = arith.constant 2048 : i32
      %parallel_loop3A_586 = arith.constant 16 : i32
      scf.for %parallel_loop3A_603 = %parallel_loop3A_584 to %parallel_loop3A_585 step %parallel_loop3A_586  : i32 {
        %parallel_loop3A_604 = arith.constant 1 : i32
        %parallel_loop3A_605 = arith.index_cast %parallel_loop3A_604 : i32 to index
        %parallel_loop3A_606 = arith.index_cast %parallel_loop3A_603 : i32 to index
        %parallel_loop3A_607 = tpu.vector_load %arg14[%parallel_loop3A_605, %parallel_loop3A_606] {strides = array<i32>} : memref<4x2048xf32, #tpu.memory_space<vmem>>, vector<1x16xf32>,
        %parallel_loop3A_608 = vector.shape_cast %parallel_loop3A_607 : vector<1x16xf32> to vector<16xf32>
        %parallel_loop3A_609 = arith.constant 1 : i32
        %parallel_loop3A_610 = arith.index_cast %parallel_loop3A_609 : i32 to index
        %parallel_loop3A_611 = arith.index_cast %parallel_loop3A_603 : i32 to index
        %parallel_loop3A_612 = tpu.vector_load %arg12[%parallel_loop3A_610, %parallel_loop3A_611] {strides = array<i32>} : memref<4x2048xf32, #tpu.memory_space<vmem>>, vector<1x16xf32>,
        %parallel_loop3A_613 = vector.shape_cast %parallel_loop3A_612 : vector<1x16xf32> to vector<16xf32>
        %parallel_loop3A_614 = vector.shape_cast %parallel_loop3A_608 : vector<16xf32> to vector<1x16xf32>
        tpu.vector_store %arg12[%parallel_loop3A_610, %parallel_loop3A_611], %parallel_loop3A_614 {add = true, strides = array<i32>} : memref<4x2048xf32, #tpu.memory_space<vmem>>, vector<1x16xf32>,
      } {sc.loop_unroll_factor = 8 : i64, sc.parallel_access}
      %parallel_loop3A_587 = arith.constant 0 : i32
      %parallel_loop3A_588 = arith.constant 2048 : i32
      %parallel_loop3A_589 = arith.constant 16 : i32
      scf.for %parallel_loop3A_603 = %parallel_loop3A_587 to %parallel_loop3A_588 step %parallel_loop3A_589  : i32 {
        %parallel_loop3A_604 = arith.constant 2 : i32
        %parallel_loop3A_605 = arith.index_cast %parallel_loop3A_604 : i32 to index
        %parallel_loop3A_606 = arith.index_cast %parallel_loop3A_603 : i32 to index
        %parallel_loop3A_607 = tpu.vector_load %arg14[%parallel_loop3A_605, %parallel_loop3A_606] {strides = array<i32>} : memref<4x2048xf32, #tpu.memory_space<vmem>>, vector<1x16xf32>,
        %parallel_loop3A_608 = vector.shape_cast %parallel_loop3A_607 : vector<1x16xf32> to vector<16xf32>
        %parallel_loop3A_609 = arith.constant 2 : i32
        %parallel_loop3A_610 = arith.index_cast %parallel_loop3A_609 : i32 to index
        %parallel_loop3A_611 = arith.index_cast %parallel_loop3A_603 : i32 to index
        %parallel_loop3A_612 = tpu.vector_load %arg12[%parallel_loop3A_610, %parallel_loop3A_611] {strides = array<i32>} : memref<4x2048xf32, #tpu.memory_space<vmem>>, vector<1x16xf32>,
        %parallel_loop3A_613 = vector.shape_cast %parallel_loop3A_612 : vector<1x16xf32> to vector<16xf32>
        %parallel_loop3A_614 = vector.shape_cast %parallel_loop3A_608 : vector<16xf32> to vector<1x16xf32>
        tpu.vector_store %arg12[%parallel_loop3A_610, %parallel_loop3A_611], %parallel_loop3A_614 {add = true, strides = array<i32>} : memref<4x2048xf32, #tpu.memory_space<vmem>>, vector<1x16xf32>,
      } {sc.loop_unroll_factor = 8 : i64, sc.parallel_access}
      %parallel_loop3A_590 = arith.constant 0 : i32
      %parallel_loop3A_591 = arith.constant 2048 : i32
      %parallel_loop3A_592 = arith.constant 16 : i32
      scf.for %parallel_loop3A_603 = %parallel_loop3A_590 to %parallel_loop3A_591 step %parallel_loop3A_592  : i32 {
        %parallel_loop3A_604 = arith.constant 3 : i32
        %parallel_loop3A_605 = arith.index_cast %parallel_loop3A_604 : i32 to index
        %parallel_loop3A_606 = arith.index_cast %parallel_loop3A_603 : i32 to index
        %parallel_loop3A_607 = tpu.vector_load %arg14[%parallel_loop3A_605, %parallel_loop3A_606] {strides = array<i32>} : memref<4x2048xf32, #tpu.memory_space<vmem>>, vector<1x16xf32>,
        %parallel_loop3A_608 = vector.shape_cast %parallel_loop3A_607 : vector<1x16xf32> to vector<16xf32>
        %parallel_loop3A_609 = arith.constant 3 : i32
        %parallel_loop3A_610 = arith.index_cast %parallel_loop3A_609 : i32 to index
        %parallel_loop3A_611 = arith.index_cast %parallel_loop3A_603 : i32 to index
        %parallel_loop3A_612 = tpu.vector_load %arg12[%parallel_loop3A_610, %parallel_loop3A_611] {strides = array<i32>} : memref<4x2048xf32, #tpu.memory_space<vmem>>, vector<1x16xf32>,
        %parallel_loop3A_613 = vector.shape_cast %parallel_loop3A_612 : vector<1x16xf32> to vector<16xf32>
        %parallel_loop3A_614 = vector.shape_cast %parallel_loop3A_608 : vector<16xf32> to vector<1x16xf32>
        tpu.vector_store %arg12[%parallel_loop3A_610, %parallel_loop3A_611], %parallel_loop3A_614 {add = true, strides = array<i32>} : memref<4x2048xf32, #tpu.memory_space<vmem>>, vector<1x16xf32>,
      } {sc.loop_unroll_factor = 8 : i64, sc.parallel_access}
      %mul3A_593 = arith.constant 4 : i32
      %mul3A_594 = arith.muli %add3A_545, %mul3A_593 : i32
      %add3A_595 = arith.addi %mul3A_2, %mul3A_594 : i32
      %dma_start3A_596 = arith.constant 3 : i32
      %dma_start3A_597 = arith.constant 0 : i32
      %dma_start3A_598 = tpu.memref_slice %arg4[%dma_start3A_596, %add3A_595, %dma_start3A_597] : memref<4x4096x2048xf32, #tpu.memory_space<hbm>> -> memref<1x4x2048xf32, #tpu.memory_space<hbm>>
      %dma_start3A_599 = tpu.memref_squeeze %dma_start3A_598 : memref<1x4x2048xf32, #tpu.memory_space<hbm>> -> memref<4x2048xf32, #tpu.memory_space<hbm>>
      %dma_start3A_600 = arith.constant 0 : i32
      %dma_start3A_601 = tpu.memref_slice %arg4[%dma_start3A_596, %add3A_595, %dma_start3A_600] : memref<4x4096x2048xf32, #tpu.memory_space<hbm>> -> memref<1x4x2048xf32, #tpu.memory_space<hbm>>
      %dma_start3A_602 = tpu.memref_squeeze %dma_start3A_601 : memref<1x4x2048xf32, #tpu.memory_space<hbm>> -> memref<4x2048xf32, #tpu.memory_space<hbm>>
      tpu.enqueue_dma source(%arg12 : memref<4x2048xf32, #tpu.memory_space<vmem>>) target(%dma_start3A_602 : memref<4x2048xf32, #tpu.memory_space<hbm>>) target_semaphore(%arg30 : memref<!tpu.dma_semaphore, #tpu.memory_space<semaphore_mem>>)
    }
    %scan3A_48 = arith.constant 16 : i32
    %add3A_49 = arith.constant 124 : i32
    %add3A_50 = arith.addi %mul3A_2, %add3A_49 : i32
    %dma_wait3A = arith.constant 0 : i32
    %dma_wait3A_51 = arith.constant 0 : i32
    %dma_wait3A_52 = tpu.memref_slice %arg4[%dma_wait3A, %add3A_50, %dma_wait3A_51] : memref<4x4096x2048xf32, #tpu.memory_space<hbm>> -> memref<1x4x2048xf32, #tpu.memory_space<hbm>>
    %dma_wait3A_53 = tpu.memref_squeeze %dma_wait3A_52 : memref<1x4x2048xf32, #tpu.memory_space<hbm>> -> memref<4x2048xf32, #tpu.memory_space<hbm>>
    %dma_wait3A_54 = arith.constant 0 : i32
    %dma_wait3A_55 = tpu.memref_slice %arg4[%dma_wait3A, %add3A_50, %dma_wait3A_54] : memref<4x4096x2048xf32, #tpu.memory_space<hbm>> -> memref<1x4x2048xf32, #tpu.memory_space<hbm>>
    %dma_wait3A_56 = tpu.memref_squeeze %dma_wait3A_55 : memref<1x4x2048xf32, #tpu.memory_space<hbm>> -> memref<4x2048xf32, #tpu.memory_space<hbm>>
    tpu.wait_dma2 semaphore(%arg27 : memref<!tpu.dma_semaphore, #tpu.memory_space<semaphore_mem>>) src(%arg9 : memref<4x2048xf32, #tpu.memory_space<vmem>>) dst(%dma_wait3A_56 : memref<4x2048xf32, #tpu.memory_space<hbm>>)
    %add3A_57 = arith.constant 124 : i32
    %add3A_58 = arith.addi %mul3A_2, %add3A_57 : i32
    %dma_wait3A_59 = arith.constant 1 : i32
    %dma_wait3A_60 = arith.constant 0 : i32
    %dma_wait3A_61 = tpu.memref_slice %arg4[%dma_wait3A_59, %add3A_58, %dma_wait3A_60] : memref<4x4096x2048xf32, #tpu.memory_space<hbm>> -> memref<1x4x2048xf32, #tpu.memory_space<hbm>>
    %dma_wait3A_62 = tpu.memref_squeeze %dma_wait3A_61 : memref<1x4x2048xf32, #tpu.memory_space<hbm>> -> memref<4x2048xf32, #tpu.memory_space<hbm>>
    %dma_wait3A_63 = arith.constant 0 : i32
    %dma_wait3A_64 = tpu.memref_slice %arg4[%dma_wait3A_59, %add3A_58, %dma_wait3A_63] : memref<4x4096x2048xf32, #tpu.memory_space<hbm>> -> memref<1x4x2048xf32, #tpu.memory_space<hbm>>
    %dma_wait3A_65 = tpu.memref_squeeze %dma_wait3A_64 : memref<1x4x2048xf32, #tpu.memory_space<hbm>> -> memref<4x2048xf32, #tpu.memory_space<hbm>>
    tpu.wait_dma2 semaphore(%arg28 : memref<!tpu.dma_semaphore, #tpu.memory_space<semaphore_mem>>) src(%arg10 : memref<4x2048xf32, #tpu.memory_space<vmem>>) dst(%dma_wait3A_65 : memref<4x2048xf32, #tpu.memory_space<hbm>>)
    %add3A_66 = arith.constant 124 : i32
    %add3A_67 = arith.addi %mul3A_2, %add3A_66 : i32
    %dma_wait3A_68 = arith.constant 2 : i32
    %dma_wait3A_69 = arith.constant 0 : i32
    %dma_wait3A_70 = tpu.memref_slice %arg4[%dma_wait3A_68, %add3A_67, %dma_wait3A_69] : memref<4x4096x2048xf32, #tpu.memory_space<hbm>> -> memref<1x4x2048xf32, #tpu.memory_space<hbm>>
    %dma_wait3A_71 = tpu.memref_squeeze %dma_wait3A_70 : memref<1x4x2048xf32, #tpu.memory_space<hbm>> -> memref<4x2048xf32, #tpu.memory_space<hbm>>
    %dma_wait3A_72 = arith.constant 0 : i32
    %dma_wait3A_73 = tpu.memref_slice %arg4[%dma_wait3A_68, %add3A_67, %dma_wait3A_72] : memref<4x4096x2048xf32, #tpu.memory_space<hbm>> -> memref<1x4x2048xf32, #tpu.memory_space<hbm>>
    %dma_wait3A_74 = tpu.memref_squeeze %dma_wait3A_73 : memref<1x4x2048xf32, #tpu.memory_space<hbm>> -> memref<4x2048xf32, #tpu.memory_space<hbm>>
    tpu.wait_dma2 semaphore(%arg29 : memref<!tpu.dma_semaphore, #tpu.memory_space<semaphore_mem>>) src(%arg11 : memref<4x2048xf32, #tpu.memory_space<vmem>>) dst(%dma_wait3A_74 : memref<4x2048xf32, #tpu.memory_space<hbm>>)
    %add3A_75 = arith.constant 124 : i32
    %add3A_76 = arith.addi %mul3A_2, %add3A_75 : i32
    %dma_wait3A_77 = arith.constant 3 : i32
    %dma_wait3A_78 = arith.constant 0 : i32
    %dma_wait3A_79 = tpu.memref_slice %arg4[%dma_wait3A_77, %add3A_76, %dma_wait3A_78] : memref<4x4096x2048xf32, #tpu.memory_space<hbm>> -> memref<1x4x2048xf32, #tpu.memory_space<hbm>>
    %dma_wait3A_80 = tpu.memref_squeeze %dma_wait3A_79 : memref<1x4x2048xf32, #tpu.memory_space<hbm>> -> memref<4x2048xf32, #tpu.memory_space<hbm>>
    %dma_wait3A_81 = arith.constant 0 : i32
    %dma_wait3A_82 = tpu.memref_slice %arg4[%dma_wait3A_77, %add3A_76, %dma_wait3A_81] : memref<4x4096x2048xf32, #tpu.memory_space<hbm>> -> memref<1x4x2048xf32, #tpu.memory_space<hbm>>
    %dma_wait3A_83 = tpu.memref_squeeze %dma_wait3A_82 : memref<1x4x2048xf32, #tpu.memory_space<hbm>> -> memref<4x2048xf32, #tpu.memory_space<hbm>>
    tpu.wait_dma2 semaphore(%arg30 : memref<!tpu.dma_semaphore, #tpu.memory_space<semaphore_mem>>) src(%arg12 : memref<4x2048xf32, #tpu.memory_space<vmem>>) dst(%dma_wait3A_83 : memref<4x2048xf32, #tpu.memory_space<hbm>>)
    return
  }
}

</mosaic_0001>

<sc_bundles>
// kernel: kernel.3.cloned.1.call-start
scs
__scs_entry_jumppad:
0x0: {  	(pc) =	sbr.rel $0x88, $3  }
0x1: {  	(tag) =	ssettag $0x0;
	lr =	simm.s32 $0x1  }
0x2: {  	[smem:$0x3F9F] =	sst lr;
	_ =	strace $0xD0000000  }
0x3: {  	_ = 	snop  }
0x4: {  	_ = 	snop  }
0x5: {  	_ = 	snop  }
0x6: {  	_ = 	snop  }
0x7: {  	_ = 	snop  }
__scs_overlays_trampoline_lowered:
0x8: {  	[smem:$0x3FAE] =	sst s0  }
0x9: {  	[smem:$0x3FAF] =	sst s1  }
0xa: {  	[smem:$0x3FB0] =	sst s2  }
0xb: {  	[smem:$0x3FB1] =	sst s3  }
0xc: {  	[smem:$0x3FB2] =	sst s4  }
0xd: {  	[smem:$0x3FB3] =	sst s5  }
0xe: {  	[smem:$0x3FB4] =	sst s6  }
0xf: {  	[smem:$0x3FB5] =	sst s7  }
0x10: {  	[smem:$0x3FB6] =	sst s8  }
0x11: {  	[smem:$0x3FB7] =	sst s9;
	s0 =	simm.s32 @!p0 $0x0  }
0x12: {  	s1 =	sld [smem:$0x3F9D];
	s0 =	simm.s32 @p0 $0x1  }
0x13: {  	[smem:$0x3FB8] =	sst s0;
	s0 =	simm.s32 @!p1 $0x0  }
0x14: {  	s2 =	sld [smem:$0x3F9C];
	s0 =	simm.s32 @p1 $0x1  }
0x15: {  	[smem:$0x3FB9] =	sst s0;
	s0 =	simm.s32 @!p2 $0x0  }
0x16: {  	s3 =	sld [smem:$0x3FDB];
	s0 =	simm.s32 @p2 $0x1  }
0x17: {  	s4 =	simm.s32 $0x1BF5;
	[smem:$0x3FBB] =	sst s0  }
0x18: {  	s0 =	sld [smem:$0x3F9E];
	_ =	swait.ge [sflag:s4], $0x0  }
0x19: {  	s7 =	sld [smem:$0x3F9F]  }
0x1a: {  	s8 =	sadd.s32 $0xFFFFE003, lr  }
0x1b: {  	s9 =	sadd.s32 $0xFFFFFEF7, lr;
	s5 =	simm.s32 $0xFFFFFFFF;
	p2 =	slt.u32 s8, $0xFFFFF086  }
0x1c: {  	p1 =	slt.u32 s9, $0xF7A;
	s5 =	simm.s32 @!p2 $0x0  }
0x1d: {  	s5 =	simm.s32 @p1 $0x1;
	p0 =	seq.s32 s7, s2  }
0x1e: {  	s7 =	smul.u32 @!p0 $0xF7A, s2;
	p2 =	seq.s32 @!p0 s5, $0x0  }
0x1f: {  	s9 =	smul.u32 $0xF7A, s1;
	s8 =	simm.s32 @!p0 $0x1BF5;
	p2 =	por !p2, p0  }
0x20: {  	[sflag:s8] =	ssyncset.s32 @!p0 $0xFFFFF086;
	s6 =	sadd.s32 @!p0 s3, s7;
	s7 =	simm.s32 @!p0 $0x108  }
0x21: {  	s3 =	sadd.s32 s3, s9;
	s6 =	sadd.s32 @!p0 $0x88, s6;
	s7 =	simm.s32 @p2 $0x1082  }
0x22: {  	[simem:s7], [sflag:s8] =	dma.local @!p0 [hbm:s6], $0xF7A  }
0x23: {  	s9 =	sor.u32 $0xD0000000, s2;
	s6 =	simm.s32 $0x108;
	_ =	swait.ge @!p0 [sflag:s8], $0x0  }
0x24: {  	s3 =	sadd.s32 $0x88, s3;
	s6 =	simm.s32 @!p1 $0x1082;
	[sflag:s4] =	ssyncset.s32 $0xFFFFF086  }
0x25: {  	[simem:s6], [sflag:s4] =	dma.local [hbm:s3], $0xF7A  }
0x26: {  	[smem:$0x3F9F] =	sst s1;
	(tag) =	ssettag s2;
	_ =	strace s9  }
0x27: {  	s1 =	sld [smem:$0x3FAF]  }
0x28: {  	s2 =	sld [smem:$0x3FB0]  }
0x29: {  	s4 =	sld [smem:$0x3FB2]  }
0x2a: {  	p0 =	seq.s32 s5, $0x0;
	s5 =	sld [smem:$0x3FB3]  }
0x2b: {  	s6 =	sld [smem:$0x3FB4]  }
0x2c: {  	s7 =	sld [smem:$0x3FB5]  }
0x2d: {  	s3 =	simm.s32 $0x108;
	s8 =	sld [smem:$0x3FB6]  }
0x2e: {  	s3 =	simm.s32 @!p0 $0x1082;
	s9 =	sld [smem:$0x3FB7]  }
0x2f: {  	lr =	sadd.s32 s0, s3;
	s0 =	sld [smem:$0x3FAE]  }
0x30: {  	s3 =	sld [smem:$0x3FB1]  }
0x31: {  	[smem:$0x3FBA] =	sst s10  }
0x32: {  	s10 =	sld [smem:$0x3FB8];
	_ =	sdelay $0x3  }
0x33: {  	p0 =	seq.s32 s10, $0x1;
	s10 =	sld [smem:$0x3FBA];
	_ =	sdelay $0x3  }
0x34: {  	[smem:$0x3FBA] =	sst s10  }
0x35: {  	s10 =	sld [smem:$0x3FB9];
	_ =	sdelay $0x3  }
0x36: {  	p1 =	seq.s32 s10, $0x1;
	s10 =	sld [smem:$0x3FBA];
	_ =	sdelay $0x3  }
0x37: {  	[smem:$0x3FBA] =	sst s10  }
0x38: {  	s10 =	sld [smem:$0x3FBB]  }
0x39: {  	_ = 	snop;
	(pc) =	sbr.ind lr, $3  }
0x3a: {  	_ = 	snop  }
0x3b: {  	_ = 	snop  }
0x3c: {  	p2 =	seq.s32 s10, $0x1;
	s10 =	sld [smem:$0x3FBA]  }
0x3d: {  	_ =	shalt  }
0x3e: {  	_ =	shalt  }
0x3f: {  	_ =	shalt  }
0x40: {  	_ =	shalt  }
0x41: {  	_ =	shalt  }
0x42: {  	_ =	shalt  }
0x43: {  	_ =	shalt  }
0x44: {  	_ =	shalt  }
0x45: {  	_ =	shalt  }
0x46: {  	_ =	shalt  }
0x47: {  	_ =	shalt  }
0x48: {  	_ =	shalt  }
0x49: {  	_ =	shalt  }
0x4a: {  	_ =	shalt  }
0x4b: {  	_ =	shalt  }
0x4c: {  	_ =	shalt  }
0x4d: {  	_ =	shalt  }
0x4e: {  	_ =	shalt  }
0x4f: {  	_ =	shalt  }
0x50: {  	_ =	shalt  }
0x51: {  	_ =	shalt  }
0x52: {  	_ =	shalt  }
0x53: {  	_ =	shalt  }
0x54: {  	_ =	shalt  }
0x55: {  	_ =	shalt  }
0x56: {  	_ =	shalt  }
0x57: {  	_ =	shalt  }
0x58: {  	_ =	shalt  }
0x59: {  	_ =	shalt  }
0x5a: {  	_ =	shalt  }
0x5b: {  	_ =	shalt  }
0x5c: {  	_ =	shalt  }
0x5d: {  	_ =	shalt  }
0x5e: {  	_ =	shalt  }
0x5f: {  	_ =	shalt  }
0x60: {  	_ =	shalt  }
0x61: {  	_ =	shalt  }
0x62: {  	_ =	shalt  }
0x63: {  	_ =	shalt  }
0x64: {  	_ =	shalt  }
0x65: {  	_ =	shalt  }
0x66: {  	_ =	shalt  }
0x67: {  	_ =	shalt  }
0x68: {  	_ =	shalt  }
0x69: {  	_ =	shalt  }
0x6a: {  	_ =	shalt  }
0x6b: {  	_ =	shalt  }
0x6c: {  	_ =	shalt  }
0x6d: {  	_ =	shalt  }
0x6e: {  	_ =	shalt  }
0x6f: {  	_ =	shalt  }
0x70: {  	_ =	shalt  }
0x71: {  	_ =	shalt  }
0x72: {  	_ =	shalt  }
0x73: {  	_ =	shalt  }
0x74: {  	_ =	shalt  }
0x75: {  	_ =	shalt  }
0x76: {  	_ =	shalt  }
0x77: {  	_ =	shalt  }
0x78: {  	_ =	shalt  }
0x79: {  	_ =	shalt  }
0x7a: {  	_ =	shalt  }
0x7b: {  	_ =	shalt  }
0x7c: {  	_ =	shalt  }
0x7d: {  	_ =	shalt  }
0x7e: {  	_ =	shalt  }
0x7f: {  	_ =	shalt  }
0x80: {  	_ =	shalt  }
0x81: {  	_ =	shalt  }
0x82: {  	_ =	shalt  }
0x83: {  	_ =	shalt  }
0x84: {  	_ =	shalt  }
0x85: {  	_ =	shalt  }
0x86: {  	_ =	shalt  }
0x87: {  	_ =	shalt  }
.Lfunc_end0:
.L_simem_size_0:
called_computation_lowered:
.L_overlay_start_0:
0x88: {  	s2 =	sld [smem:$0x3FD9]  }
0x89: {  	s3 =	sld [smem:$0x3FFE];
	_ =	sdelay $0x1  }
0x8a: {  	s1 =	srdreg.scid  }
0x8b: {  	s0 =	sand.u32 $0x1, s1  }
0x8c: {  	s18 =	sshll.u32 s0, $0xA;
	s2 =	sadd.s32 s3, s2  }
0x8d: {  	s2 =	sadd.s32 s2, s18  }
0x8e: {  	[smem:$0x3FC6] =	sst s2  }
0x8f: {  	_ = 	snop  }
0x90: {  	s2 =	sld [smem:$0x3FC9]  }
0x91: {  	s19 =	sld [smem:$0x3FC8]  }
0x92: {  	s4 =	sld [smem:$0x3FD0];
	(tm) =	ssettm $0x1  }
0x93: {  	s5 =	sld [smem:$0x3FFB];
	_ =	sdelay $0x3  }
0x94: {  	_ =	strace s5  }
0x95: {  	s5 =	sld [smem:$0x3FFC];
	_ =	sdelay $0x3  }
0x96: {  	_ =	strace s5  }
0x97: {  	s5 =	sld [smem:$0x3FFD];
	_ =	sdelay $0x3  }
0x98: {  	_ =	strace s5  }
0x99: {  	_ =	strace $0x8FFFFFFF  }
0x9a: {  	s20 =	sld [smem:$0x3FDB];
	_ =	sdelay $0x1  }
0x9b: {  	s6 =	simm.s32 $_scs_section_size  }
0x9c: {  	s7 =	simm.s32 $_size__tile_overlayer_lowered;
	s8 =	simm.s32 $_tile_overlayer_lowered  }
0x9d: {  	s23 =	simm.s32 $0x1BFF;
	s22 =	sshll.u32 s8, $0x1;
	s5 =	sadd.s32 s6, s20  }
0x9e: {  	s9 =	simm.s32 $0x0;
	s21 =	sshll.u32 s7, $0x1;
	s7 =	sadd.s32 s22, s5  }
0x9f: {  	[timem:s9], [sflag:s23] =	dma.local [hbm:s7], s21  }
0xa0: {  	_ =	swait.ge [sflag:s23], s21  }
0xa1: {  	s6 =	ssub.s32 $0x0, s21;
	[sflag:s23] =	ssyncset.done $0x0  }
0xa2: {  	[sflag:s23] =	ssyncadd.s32 s6;
	_ =	sdelay $0x1  }
0xa3: {  	s24 =	simm.s32 $0x1B8B  }
0xa4: {  	_ =	swait.ge [sflag:s24], $0x1  }
0xa5: {  	[sflag:s24] =	ssyncset.done $0x0  }
0xa6: {  	s25 =	simm.s32 $0x1B8E;
	[sflag:s24] =	ssyncadd.s32 $0xFFFFFFFF  }
0xa7: {  	s26 =	simm.s32 $execute0_lowered;
	[smem:$0x3FD2] =	sst s25  }
0xa8: {  	s6 =	sshll.u32 s26, $0x1;
	_ =	strace $0x80000046;
	[dreg:$0x1] =	wrdreg $0xFFFFFFFF  }
0xa9: {  	s28 =	simm.s32 $_size_execute0_lowered;
	s5 =	sadd.s32 s5, s6;
	[dreg:$0x0] =	wrdreg $0x0  }
0xaa: {  	s6 =	sshll.u32 s28, $0x1;
	[dreg:$0x2] =	wrdreg s5  }
0xab: {  	[dreg:$0x3] =	wrdreg s6  }
0xac: {  	[dreg:$0x4] =	wrdreg $0xC0  }
0xad: {  	_ =	task [dreg:s9], $0x5FFFF  }
0xae: {  	[dreg:$0x1] =	wrdreg $0xFFFFFFFF  }
0xaf: {  	[dreg:$0x0] =	wrdreg $0x60  }
0xb0: {  	[dreg:$0x2] =	wrdreg s2  }
0xb1: {  	[dreg:$0x3] =	wrdreg s19  }
0xb2: {  	[dreg:$0x4] =	wrdreg s4  }
0xb3: {  	[dreg:$0x5] =	wrdreg $0x9  }
0xb4: {  	_ =	task.clear_ibuf [dreg:s9], $0x6FFFF;
	_ =	strace $0x90000046  }
0xb5: {  	s29 =	simm.s32 $0x9;
	_ =	strace $0x80000048  }
0xb6: {  	_ =	swait.ge [sflag:s29], $0x1  }
0xb7: {  	[sflag:s29] =	ssyncadd.s32 $0xFFFFFFFF  }
0xb8: {  	_ =	strace $0x90000048  }
0xb9: {  	_ =	sfence  }
0xba: {  	s30 =	sld [smem:$0x0];
	_ =	sdelay $0x2  }
0xbb: {  	s31 =	sshll.u32 s1, $0xD;
	s1 =	sshrl.u32 s1, $0x2  }
0xbc: {  	s3 =	sand.u32 $0x4000, s31;
	s1 =	sadd.s32 s1, s30  }
0xbd: {  	s0 =	sor.u32 s3, s0;
	s1 =	sshll.u32 s1, $0x11  }
0xbe: {  	s0 =	sor.u32 s1, s0  }
0xbf: {  	s0 =	sadd.s32 $0x8F2B, s0  }
0xc0: {  	[sflag:s0] =	ssyncadd.remote.s32 $0x1  }
0xc1: {  	_ =	sfence.sel $0xFFFF  }
0xc2: {  	[dreg:$0x0] =	wrdreg $0xFFFFFFFF;
	(pc) =	sbr.abs _section_cstart, $3  }
0xc3: {  	[dreg:$0x1] =	wrdreg $0xFFFFFFFF  }
0xc4: {  	_ =	task.clear_ibuf [dreg:s9], $0x2FFFF;
	_ =	strace $0x9FFFFFFF  }
0xc5: {  	(tm) =	ssettm $0x7FFFFFFF  }
tec
execute0_lowered:
.L_overlay_start_1:
0x0: {  	(tag) =	ssettag $0x1  }
0x1: {  	s1 =	rddreg [dreg:$0x0];
	s0 =	srdreg.scid  }
0x2: {  	s5 =	rddreg [dreg:$0x1];
	s2 =	stileid.u32  }
0x3: {  	s4 =	rddreg [dreg:$0x2];
	s6 =	simm.s32 $0x0;
	s16 =	simm.s32 $0x200  }
0x4: {  	s17 =	simm.s32 $0x400;
	s29 =	simm.s32 $0x8000;
	s31 =	simm.s32 $0xA000  }
0x5: {  	s28 =	simm.s32 $0x2;
	s30 =	simm.s32 $0x3;
	s18 =	simm.s32 $0x9  }
0x6: {  	s14 =	simm.s32 $0x5;
	s8 =	simm.s32 $0xA;
	s19 =	simm.s32 $0xC  }
0x7: {  	s10 =	simm.s32 $0x0;
	s0 =	sand.u32 $0x1, s0;
	s2 =	sshll.u32 s2, $0x8  }
0x8: {  	[smem:$0x7FF] =	sst s6;
	s25 =	sadd.s32 $0x300000, s4;
	s3 =	sshll.u32 s0, $0x7  }
0x9: {  	s0 =	ssub.s32 $0x2, s0;
	_ =	strace $0x80000047;
	[dreg:$0x9] =	wrdreg s25  }
0xa: {  	s25 =	simm.s32 $0x1;
	s2 =	sor.u32 s3, s2;
	s21 =	sshrl.u32 s0, $0x1  }
0xb: {  	s3 =	simm.s32 $0x6;
	s20 =	sshll.u32 s2, $0x8;
	s0 =	ssub.s32 s0, s21  }
0xc: {  	s2 =	sshrl.u32 s2, $0x3;
	s7 =	sadd.s32 s1, s20;
	[dreg:$0x4] =	wrdreg s20  }
0xd: {  	s22 =	sadd.s32 s5, s20;
	[dreg:$0x8] =	wrdreg s2;
	s0 =	smax.u32 s0, $0x1  }
0xe: {  	s2 =	simm.s32 $0x4;
	s5 =	simm.s32 $0x7;
	[dreg:$0xa] =	wrdreg s0  }
0xf: {  	s20 =	simm.s32 $0x8;
	s23 =	sadd.s32 $0x100000, s7;
	[dreg:$0x5] =	wrdreg s22  }
0x10: {  	s24 =	sadd.s32 $0x200000, s7;
	s11 =	sadd.s32 $0x300000, s7;
	[dreg:$0x6] =	wrdreg s23  }
0x11: {  	s26 =	sadd.s32 $0x800, s22;
	s22 =	simm.s32 $0x11;
	[dreg:$0x7] =	wrdreg s24  }
0x12: {  	s0 =	simm.s32 $0x12;
	[dreg:$0xb] =	wrdreg s26;
	s23 =	simm.s32 $0xB  }
.LBB2_1:
0x13: {  	s6 =	rddreg [dreg:$0x5];
	s9 =	simm.s32 $0x10000  }
0x14: {  	[tilespmem:s9], [sflag:$0x11] =	stream.strided.gather [hbm4b:s6+s16], $0x2000, s17, s16, $0x38;
	[tilespmem:$0x14000] =	vst v63  }
0x15: {  	s12 =	simm.s32 $0x0  }
0x16: {  	[tilespmem:s12], [sflag:$0x1] =	stream.strided.gather [hbm4b:s7+s16], $0x2000, s17, s16, $0x38;
	[tilespmem:$0x14000] =	vst v63  }
0x17: {  	s13 =	rddreg [dreg:$0x6];
	s15 =	simm.s32 $0x2000  }
0x18: {  	[tilespmem:s15], [sflag:$0x2] =	stream.strided.gather [hbm4b:s13+s16], $0x2000, s17, s16, $0x38;
	[tilespmem:$0x14000] =	vst v63  }
0x19: {  	s21 =	rddreg [dreg:$0x7];
	s24 =	simm.s32 $0x4000  }
0x1a: {  	[tilespmem:s24], [sflag:$0x3] =	stream.strided.gather [hbm4b:s21+s16], $0x2000, s17, s16, $0x38;
	[tilespmem:$0x14000] =	vst v63  }
0x1b: {  	[dreg:$0xc] =	wrdreg s10;
	s26 =	simm.s32 $0x6000;
	s21 =	simm.s32 $0x0  }
0x1c: {  	[tilespmem:s26], [sflag:$0x4] =	stream.strided.gather [hbm4b:s11+s16], $0x2000, s17, s16, $0x38;
	[tilespmem:$0x14000] =	vst v63  }
.LBB2_2:
0x1d: {  	_ =	swait.ge [sflag:s22], $0x2000  }
0x1e: {  	s24 =	sshll.u32 s21, $0xB;
	s6 =	rddreg [dreg:$0x4];
	[sflag:s22] =	ssyncset.done $0x0  }
0x1f: {  	s15 =	sadd.s32 s6, s24;
	[sflag:s22] =	ssyncadd.s32 $0xFFFFE000  }
0x20: {  	s6 =	sor.u32 $0x40, s15;
	s9 =	rddreg [dreg:$0x1]  }
0x21: {  	s10 =	simm.s32 $0x12000;
	p0 =	seq.s32 s21, $0x0;
	s9 =	sadd.s32 s9, s6  }
0x22: {  	[tilespmem:s10], [sflag:$0x12] =	stream.strided.gather [hbm4b:s9+s16], $0x2000, s17, s16, $0x38;
	[tilespmem:$0x14000] =	vst v63  }
0x23: {  	s9 =	simm.s32 @!p0 $0xD  }
0x24: {  	_ =	swait.ge @!p0 [sflag:s9], $0x2000  }
0x25: {  	[sflag:s9] =	ssyncset.done @!p0 $0x0  }
0x26: {  	s13 =	sadd.s32 s1, s6;
	[sflag:s9] =	ssyncadd.s32 @!p0 $0xFFFFE000  }
0x27: {  	[tilespmem:s29], [sflag:$0x5] =	stream.strided.gather [hbm4b:s13+s16], $0x2000, s17, s16, $0x38;
	[tilespmem:$0x14000] =	vst v63  }
0x28: {  	_ =	swait.ge [sflag:s25], $0x2000  }
0x29: {  	[sflag:s25] =	ssyncset.done $0x0  }
0x2a: {  	s12 =	simm.s32 $0x0;
	[sflag:s25] =	ssyncadd.s32 $0xFFFFE000  }
0x2b: {  	v0 =	vld [tilespmem:s12+$0x10070]  }
0x2c: {  	v1 =	vld [tilespmem:s12+$0x10000]  }
0x2d: {  	v2 =	vld [tilespmem:s12+$0x10010]  }
0x2e: {  	v3 =	vld [tilespmem:s12+$0x10020]  }
0x2f: {  	v4 =	vld [tilespmem:s12+$0x10030]  }
0x30: {  	v5 =	vld [tilespmem:s12+$0x10040]  }
0x31: {  	v6 =	vld [tilespmem:s12+$0x10050]  }
0x32: {  	[tilespmem:s12+$0x70] =	vst.add.f32.msk $0xffff, v0  }
0x33: {  	v0 =	vld [tilespmem:s12+$0x10060]  }
0x34: {  	[tilespmem:s12+$0x0] =	vst.add.f32.msk $0xffff, v1  }
0x35: {  	[tilespmem:s12+$0x10] =	vst.add.f32.msk $0xffff, v2  }
0x36: {  	[tilespmem:s12+$0x20] =	vst.add.f32.msk $0xffff, v3  }
0x37: {  	s26 =	rddreg [dreg:$0x8];
	[tilespmem:s12+$0x30] =	vst.add.f32.msk $0xffff, v4  }
0x38: {  	s13 =	simm.s32 $0x0;
	[tilespmem:s12+$0x40] =	vst.add.f32.msk $0xffff, v5;
	s9 =	sor.u32 s26, s21  }
0x39: {  	[tilespmem:s12+$0x50] =	vst.add.f32.msk $0xffff, v6;
	s26 =	sshll.u32 s21, $0x1;
	s29 =	sshll.u32 s9, $0xB;
	s9 =	simm.s32 $0x800  }
.LBB2_3:
0x3a: {  	s13 =	sadd.s32 $0x80, s13;
	[tilespmem:s12+$0x60] =	vst.add.f32.msk $0xffff, v0;
	s12 =	sshra.s32 s9, $0x2  }
0x3b: {  	v0 =	vld [tilespmem:s12+$0x10070];
	p1 =	slt.u32 s13, $0x780  }
0x3c: {  	v1 =	vld [tilespmem:s12+$0x10000]  }
0x3d: {  	v2 =	vld [tilespmem:s12+$0x10010]  }
0x3e: {  	v3 =	vld [tilespmem:s12+$0x10020]  }
0x3f: {  	v4 =	vld [tilespmem:s12+$0x10030]  }
0x40: {  	[tilespmem:s12+$0x70] =	vst.add.f32.msk $0xffff, v0  }
0x41: {  	v5 =	vld [tilespmem:s12+$0x10040]  }
0x42: {  	v6 =	vld [tilespmem:s12+$0x10050]  }
0x43: {  	v0 =	vld [tilespmem:s12+$0x10060]  }
0x44: {  	[tilespmem:s12+$0x0] =	vst.add.f32.msk $0xffff, v1  }
.Ltmp0:
0x45: {  	[tilespmem:s12+$0x10] =	vst.add.f32.msk $0xffff, v2;
	(pc) =	sbr.rel @p1 .LBB2_3-.Ltmp0, $4  }
0x46: {  	[tilespmem:s12+$0x20] =	vst.add.f32.msk $0xffff, v3  }
0x47: {  	[tilespmem:s12+$0x30] =	vst.add.f32.msk $0xffff, v4  }
0x48: {  	[tilespmem:s12+$0x40] =	vst.add.f32.msk $0xffff, v5  }
0x49: {  	s9 =	sadd.s32 $0x800, s9;
	[tilespmem:s12+$0x50] =	vst.add.f32.msk $0xffff, v6  }
0x4a: {  	[tilespmem:s12+$0x60] =	vst.add.f32.msk $0xffff, v0;
	s12 =	simm.s32 $0x0  }
0x4b: {  	v0 =	vld [tilespmem:s12+$0x100F0]  }
0x4c: {  	v1 =	vld [tilespmem:s12+$0x10080]  }
0x4d: {  	v2 =	vld [tilespmem:s12+$0x10090]  }
0x4e: {  	v3 =	vld [tilespmem:s12+$0x100A0]  }
0x4f: {  	v4 =	vld [tilespmem:s12+$0x100B0]  }
0x50: {  	v5 =	vld [tilespmem:s12+$0x100C0]  }
0x51: {  	v6 =	vld [tilespmem:s12+$0x100D0]  }
0x52: {  	[tilespmem:s12+$0xF0] =	vst.add.f32.msk $0xffff, v0  }
0x53: {  	v0 =	vld [tilespmem:s12+$0x100E0]  }
0x54: {  	[tilespmem:s12+$0x80] =	vst.add.f32.msk $0xffff, v1  }
0x55: {  	[tilespmem:s12+$0x90] =	vst.add.f32.msk $0xffff, v2  }
0x56: {  	[tilespmem:s12+$0xA0] =	vst.add.f32.msk $0xffff, v3  }
0x57: {  	[tilespmem:s12+$0xB0] =	vst.add.f32.msk $0xffff, v4  }
0x58: {  	[tilespmem:s12+$0xC0] =	vst.add.f32.msk $0xffff, v5  }
0x59: {  	s13 =	simm.s32 $0x0;
	s9 =	simm.s32 $0x800;
	[tilespmem:s12+$0xD0] =	vst.add.f32.msk $0xffff, v6  }
.LBB2_5:
0x5a: {  	s13 =	sadd.s32 $0x80, s13;
	[tilespmem:s12+$0xE0] =	vst.add.f32.msk $0xffff, v0;
	s12 =	sshra.s32 s9, $0x2  }
0x5b: {  	v0 =	vld [tilespmem:s12+$0x100F0];
	p1 =	slt.u32 s13, $0x780  }
0x5c: {  	v1 =	vld [tilespmem:s12+$0x10080]  }
0x5d: {  	v2 =	vld [tilespmem:s12+$0x10090]  }
0x5e: {  	v3 =	vld [tilespmem:s12+$0x100A0]  }
0x5f: {  	v4 =	vld [tilespmem:s12+$0x100B0]  }
0x60: {  	[tilespmem:s12+$0xF0] =	vst.add.f32.msk $0xffff, v0  }
0x61: {  	v5 =	vld [tilespmem:s12+$0x100C0]  }
0x62: {  	v6 =	vld [tilespmem:s12+$0x100D0]  }
0x63: {  	v0 =	vld [tilespmem:s12+$0x100E0]  }
0x64: {  	[tilespmem:s12+$0x80] =	vst.add.f32.msk $0xffff, v1  }
.Ltmp1:
0x65: {  	[tilespmem:s12+$0x90] =	vst.add.f32.msk $0xffff, v2;
	(pc) =	sbr.rel @p1 .LBB2_5-.Ltmp1, $4  }
0x66: {  	[tilespmem:s12+$0xA0] =	vst.add.f32.msk $0xffff, v3  }
0x67: {  	[tilespmem:s12+$0xB0] =	vst.add.f32.msk $0xffff, v4  }
0x68: {  	[tilespmem:s12+$0xC0] =	vst.add.f32.msk $0xffff, v5  }
0x69: {  	s9 =	sadd.s32 $0x800, s9;
	[tilespmem:s12+$0xD0] =	vst.add.f32.msk $0xffff, v6  }
0x6a: {  	[tilespmem:s12+$0xE0] =	vst.add.f32.msk $0xffff, v0;
	s12 =	simm.s32 $0x0  }
0x6b: {  	v0 =	vld [tilespmem:s12+$0x10170]  }
0x6c: {  	v1 =	vld [tilespmem:s12+$0x10100]  }
0x6d: {  	v2 =	vld [tilespmem:s12+$0x10110]  }
0x6e: {  	v3 =	vld [tilespmem:s12+$0x10120]  }
0x6f: {  	v4 =	vld [tilespmem:s12+$0x10130]  }
0x70: {  	v5 =	vld [tilespmem:s12+$0x10140]  }
0x71: {  	v6 =	vld [tilespmem:s12+$0x10150]  }
0x72: {  	[tilespmem:s12+$0x170] =	vst.add.f32.msk $0xffff, v0  }
0x73: {  	v0 =	vld [tilespmem:s12+$0x10160]  }
0x74: {  	[tilespmem:s12+$0x100] =	vst.add.f32.msk $0xffff, v1  }
0x75: {  	[tilespmem:s12+$0x110] =	vst.add.f32.msk $0xffff, v2  }
0x76: {  	[tilespmem:s12+$0x120] =	vst.add.f32.msk $0xffff, v3  }
0x77: {  	[tilespmem:s12+$0x130] =	vst.add.f32.msk $0xffff, v4  }
0x78: {  	[tilespmem:s12+$0x140] =	vst.add.f32.msk $0xffff, v5  }
0x79: {  	s13 =	simm.s32 $0x0;
	s9 =	simm.s32 $0x800;
	[tilespmem:s12+$0x150] =	vst.add.f32.msk $0xffff, v6  }
.LBB2_7:
0x7a: {  	s13 =	sadd.s32 $0x80, s13;
	[tilespmem:s12+$0x160] =	vst.add.f32.msk $0xffff, v0;
	s12 =	sshra.s32 s9, $0x2  }
0x7b: {  	v0 =	vld [tilespmem:s12+$0x10170];
	p1 =	slt.u32 s13, $0x780  }
0x7c: {  	v1 =	vld [tilespmem:s12+$0x10100]  }
0x7d: {  	v2 =	vld [tilespmem:s12+$0x10110]  }
0x7e: {  	v3 =	vld [tilespmem:s12+$0x10120]  }
0x7f: {  	v4 =	vld [tilespmem:s12+$0x10130]  }
0x80: {  	[tilespmem:s12+$0x170] =	vst.add.f32.msk $0xffff, v0  }
0x81: {  	v5 =	vld [tilespmem:s12+$0x10140]  }
0x82: {  	v6 =	vld [tilespmem:s12+$0x10150]  }
0x83: {  	v0 =	vld [tilespmem:s12+$0x10160]  }
0x84: {  	[tilespmem:s12+$0x100] =	vst.add.f32.msk $0xffff, v1  }
.Ltmp2:
0x85: {  	[tilespmem:s12+$0x110] =	vst.add.f32.msk $0xffff, v2;
	(pc) =	sbr.rel @p1 .LBB2_7-.Ltmp2, $4  }
0x86: {  	[tilespmem:s12+$0x120] =	vst.add.f32.msk $0xffff, v3  }
0x87: {  	[tilespmem:s12+$0x130] =	vst.add.f32.msk $0xffff, v4  }
0x88: {  	[tilespmem:s12+$0x140] =	vst.add.f32.msk $0xffff, v5  }
0x89: {  	s9 =	sadd.s32 $0x800, s9;
	[tilespmem:s12+$0x150] =	vst.add.f32.msk $0xffff, v6  }
0x8a: {  	[tilespmem:s12+$0x160] =	vst.add.f32.msk $0xffff, v0;
	s12 =	simm.s32 $0x0  }
0x8b: {  	v0 =	vld [tilespmem:s12+$0x101F0]  }
0x8c: {  	v1 =	vld [tilespmem:s12+$0x10180]  }
0x8d: {  	v2 =	vld [tilespmem:s12+$0x10190]  }
0x8e: {  	v3 =	vld [tilespmem:s12+$0x101A0]  }
0x8f: {  	v4 =	vld [tilespmem:s12+$0x101B0]  }
0x90: {  	v5 =	vld [tilespmem:s12+$0x101C0]  }
0x91: {  	v6 =	vld [tilespmem:s12+$0x101D0]  }
0x92: {  	[tilespmem:s12+$0x1F0] =	vst.add.f32.msk $0xffff, v0  }
0x93: {  	v0 =	vld [tilespmem:s12+$0x101E0]  }
0x94: {  	[tilespmem:s12+$0x180] =	vst.add.f32.msk $0xffff, v1  }
0x95: {  	[tilespmem:s12+$0x190] =	vst.add.f32.msk $0xffff, v2  }
0x96: {  	[tilespmem:s12+$0x1A0] =	vst.add.f32.msk $0xffff, v3  }
0x97: {  	[tilespmem:s12+$0x1B0] =	vst.add.f32.msk $0xffff, v4  }
0x98: {  	[tilespmem:s12+$0x1C0] =	vst.add.f32.msk $0xffff, v5  }
0x99: {  	s13 =	simm.s32 $0x0;
	s9 =	simm.s32 $0x800;
	[tilespmem:s12+$0x1D0] =	vst.add.f32.msk $0xffff, v6  }
.LBB2_9:
0x9a: {  	s13 =	sadd.s32 $0x80, s13;
	[tilespmem:s12+$0x1E0] =	vst.add.f32.msk $0xffff, v0;
	s12 =	sshra.s32 s9, $0x2  }
0x9b: {  	v0 =	vld [tilespmem:s12+$0x101F0];
	p1 =	slt.u32 s13, $0x780  }
0x9c: {  	v1 =	vld [tilespmem:s12+$0x10180]  }
0x9d: {  	v2 =	vld [tilespmem:s12+$0x10190]  }
0x9e: {  	v3 =	vld [tilespmem:s12+$0x101A0]  }
0x9f: {  	v4 =	vld [tilespmem:s12+$0x101B0]  }
0xa0: {  	[tilespmem:s12+$0x1F0] =	vst.add.f32.msk $0xffff, v0  }
0xa1: {  	v5 =	vld [tilespmem:s12+$0x101C0]  }
0xa2: {  	v6 =	vld [tilespmem:s12+$0x101D0]  }
0xa3: {  	v0 =	vld [tilespmem:s12+$0x101E0]  }
0xa4: {  	[tilespmem:s12+$0x180] =	vst.add.f32.msk $0xffff, v1  }
.Ltmp3:
0xa5: {  	[tilespmem:s12+$0x190] =	vst.add.f32.msk $0xffff, v2;
	(pc) =	sbr.rel @p1 .LBB2_9-.Ltmp3, $4  }
0xa6: {  	[tilespmem:s12+$0x1A0] =	vst.add.f32.msk $0xffff, v3  }
0xa7: {  	[tilespmem:s12+$0x1B0] =	vst.add.f32.msk $0xffff, v4  }
0xa8: {  	[tilespmem:s12+$0x1C0] =	vst.add.f32.msk $0xffff, v5  }
0xa9: {  	s9 =	sadd.s32 $0x800, s9;
	[tilespmem:s12+$0x1D0] =	vst.add.f32.msk $0xffff, v6  }
0xaa: {  	[tilespmem:s12+$0x1E0] =	vst.add.f32.msk $0xffff, v0;
	s9 =	sadd.s32 s4, s29;
	s10 =	simm.s32 $0x0  }
0xab: {  	[hbm4b:s9+s16] =	stream.strided.scatter [tilespmem:s10], [sflag:$0x9], $0x2000, s17, s16, $0x38;
	[tilespmem:$0x14000] =	vst v63  }
0xac: {  	s9 =	simm.s32 @!p0 $0xE  }
0xad: {  	_ =	swait.ge @!p0 [sflag:s9], $0x2000  }
0xae: {  	s12 =	sor.u32 $0x100040, s15;
	[sflag:s9] =	ssyncset.done @!p0 $0x0  }
0xaf: {  	s13 =	sadd.s32 s1, s12;
	[sflag:s9] =	ssyncadd.s32 @!p0 $0xFFFFE000  }
0xb0: {  	[tilespmem:s31], [sflag:$0x6] =	stream.strided.gather [hbm4b:s13+s16], $0x2000, s17, s16, $0x38;
	[tilespmem:$0x14000] =	vst v63  }
0xb1: {  	_ =	swait.ge [sflag:s28], $0x2000  }
0xb2: {  	[sflag:s28] =	ssyncset.done $0x0  }
0xb3: {  	s13 =	simm.s32 $0x0;
	[sflag:s28] =	ssyncadd.s32 $0xFFFFE000  }
0xb4: {  	v0 =	vld [tilespmem:s13+$0x10070]  }
0xb5: {  	v1 =	vld [tilespmem:s13+$0x10000]  }
0xb6: {  	v2 =	vld [tilespmem:s13+$0x10010]  }
0xb7: {  	v3 =	vld [tilespmem:s13+$0x10020]  }
0xb8: {  	v4 =	vld [tilespmem:s13+$0x10030]  }
0xb9: {  	v5 =	vld [tilespmem:s13+$0x10040]  }
0xba: {  	v6 =	vld [tilespmem:s13+$0x10050]  }
0xbb: {  	[tilespmem:s13+$0x2070] =	vst.add.f32.msk $0xffff, v0  }
0xbc: {  	v0 =	vld [tilespmem:s13+$0x10060]  }
0xbd: {  	[tilespmem:s13+$0x2000] =	vst.add.f32.msk $0xffff, v1  }
0xbe: {  	[tilespmem:s13+$0x2010] =	vst.add.f32.msk $0xffff, v2  }
0xbf: {  	[tilespmem:s13+$0x2020] =	vst.add.f32.msk $0xffff, v3  }
0xc0: {  	[tilespmem:s13+$0x2030] =	vst.add.f32.msk $0xffff, v4  }
0xc1: {  	[tilespmem:s13+$0x2040] =	vst.add.f32.msk $0xffff, v5  }
0xc2: {  	s9 =	simm.s32 $0x800;
	s31 =	simm.s32 $0x0;
	[tilespmem:s13+$0x2050] =	vst.add.f32.msk $0xffff, v6  }
.LBB2_11:
0xc3: {  	s31 =	sadd.s32 $0x80, s31;
	[tilespmem:s13+$0x2060] =	vst.add.f32.msk $0xffff, v0;
	s13 =	sshra.s32 s9, $0x2  }
0xc4: {  	v0 =	vld [tilespmem:s13+$0x10070];
	p1 =	slt.u32 s31, $0x780  }
0xc5: {  	v1 =	vld [tilespmem:s13+$0x10000]  }
0xc6: {  	v2 =	vld [tilespmem:s13+$0x10010]  }
0xc7: {  	v3 =	vld [tilespmem:s13+$0x10020]  }
0xc8: {  	v4 =	vld [tilespmem:s13+$0x10030]  }
0xc9: {  	[tilespmem:s13+$0x2070] =	vst.add.f32.msk $0xffff, v0  }
0xca: {  	v5 =	vld [tilespmem:s13+$0x10040]  }
0xcb: {  	v6 =	vld [tilespmem:s13+$0x10050]  }
0xcc: {  	v0 =	vld [tilespmem:s13+$0x10060]  }
0xcd: {  	[tilespmem:s13+$0x2000] =	vst.add.f32.msk $0xffff, v1  }
.Ltmp4:
0xce: {  	[tilespmem:s13+$0x2010] =	vst.add.f32.msk $0xffff, v2;
	(pc) =	sbr.rel @p1 .LBB2_11-.Ltmp4, $4  }
0xcf: {  	[tilespmem:s13+$0x2020] =	vst.add.f32.msk $0xffff, v3  }
0xd0: {  	[tilespmem:s13+$0x2030] =	vst.add.f32.msk $0xffff, v4  }
0xd1: {  	[tilespmem:s13+$0x2040] =	vst.add.f32.msk $0xffff, v5  }
0xd2: {  	s9 =	sadd.s32 $0x800, s9;
	[tilespmem:s13+$0x2050] =	vst.add.f32.msk $0xffff, v6  }
0xd3: {  	[tilespmem:s13+$0x2060] =	vst.add.f32.msk $0xffff, v0;
	s13 =	simm.s32 $0x0  }
0xd4: {  	v0 =	vld [tilespmem:s13+$0x100F0]  }
0xd5: {  	v1 =	vld [tilespmem:s13+$0x10080]  }
0xd6: {  	v2 =	vld [tilespmem:s13+$0x10090]  }
0xd7: {  	v3 =	vld [tilespmem:s13+$0x100A0]  }
0xd8: {  	v4 =	vld [tilespmem:s13+$0x100B0]  }
0xd9: {  	v5 =	vld [tilespmem:s13+$0x100C0]  }
0xda: {  	v6 =	vld [tilespmem:s13+$0x100D0]  }
0xdb: {  	[tilespmem:s13+$0x20F0] =	vst.add.f32.msk $0xffff, v0  }
0xdc: {  	v0 =	vld [tilespmem:s13+$0x100E0]  }
0xdd: {  	[tilespmem:s13+$0x2080] =	vst.add.f32.msk $0xffff, v1  }
0xde: {  	[tilespmem:s13+$0x2090] =	vst.add.f32.msk $0xffff, v2  }
0xdf: {  	[tilespmem:s13+$0x20A0] =	vst.add.f32.msk $0xffff, v3  }
0xe0: {  	[tilespmem:s13+$0x20B0] =	vst.add.f32.msk $0xffff, v4  }
0xe1: {  	[tilespmem:s13+$0x20C0] =	vst.add.f32.msk $0xffff, v5  }
0xe2: {  	s31 =	simm.s32 $0x0;
	s9 =	simm.s32 $0x800;
	[tilespmem:s13+$0x20D0] =	vst.add.f32.msk $0xffff, v6  }
.LBB2_13:
0xe3: {  	s31 =	sadd.s32 $0x80, s31;
	[tilespmem:s13+$0x20E0] =	vst.add.f32.msk $0xffff, v0;
	s13 =	sshra.s32 s9, $0x2  }
0xe4: {  	v0 =	vld [tilespmem:s13+$0x100F0];
	p1 =	slt.u32 s31, $0x780  }
0xe5: {  	v1 =	vld [tilespmem:s13+$0x10080]  }
0xe6: {  	v2 =	vld [tilespmem:s13+$0x10090]  }
0xe7: {  	v3 =	vld [tilespmem:s13+$0x100A0]  }
0xe8: {  	v4 =	vld [tilespmem:s13+$0x100B0]  }
0xe9: {  	[tilespmem:s13+$0x20F0] =	vst.add.f32.msk $0xffff, v0  }
0xea: {  	v5 =	vld [tilespmem:s13+$0x100C0]  }
0xeb: {  	v6 =	vld [tilespmem:s13+$0x100D0]  }
0xec: {  	v0 =	vld [tilespmem:s13+$0x100E0]  }
0xed: {  	[tilespmem:s13+$0x2080] =	vst.add.f32.msk $0xffff, v1  }
.Ltmp5:
0xee: {  	[tilespmem:s13+$0x2090] =	vst.add.f32.msk $0xffff, v2;
	(pc) =	sbr.rel @p1 .LBB2_13-.Ltmp5, $4  }
0xef: {  	[tilespmem:s13+$0x20A0] =	vst.add.f32.msk $0xffff, v3  }
0xf0: {  	[tilespmem:s13+$0x20B0] =	vst.add.f32.msk $0xffff, v4  }
0xf1: {  	[tilespmem:s13+$0x20C0] =	vst.add.f32.msk $0xffff, v5  }
0xf2: {  	s9 =	sadd.s32 $0x800, s9;
	[tilespmem:s13+$0x20D0] =	vst.add.f32.msk $0xffff, v6  }
0xf3: {  	[tilespmem:s13+$0x20E0] =	vst.add.f32.msk $0xffff, v0;
	s13 =	simm.s32 $0x0  }
0xf4: {  	v0 =	vld [tilespmem:s13+$0x10170]  }
0xf5: {  	v1 =	vld [tilespmem:s13+$0x10100]  }
0xf6: {  	v2 =	vld [tilespmem:s13+$0x10110]  }
0xf7: {  	v3 =	vld [tilespmem:s13+$0x10120]  }
0xf8: {  	v4 =	vld [tilespmem:s13+$0x10130]  }
0xf9: {  	v5 =	vld [tilespmem:s13+$0x10140]  }
0xfa: {  	v6 =	vld [tilespmem:s13+$0x10150]  }
0xfb: {  	[tilespmem:s13+$0x2170] =	vst.add.f32.msk $0xffff, v0  }
0xfc: {  	v0 =	vld [tilespmem:s13+$0x10160]  }
0xfd: {  	[tilespmem:s13+$0x2100] =	vst.add.f32.msk $0xffff, v1  }
0xfe: {  	[tilespmem:s13+$0x2110] =	vst.add.f32.msk $0xffff, v2  }
0xff: {  	[tilespmem:s13+$0x2120] =	vst.add.f32.msk $0xffff, v3  }
0x100: {  	[tilespmem:s13+$0x2130] =	vst.add.f32.msk $0xffff, v4  }
0x101: {  	[tilespmem:s13+$0x2140] =	vst.add.f32.msk $0xffff, v5  }
0x102: {  	s31 =	simm.s32 $0x0;
	s9 =	simm.s32 $0x800;
	[tilespmem:s13+$0x2150] =	vst.add.f32.msk $0xffff, v6  }
.LBB2_15:
0x103: {  	s31 =	sadd.s32 $0x80, s31;
	[tilespmem:s13+$0x2160] =	vst.add.f32.msk $0xffff, v0;
	s13 =	sshra.s32 s9, $0x2  }
0x104: {  	v0 =	vld [tilespmem:s13+$0x10170];
	p1 =	slt.u32 s31, $0x780  }
0x105: {  	v1 =	vld [tilespmem:s13+$0x10100]  }
0x106: {  	v2 =	vld [tilespmem:s13+$0x10110]  }
0x107: {  	v3 =	vld [tilespmem:s13+$0x10120]  }
0x108: {  	v4 =	vld [tilespmem:s13+$0x10130]  }
0x109: {  	[tilespmem:s13+$0x2170] =	vst.add.f32.msk $0xffff, v0  }
0x10a: {  	v5 =	vld [tilespmem:s13+$0x10140]  }
0x10b: {  	v6 =	vld [tilespmem:s13+$0x10150]  }
0x10c: {  	v0 =	vld [tilespmem:s13+$0x10160]  }
0x10d: {  	[tilespmem:s13+$0x2100] =	vst.add.f32.msk $0xffff, v1  }
.Ltmp6:
0x10e: {  	[tilespmem:s13+$0x2110] =	vst.add.f32.msk $0xffff, v2;
	(pc) =	sbr.rel @p1 .LBB2_15-.Ltmp6, $4  }
0x10f: {  	[tilespmem:s13+$0x2120] =	vst.add.f32.msk $0xffff, v3  }
0x110: {  	[tilespmem:s13+$0x2130] =	vst.add.f32.msk $0xffff, v4  }
0x111: {  	[tilespmem:s13+$0x2140] =	vst.add.f32.msk $0xffff, v5  }
0x112: {  	s9 =	sadd.s32 $0x800, s9;
	[tilespmem:s13+$0x2150] =	vst.add.f32.msk $0xffff, v6  }
0x113: {  	[tilespmem:s13+$0x2160] =	vst.add.f32.msk $0xffff, v0;
	s13 =	simm.s32 $0x0  }
0x114: {  	v0 =	vld [tilespmem:s13+$0x101F0]  }
0x115: {  	v1 =	vld [tilespmem:s13+$0x10180]  }
0x116: {  	v2 =	vld [tilespmem:s13+$0x10190]  }
0x117: {  	v3 =	vld [tilespmem:s13+$0x101A0]  }
0x118: {  	v4 =	vld [tilespmem:s13+$0x101B0]  }
0x119: {  	v5 =	vld [tilespmem:s13+$0x101C0]  }
0x11a: {  	v6 =	vld [tilespmem:s13+$0x101D0]  }
0x11b: {  	[tilespmem:s13+$0x21F0] =	vst.add.f32.msk $0xffff, v0  }
0x11c: {  	v0 =	vld [tilespmem:s13+$0x101E0]  }
0x11d: {  	[tilespmem:s13+$0x2180] =	vst.add.f32.msk $0xffff, v1  }
0x11e: {  	[tilespmem:s13+$0x2190] =	vst.add.f32.msk $0xffff, v2  }
0x11f: {  	[tilespmem:s13+$0x21A0] =	vst.add.f32.msk $0xffff, v3  }
0x120: {  	[tilespmem:s13+$0x21B0] =	vst.add.f32.msk $0xffff, v4  }
0x121: {  	[tilespmem:s13+$0x21C0] =	vst.add.f32.msk $0xffff, v5  }
0x122: {  	s31 =	simm.s32 $0x0;
	s9 =	simm.s32 $0x800;
	[tilespmem:s13+$0x21D0] =	vst.add.f32.msk $0xffff, v6  }
.LBB2_17:
0x123: {  	s31 =	sadd.s32 $0x80, s31;
	[tilespmem:s13+$0x21E0] =	vst.add.f32.msk $0xffff, v0;
	s13 =	sshra.s32 s9, $0x2  }
0x124: {  	v0 =	vld [tilespmem:s13+$0x101F0];
	p1 =	slt.u32 s31, $0x780  }
0x125: {  	v1 =	vld [tilespmem:s13+$0x10180]  }
0x126: {  	v2 =	vld [tilespmem:s13+$0x10190]  }
0x127: {  	v3 =	vld [tilespmem:s13+$0x101A0]  }
0x128: {  	v4 =	vld [tilespmem:s13+$0x101B0]  }
0x129: {  	[tilespmem:s13+$0x21F0] =	vst.add.f32.msk $0xffff, v0  }
0x12a: {  	v5 =	vld [tilespmem:s13+$0x101C0]  }
0x12b: {  	v6 =	vld [tilespmem:s13+$0x101D0]  }
0x12c: {  	v0 =	vld [tilespmem:s13+$0x101E0]  }
0x12d: {  	[tilespmem:s13+$0x2180] =	vst.add.f32.msk $0xffff, v1  }
.Ltmp7:
0x12e: {  	[tilespmem:s13+$0x2190] =	vst.add.f32.msk $0xffff, v2;
	(pc) =	sbr.rel @p1 .LBB2_17-.Ltmp7, $4  }
0x12f: {  	[tilespmem:s13+$0x21A0] =	vst.add.f32.msk $0xffff, v3  }
0x130: {  	[tilespmem:s13+$0x21B0] =	vst.add.f32.msk $0xffff, v4  }
0x131: {  	[tilespmem:s13+$0x21C0] =	vst.add.f32.msk $0xffff, v5  }
0x132: {  	s9 =	sadd.s32 $0x800, s9;
	[tilespmem:s13+$0x21D0] =	vst.add.f32.msk $0xffff, v6  }
0x133: {  	s9 =	sor.u32 $0x100000, s29  }
0x134: {  	[tilespmem:s13+$0x21E0] =	vst.add.f32.msk $0xffff, v0;
	s10 =	simm.s32 $0x2000;
	s9 =	sadd.s32 s4, s9  }
0x135: {  	[hbm4b:s9+s16] =	stream.strided.scatter [tilespmem:s10], [sflag:$0xA], $0x2000, s17, s16, $0x38;
	[tilespmem:$0x14000] =	vst v63  }
0x136: {  	s9 =	simm.s32 @!p0 $0xF  }
0x137: {  	_ =	swait.ge @!p0 [sflag:s9], $0x2000  }
0x138: {  	s13 =	sor.u32 $0x200040, s15;
	[sflag:s9] =	ssyncset.done @!p0 $0x0  }
0x139: {  	s10 =	simm.s32 $0xC000;
	[sflag:s9] =	ssyncadd.s32 @!p0 $0xFFFFE000;
	s9 =	sadd.s32 s1, s13  }
0x13a: {  	[tilespmem:s10], [sflag:$0x7] =	stream.strided.gather [hbm4b:s9+s16], $0x2000, s17, s16, $0x38;
	[tilespmem:$0x14000] =	vst v63  }
0x13b: {  	_ =	swait.ge [sflag:s30], $0x2000  }
0x13c: {  	[sflag:s30] =	ssyncset.done $0x0  }
0x13d: {  	s31 =	simm.s32 $0x0;
	[sflag:s30] =	ssyncadd.s32 $0xFFFFE000  }
0x13e: {  	v0 =	vld [tilespmem:s31+$0x10070]  }
0x13f: {  	v1 =	vld [tilespmem:s31+$0x10000]  }
0x140: {  	v2 =	vld [tilespmem:s31+$0x10010]  }
0x141: {  	v3 =	vld [tilespmem:s31+$0x10020]  }
0x142: {  	v4 =	vld [tilespmem:s31+$0x10030]  }
0x143: {  	v5 =	vld [tilespmem:s31+$0x10040]  }
0x144: {  	v6 =	vld [tilespmem:s31+$0x10050]  }
0x145: {  	[tilespmem:s31+$0x4070] =	vst.add.f32.msk $0xffff, v0  }
0x146: {  	v0 =	vld [tilespmem:s31+$0x10060]  }
0x147: {  	[tilespmem:s31+$0x4000] =	vst.add.f32.msk $0xffff, v1  }
0x148: {  	[tilespmem:s31+$0x4010] =	vst.add.f32.msk $0xffff, v2  }
0x149: {  	[tilespmem:s31+$0x4020] =	vst.add.f32.msk $0xffff, v3  }
0x14a: {  	[tilespmem:s31+$0x4030] =	vst.add.f32.msk $0xffff, v4  }
0x14b: {  	[tilespmem:s31+$0x4040] =	vst.add.f32.msk $0xffff, v5  }
0x14c: {  	s9 =	simm.s32 $0x0;
	s10 =	simm.s32 $0x800;
	[tilespmem:s31+$0x4050] =	vst.add.f32.msk $0xffff, v6  }
.LBB2_19:
0x14d: {  	s9 =	sadd.s32 $0x80, s9;
	[tilespmem:s31+$0x4060] =	vst.add.f32.msk $0xffff, v0;
	s31 =	sshra.s32 s10, $0x2  }
0x14e: {  	v0 =	vld [tilespmem:s31+$0x10070];
	p1 =	slt.u32 s9, $0x780  }
0x14f: {  	v1 =	vld [tilespmem:s31+$0x10000]  }
0x150: {  	v2 =	vld [tilespmem:s31+$0x10010]  }
0x151: {  	v3 =	vld [tilespmem:s31+$0x10020]  }
0x152: {  	v4 =	vld [tilespmem:s31+$0x10030]  }
0x153: {  	[tilespmem:s31+$0x4070] =	vst.add.f32.msk $0xffff, v0  }
0x154: {  	v5 =	vld [tilespmem:s31+$0x10040]  }
0x155: {  	v6 =	vld [tilespmem:s31+$0x10050]  }
0x156: {  	v0 =	vld [tilespmem:s31+$0x10060]  }
0x157: {  	[tilespmem:s31+$0x4000] =	vst.add.f32.msk $0xffff, v1  }
.Ltmp8:
0x158: {  	[tilespmem:s31+$0x4010] =	vst.add.f32.msk $0xffff, v2;
	(pc) =	sbr.rel @p1 .LBB2_19-.Ltmp8, $4  }
0x159: {  	[tilespmem:s31+$0x4020] =	vst.add.f32.msk $0xffff, v3  }
0x15a: {  	[tilespmem:s31+$0x4030] =	vst.add.f32.msk $0xffff, v4  }
0x15b: {  	[tilespmem:s31+$0x4040] =	vst.add.f32.msk $0xffff, v5  }
0x15c: {  	s10 =	sadd.s32 $0x800, s10;
	[tilespmem:s31+$0x4050] =	vst.add.f32.msk $0xffff, v6  }
0x15d: {  	[tilespmem:s31+$0x4060] =	vst.add.f32.msk $0xffff, v0;
	s31 =	simm.s32 $0x0  }
0x15e: {  	v0 =	vld [tilespmem:s31+$0x100F0]  }
0x15f: {  	v1 =	vld [tilespmem:s31+$0x10080]  }
0x160: {  	v2 =	vld [tilespmem:s31+$0x10090]  }
0x161: {  	v3 =	vld [tilespmem:s31+$0x100A0]  }
0x162: {  	v4 =	vld [tilespmem:s31+$0x100B0]  }
0x163: {  	v5 =	vld [tilespmem:s31+$0x100C0]  }
0x164: {  	v6 =	vld [tilespmem:s31+$0x100D0]  }
0x165: {  	[tilespmem:s31+$0x40F0] =	vst.add.f32.msk $0xffff, v0  }
0x166: {  	v0 =	vld [tilespmem:s31+$0x100E0]  }
0x167: {  	[tilespmem:s31+$0x4080] =	vst.add.f32.msk $0xffff, v1  }
0x168: {  	[tilespmem:s31+$0x4090] =	vst.add.f32.msk $0xffff, v2  }
0x169: {  	[tilespmem:s31+$0x40A0] =	vst.add.f32.msk $0xffff, v3  }
0x16a: {  	[tilespmem:s31+$0x40B0] =	vst.add.f32.msk $0xffff, v4  }
0x16b: {  	[tilespmem:s31+$0x40C0] =	vst.add.f32.msk $0xffff, v5  }
0x16c: {  	s9 =	simm.s32 $0x0;
	s10 =	simm.s32 $0x800;
	[tilespmem:s31+$0x40D0] =	vst.add.f32.msk $0xffff, v6  }
.LBB2_21:
0x16d: {  	s9 =	sadd.s32 $0x80, s9;
	[tilespmem:s31+$0x40E0] =	vst.add.f32.msk $0xffff, v0;
	s31 =	sshra.s32 s10, $0x2  }
0x16e: {  	v0 =	vld [tilespmem:s31+$0x100F0];
	p1 =	slt.u32 s9, $0x780  }
0x16f: {  	v1 =	vld [tilespmem:s31+$0x10080]  }
0x170: {  	v2 =	vld [tilespmem:s31+$0x10090]  }
0x171: {  	v3 =	vld [tilespmem:s31+$0x100A0]  }
0x172: {  	v4 =	vld [tilespmem:s31+$0x100B0]  }
0x173: {  	[tilespmem:s31+$0x40F0] =	vst.add.f32.msk $0xffff, v0  }
0x174: {  	v5 =	vld [tilespmem:s31+$0x100C0]  }
0x175: {  	v6 =	vld [tilespmem:s31+$0x100D0]  }
0x176: {  	v0 =	vld [tilespmem:s31+$0x100E0]  }
0x177: {  	[tilespmem:s31+$0x4080] =	vst.add.f32.msk $0xffff, v1  }
.Ltmp9:
0x178: {  	[tilespmem:s31+$0x4090] =	vst.add.f32.msk $0xffff, v2;
	(pc) =	sbr.rel @p1 .LBB2_21-.Ltmp9, $4  }
0x179: {  	[tilespmem:s31+$0x40A0] =	vst.add.f32.msk $0xffff, v3  }
0x17a: {  	[tilespmem:s31+$0x40B0] =	vst.add.f32.msk $0xffff, v4  }
0x17b: {  	[tilespmem:s31+$0x40C0] =	vst.add.f32.msk $0xffff, v5  }
0x17c: {  	s10 =	sadd.s32 $0x800, s10;
	[tilespmem:s31+$0x40D0] =	vst.add.f32.msk $0xffff, v6  }
0x17d: {  	[tilespmem:s31+$0x40E0] =	vst.add.f32.msk $0xffff, v0;
	s31 =	simm.s32 $0x0  }
0x17e: {  	v0 =	vld [tilespmem:s31+$0x10170]  }
0x17f: {  	v1 =	vld [tilespmem:s31+$0x10100]  }
0x180: {  	v2 =	vld [tilespmem:s31+$0x10110]  }
0x181: {  	v3 =	vld [tilespmem:s31+$0x10120]  }
0x182: {  	v4 =	vld [tilespmem:s31+$0x10130]  }
0x183: {  	v5 =	vld [tilespmem:s31+$0x10140]  }
0x184: {  	v6 =	vld [tilespmem:s31+$0x10150]  }
0x185: {  	[tilespmem:s31+$0x4170] =	vst.add.f32.msk $0xffff, v0  }
0x186: {  	v0 =	vld [tilespmem:s31+$0x10160]  }
0x187: {  	[tilespmem:s31+$0x4100] =	vst.add.f32.msk $0xffff, v1  }
0x188: {  	[tilespmem:s31+$0x4110] =	vst.add.f32.msk $0xffff, v2  }
0x189: {  	[tilespmem:s31+$0x4120] =	vst.add.f32.msk $0xffff, v3  }
0x18a: {  	[tilespmem:s31+$0x4130] =	vst.add.f32.msk $0xffff, v4  }
0x18b: {  	[tilespmem:s31+$0x4140] =	vst.add.f32.msk $0xffff, v5  }
0x18c: {  	s9 =	simm.s32 $0x0;
	s10 =	simm.s32 $0x800;
	[tilespmem:s31+$0x4150] =	vst.add.f32.msk $0xffff, v6  }
.LBB2_23:
0x18d: {  	s9 =	sadd.s32 $0x80, s9;
	[tilespmem:s31+$0x4160] =	vst.add.f32.msk $0xffff, v0;
	s31 =	sshra.s32 s10, $0x2  }
0x18e: {  	v0 =	vld [tilespmem:s31+$0x10170];
	p1 =	slt.u32 s9, $0x780  }
0x18f: {  	v1 =	vld [tilespmem:s31+$0x10100]  }
0x190: {  	v2 =	vld [tilespmem:s31+$0x10110]  }
0x191: {  	v3 =	vld [tilespmem:s31+$0x10120]  }
0x192: {  	v4 =	vld [tilespmem:s31+$0x10130]  }
0x193: {  	[tilespmem:s31+$0x4170] =	vst.add.f32.msk $0xffff, v0  }
0x194: {  	v5 =	vld [tilespmem:s31+$0x10140]  }
0x195: {  	v6 =	vld [tilespmem:s31+$0x10150]  }
0x196: {  	v0 =	vld [tilespmem:s31+$0x10160]  }
0x197: {  	[tilespmem:s31+$0x4100] =	vst.add.f32.msk $0xffff, v1  }
.Ltmp10:
0x198: {  	[tilespmem:s31+$0x4110] =	vst.add.f32.msk $0xffff, v2;
	(pc) =	sbr.rel @p1 .LBB2_23-.Ltmp10, $4  }
0x199: {  	[tilespmem:s31+$0x4120] =	vst.add.f32.msk $0xffff, v3  }
0x19a: {  	[tilespmem:s31+$0x4130] =	vst.add.f32.msk $0xffff, v4  }
0x19b: {  	[tilespmem:s31+$0x4140] =	vst.add.f32.msk $0xffff, v5  }
0x19c: {  	s10 =	sadd.s32 $0x800, s10;
	[tilespmem:s31+$0x4150] =	vst.add.f32.msk $0xffff, v6  }
0x19d: {  	[tilespmem:s31+$0x4160] =	vst.add.f32.msk $0xffff, v0;
	s31 =	simm.s32 $0x0  }
0x19e: {  	v0 =	vld [tilespmem:s31+$0x101F0]  }
0x19f: {  	v1 =	vld [tilespmem:s31+$0x10180]  }
0x1a0: {  	v2 =	vld [tilespmem:s31+$0x10190]  }
0x1a1: {  	v3 =	vld [tilespmem:s31+$0x101A0]  }
0x1a2: {  	v4 =	vld [tilespmem:s31+$0x101B0]  }
0x1a3: {  	v5 =	vld [tilespmem:s31+$0x101C0]  }
0x1a4: {  	v6 =	vld [tilespmem:s31+$0x101D0]  }
0x1a5: {  	[tilespmem:s31+$0x41F0] =	vst.add.f32.msk $0xffff, v0  }
0x1a6: {  	v0 =	vld [tilespmem:s31+$0x101E0]  }
0x1a7: {  	[tilespmem:s31+$0x4180] =	vst.add.f32.msk $0xffff, v1  }
0x1a8: {  	[tilespmem:s31+$0x4190] =	vst.add.f32.msk $0xffff, v2  }
0x1a9: {  	[tilespmem:s31+$0x41A0] =	vst.add.f32.msk $0xffff, v3  }
0x1aa: {  	[tilespmem:s31+$0x41B0] =	vst.add.f32.msk $0xffff, v4  }
0x1ab: {  	[tilespmem:s31+$0x41C0] =	vst.add.f32.msk $0xffff, v5  }
0x1ac: {  	s9 =	simm.s32 $0x0;
	s10 =	simm.s32 $0x800;
	[tilespmem:s31+$0x41D0] =	vst.add.f32.msk $0xffff, v6  }
.LBB2_25:
0x1ad: {  	s9 =	sadd.s32 $0x80, s9;
	[tilespmem:s31+$0x41E0] =	vst.add.f32.msk $0xffff, v0;
	s31 =	sshra.s32 s10, $0x2  }
0x1ae: {  	v0 =	vld [tilespmem:s31+$0x101F0];
	p1 =	slt.u32 s9, $0x780  }
0x1af: {  	v1 =	vld [tilespmem:s31+$0x10180]  }
0x1b0: {  	v2 =	vld [tilespmem:s31+$0x10190]  }
0x1b1: {  	v3 =	vld [tilespmem:s31+$0x101A0]  }
0x1b2: {  	v4 =	vld [tilespmem:s31+$0x101B0]  }
0x1b3: {  	[tilespmem:s31+$0x41F0] =	vst.add.f32.msk $0xffff, v0  }
0x1b4: {  	v5 =	vld [tilespmem:s31+$0x101C0]  }
0x1b5: {  	v6 =	vld [tilespmem:s31+$0x101D0]  }
0x1b6: {  	v0 =	vld [tilespmem:s31+$0x101E0]  }
0x1b7: {  	[tilespmem:s31+$0x4180] =	vst.add.f32.msk $0xffff, v1  }
.Ltmp11:
0x1b8: {  	[tilespmem:s31+$0x4190] =	vst.add.f32.msk $0xffff, v2;
	(pc) =	sbr.rel @p1 .LBB2_25-.Ltmp11, $4  }
0x1b9: {  	[tilespmem:s31+$0x41A0] =	vst.add.f32.msk $0xffff, v3  }
0x1ba: {  	[tilespmem:s31+$0x41B0] =	vst.add.f32.msk $0xffff, v4  }
0x1bb: {  	[tilespmem:s31+$0x41C0] =	vst.add.f32.msk $0xffff, v5  }
0x1bc: {  	s10 =	sadd.s32 $0x800, s10;
	[tilespmem:s31+$0x41D0] =	vst.add.f32.msk $0xffff, v6  }
0x1bd: {  	s9 =	sor.u32 $0x200000, s29  }
0x1be: {  	[tilespmem:s31+$0x41E0] =	vst.add.f32.msk $0xffff, v0;
	s10 =	simm.s32 $0x4000;
	s9 =	sadd.s32 s4, s9  }
0x1bf: {  	[hbm4b:s9+s16] =	stream.strided.scatter [tilespmem:s10], [sflag:$0xB], $0x2000, s17, s16, $0x38;
	[tilespmem:$0x14000] =	vst v63  }
0x1c0: {  	s9 =	simm.s32 @!p0 $0x10  }
0x1c1: {  	_ =	swait.ge @!p0 [sflag:s9], $0x2000  }
0x1c2: {  	s15 =	sor.u32 $0x300040, s15;
	[sflag:s9] =	ssyncset.done @!p0 $0x0  }
0x1c3: {  	s10 =	simm.s32 $0xE000;
	[sflag:s9] =	ssyncadd.s32 @!p0 $0xFFFFE000;
	s9 =	sadd.s32 s1, s15  }
0x1c4: {  	[tilespmem:s10], [sflag:$0x8] =	stream.strided.gather [hbm4b:s9+s16], $0x2000, s17, s16, $0x38;
	[tilespmem:$0x14000] =	vst v63  }
0x1c5: {  	_ =	swait.ge [sflag:s2], $0x2000  }
0x1c6: {  	[sflag:s2] =	ssyncset.done $0x0  }
0x1c7: {  	s31 =	simm.s32 $0x0;
	[sflag:s2] =	ssyncadd.s32 $0xFFFFE000  }
0x1c8: {  	v0 =	vld [tilespmem:s31+$0x10070]  }
0x1c9: {  	v1 =	vld [tilespmem:s31+$0x10000]  }
0x1ca: {  	v2 =	vld [tilespmem:s31+$0x10010]  }
0x1cb: {  	v3 =	vld [tilespmem:s31+$0x10020]  }
0x1cc: {  	v4 =	vld [tilespmem:s31+$0x10030]  }
0x1cd: {  	v5 =	vld [tilespmem:s31+$0x10040]  }
0x1ce: {  	v6 =	vld [tilespmem:s31+$0x10050]  }
0x1cf: {  	[tilespmem:s31+$0x6070] =	vst.add.f32.msk $0xffff, v0  }
0x1d0: {  	v0 =	vld [tilespmem:s31+$0x10060]  }
0x1d1: {  	[tilespmem:s31+$0x6000] =	vst.add.f32.msk $0xffff, v1  }
0x1d2: {  	[tilespmem:s31+$0x6010] =	vst.add.f32.msk $0xffff, v2  }
0x1d3: {  	[tilespmem:s31+$0x6020] =	vst.add.f32.msk $0xffff, v3  }
0x1d4: {  	[tilespmem:s31+$0x6030] =	vst.add.f32.msk $0xffff, v4  }
0x1d5: {  	[tilespmem:s31+$0x6040] =	vst.add.f32.msk $0xffff, v5  }
0x1d6: {  	s9 =	simm.s32 $0x0;
	s10 =	simm.s32 $0x800;
	[tilespmem:s31+$0x6050] =	vst.add.f32.msk $0xffff, v6  }
.LBB2_27:
0x1d7: {  	s9 =	sadd.s32 $0x80, s9;
	[tilespmem:s31+$0x6060] =	vst.add.f32.msk $0xffff, v0;
	s31 =	sshra.s32 s10, $0x2  }
0x1d8: {  	v0 =	vld [tilespmem:s31+$0x10070];
	p0 =	slt.u32 s9, $0x780  }
0x1d9: {  	v1 =	vld [tilespmem:s31+$0x10000]  }
0x1da: {  	v2 =	vld [tilespmem:s31+$0x10010]  }
0x1db: {  	v3 =	vld [tilespmem:s31+$0x10020]  }
0x1dc: {  	v4 =	vld [tilespmem:s31+$0x10030]  }
0x1dd: {  	[tilespmem:s31+$0x6070] =	vst.add.f32.msk $0xffff, v0  }
0x1de: {  	v5 =	vld [tilespmem:s31+$0x10040]  }
0x1df: {  	v6 =	vld [tilespmem:s31+$0x10050]  }
0x1e0: {  	v0 =	vld [tilespmem:s31+$0x10060]  }
0x1e1: {  	[tilespmem:s31+$0x6000] =	vst.add.f32.msk $0xffff, v1  }
.Ltmp12:
0x1e2: {  	[tilespmem:s31+$0x6010] =	vst.add.f32.msk $0xffff, v2;
	(pc) =	sbr.rel @p0 .LBB2_27-.Ltmp12, $4  }
0x1e3: {  	[tilespmem:s31+$0x6020] =	vst.add.f32.msk $0xffff, v3  }
0x1e4: {  	[tilespmem:s31+$0x6030] =	vst.add.f32.msk $0xffff, v4  }
0x1e5: {  	[tilespmem:s31+$0x6040] =	vst.add.f32.msk $0xffff, v5  }
0x1e6: {  	s10 =	sadd.s32 $0x800, s10;
	[tilespmem:s31+$0x6050] =	vst.add.f32.msk $0xffff, v6  }
0x1e7: {  	[tilespmem:s31+$0x6060] =	vst.add.f32.msk $0xffff, v0;
	s31 =	simm.s32 $0x0  }
0x1e8: {  	v0 =	vld [tilespmem:s31+$0x100F0]  }
0x1e9: {  	v1 =	vld [tilespmem:s31+$0x10080]  }
0x1ea: {  	v2 =	vld [tilespmem:s31+$0x10090]  }
0x1eb: {  	v3 =	vld [tilespmem:s31+$0x100A0]  }
0x1ec: {  	v4 =	vld [tilespmem:s31+$0x100B0]  }
0x1ed: {  	v5 =	vld [tilespmem:s31+$0x100C0]  }
0x1ee: {  	v6 =	vld [tilespmem:s31+$0x100D0]  }
0x1ef: {  	[tilespmem:s31+$0x60F0] =	vst.add.f32.msk $0xffff, v0  }
0x1f0: {  	v0 =	vld [tilespmem:s31+$0x100E0]  }
0x1f1: {  	[tilespmem:s31+$0x6080] =	vst.add.f32.msk $0xffff, v1  }
0x1f2: {  	[tilespmem:s31+$0x6090] =	vst.add.f32.msk $0xffff, v2  }
0x1f3: {  	[tilespmem:s31+$0x60A0] =	vst.add.f32.msk $0xffff, v3  }
0x1f4: {  	[tilespmem:s31+$0x60B0] =	vst.add.f32.msk $0xffff, v4  }
0x1f5: {  	[tilespmem:s31+$0x60C0] =	vst.add.f32.msk $0xffff, v5  }
0x1f6: {  	s9 =	simm.s32 $0x0;
	s10 =	simm.s32 $0x800;
	[tilespmem:s31+$0x60D0] =	vst.add.f32.msk $0xffff, v6  }
.LBB2_29:
0x1f7: {  	s9 =	sadd.s32 $0x80, s9;
	[tilespmem:s31+$0x60E0] =	vst.add.f32.msk $0xffff, v0;
	s31 =	sshra.s32 s10, $0x2  }
0x1f8: {  	v0 =	vld [tilespmem:s31+$0x100F0];
	p0 =	slt.u32 s9, $0x780  }
0x1f9: {  	v1 =	vld [tilespmem:s31+$0x10080]  }
0x1fa: {  	v2 =	vld [tilespmem:s31+$0x10090]  }
0x1fb: {  	v3 =	vld [tilespmem:s31+$0x100A0]  }
0x1fc: {  	v4 =	vld [tilespmem:s31+$0x100B0]  }
0x1fd: {  	[tilespmem:s31+$0x60F0] =	vst.add.f32.msk $0xffff, v0  }
0x1fe: {  	v5 =	vld [tilespmem:s31+$0x100C0]  }
0x1ff: {  	v6 =	vld [tilespmem:s31+$0x100D0]  }
0x200: {  	v0 =	vld [tilespmem:s31+$0x100E0]  }
0x201: {  	[tilespmem:s31+$0x6080] =	vst.add.f32.msk $0xffff, v1  }
.Ltmp13:
0x202: {  	[tilespmem:s31+$0x6090] =	vst.add.f32.msk $0xffff, v2;
	(pc) =	sbr.rel @p0 .LBB2_29-.Ltmp13, $4  }
0x203: {  	[tilespmem:s31+$0x60A0] =	vst.add.f32.msk $0xffff, v3  }
0x204: {  	[tilespmem:s31+$0x60B0] =	vst.add.f32.msk $0xffff, v4  }
0x205: {  	[tilespmem:s31+$0x60C0] =	vst.add.f32.msk $0xffff, v5  }
0x206: {  	s10 =	sadd.s32 $0x800, s10;
	[tilespmem:s31+$0x60D0] =	vst.add.f32.msk $0xffff, v6  }
0x207: {  	[tilespmem:s31+$0x60E0] =	vst.add.f32.msk $0xffff, v0;
	s31 =	simm.s32 $0x0  }
0x208: {  	v0 =	vld [tilespmem:s31+$0x10170]  }
0x209: {  	v1 =	vld [tilespmem:s31+$0x10100]  }
0x20a: {  	v2 =	vld [tilespmem:s31+$0x10110]  }
0x20b: {  	v3 =	vld [tilespmem:s31+$0x10120]  }
0x20c: {  	v4 =	vld [tilespmem:s31+$0x10130]  }
0x20d: {  	v5 =	vld [tilespmem:s31+$0x10140]  }
0x20e: {  	v6 =	vld [tilespmem:s31+$0x10150]  }
0x20f: {  	[tilespmem:s31+$0x6170] =	vst.add.f32.msk $0xffff, v0  }
0x210: {  	v0 =	vld [tilespmem:s31+$0x10160]  }
0x211: {  	[tilespmem:s31+$0x6100] =	vst.add.f32.msk $0xffff, v1  }
0x212: {  	[tilespmem:s31+$0x6110] =	vst.add.f32.msk $0xffff, v2  }
0x213: {  	[tilespmem:s31+$0x6120] =	vst.add.f32.msk $0xffff, v3  }
0x214: {  	[tilespmem:s31+$0x6130] =	vst.add.f32.msk $0xffff, v4  }
0x215: {  	[tilespmem:s31+$0x6140] =	vst.add.f32.msk $0xffff, v5  }
0x216: {  	s9 =	simm.s32 $0x0;
	s10 =	simm.s32 $0x800;
	[tilespmem:s31+$0x6150] =	vst.add.f32.msk $0xffff, v6  }
.LBB2_31:
0x217: {  	s9 =	sadd.s32 $0x80, s9;
	[tilespmem:s31+$0x6160] =	vst.add.f32.msk $0xffff, v0;
	s31 =	sshra.s32 s10, $0x2  }
0x218: {  	v0 =	vld [tilespmem:s31+$0x10170];
	p0 =	slt.u32 s9, $0x780  }
0x219: {  	v1 =	vld [tilespmem:s31+$0x10100]  }
0x21a: {  	v2 =	vld [tilespmem:s31+$0x10110]  }
0x21b: {  	v3 =	vld [tilespmem:s31+$0x10120]  }
0x21c: {  	v4 =	vld [tilespmem:s31+$0x10130]  }
0x21d: {  	[tilespmem:s31+$0x6170] =	vst.add.f32.msk $0xffff, v0  }
0x21e: {  	v5 =	vld [tilespmem:s31+$0x10140]  }
0x21f: {  	v6 =	vld [tilespmem:s31+$0x10150]  }
0x220: {  	v0 =	vld [tilespmem:s31+$0x10160]  }
0x221: {  	[tilespmem:s31+$0x6100] =	vst.add.f32.msk $0xffff, v1  }
.Ltmp14:
0x222: {  	[tilespmem:s31+$0x6110] =	vst.add.f32.msk $0xffff, v2;
	(pc) =	sbr.rel @p0 .LBB2_31-.Ltmp14, $4  }
0x223: {  	[tilespmem:s31+$0x6120] =	vst.add.f32.msk $0xffff, v3  }
0x224: {  	[tilespmem:s31+$0x6130] =	vst.add.f32.msk $0xffff, v4  }
0x225: {  	[tilespmem:s31+$0x6140] =	vst.add.f32.msk $0xffff, v5  }
0x226: {  	s10 =	sadd.s32 $0x800, s10;
	[tilespmem:s31+$0x6150] =	vst.add.f32.msk $0xffff, v6  }
0x227: {  	[tilespmem:s31+$0x6160] =	vst.add.f32.msk $0xffff, v0;
	s31 =	simm.s32 $0x0  }
0x228: {  	v0 =	vld [tilespmem:s31+$0x101F0]  }
0x229: {  	v1 =	vld [tilespmem:s31+$0x10180]  }
0x22a: {  	v2 =	vld [tilespmem:s31+$0x10190]  }
0x22b: {  	v3 =	vld [tilespmem:s31+$0x101A0]  }
0x22c: {  	v4 =	vld [tilespmem:s31+$0x101B0]  }
0x22d: {  	v5 =	vld [tilespmem:s31+$0x101C0]  }
0x22e: {  	v6 =	vld [tilespmem:s31+$0x101D0]  }
0x22f: {  	[tilespmem:s31+$0x61F0] =	vst.add.f32.msk $0xffff, v0  }
0x230: {  	v0 =	vld [tilespmem:s31+$0x101E0]  }
0x231: {  	[tilespmem:s31+$0x6180] =	vst.add.f32.msk $0xffff, v1  }
0x232: {  	[tilespmem:s31+$0x6190] =	vst.add.f32.msk $0xffff, v2  }
0x233: {  	[tilespmem:s31+$0x61A0] =	vst.add.f32.msk $0xffff, v3  }
0x234: {  	[tilespmem:s31+$0x61B0] =	vst.add.f32.msk $0xffff, v4  }
0x235: {  	[tilespmem:s31+$0x61C0] =	vst.add.f32.msk $0xffff, v5  }
0x236: {  	s9 =	simm.s32 $0x0;
	s10 =	simm.s32 $0x800;
	[tilespmem:s31+$0x61D0] =	vst.add.f32.msk $0xffff, v6  }
.LBB2_33:
0x237: {  	s9 =	sadd.s32 $0x80, s9;
	[tilespmem:s31+$0x61E0] =	vst.add.f32.msk $0xffff, v0;
	s31 =	sshra.s32 s10, $0x2  }
0x238: {  	v0 =	vld [tilespmem:s31+$0x101F0];
	p0 =	slt.u32 s9, $0x780  }
0x239: {  	v1 =	vld [tilespmem:s31+$0x10180]  }
0x23a: {  	v2 =	vld [tilespmem:s31+$0x10190]  }
0x23b: {  	v3 =	vld [tilespmem:s31+$0x101A0]  }
0x23c: {  	v4 =	vld [tilespmem:s31+$0x101B0]  }
0x23d: {  	[tilespmem:s31+$0x61F0] =	vst.add.f32.msk $0xffff, v0  }
0x23e: {  	v5 =	vld [tilespmem:s31+$0x101C0]  }
0x23f: {  	v6 =	vld [tilespmem:s31+$0x101D0]  }
0x240: {  	v0 =	vld [tilespmem:s31+$0x101E0]  }
0x241: {  	[tilespmem:s31+$0x6180] =	vst.add.f32.msk $0xffff, v1  }
.Ltmp15:
0x242: {  	[tilespmem:s31+$0x6190] =	vst.add.f32.msk $0xffff, v2;
	(pc) =	sbr.rel @p0 .LBB2_33-.Ltmp15, $4  }
0x243: {  	[tilespmem:s31+$0x61A0] =	vst.add.f32.msk $0xffff, v3  }
0x244: {  	[tilespmem:s31+$0x61B0] =	vst.add.f32.msk $0xffff, v4  }
0x245: {  	[tilespmem:s31+$0x61C0] =	vst.add.f32.msk $0xffff, v5  }
0x246: {  	s10 =	sadd.s32 $0x800, s10;
	[tilespmem:s31+$0x61D0] =	vst.add.f32.msk $0xffff, v6  }
0x247: {  	[tilespmem:s31+$0x61E0] =	vst.add.f32.msk $0xffff, v0  }
0x248: {  	s9 =	rddreg [dreg:$0x9]  }
0x249: {  	s10 =	simm.s32 $0x6000;
	p0 =	seq.s32 s21, $0xF;
	s9 =	sadd.s32 s29, s9  }
0x24a: {  	[hbm4b:s9+s16] =	stream.strided.scatter [tilespmem:s10], [sflag:$0xC], $0x2000, s17, s16, $0x38;
	[tilespmem:$0x14000] =	vst v63  }
0x24b: {  	s29 =	simm.s32 @!p0 $0x400;
	_ =	swait.ge [sflag:s0], $0x2000  }
0x24c: {  	s10 =	simm.s32 @!p0 $0x200;
	[sflag:s0] =	ssyncset.done $0x0;
	s9 =	rddreg [dreg:$0xb]  }
0x24d: {  	[sflag:s0] =	ssyncadd.s32 $0xFFFFE000;
	s9 =	sadd.s32 @!p0 s9, s24;
	s24 =	simm.s32 @!p0 $0x10000  }
0x24e: {  	[tilespmem:s24], [sflag:$0x11] =	stream.strided.gather @!p0 [hbm4b:s9+s10], $0x2000, s29, s10, $0x38;
	[tilespmem:$0x14000] =	vst v63  }
0x24f: {  	s9 =	sadd.s32 $0x2, s26;
	_ =	swait.ge [sflag:s18], $0x2000  }
0x250: {  	s24 =	sshll.u32 @!p0 s9, $0xA;
	[sflag:s18] =	ssyncset.done $0x0  }
0x251: {  	s26 =	simm.s32 @!p0 $0x0;
	s9 =	sadd.s32 @!p0 s24, s7;
	[sflag:s18] =	ssyncadd.s32 $0xFFFFE000  }
0x252: {  	[tilespmem:s26], [sflag:$0x1] =	stream.strided.gather @!p0 [hbm4b:s9+s10], $0x2000, s29, s10, $0x38;
	[tilespmem:$0x14000] =	vst v63  }
0x253: {  	_ =	swait.ge [sflag:s14], $0x2000  }
0x254: {  	[sflag:s14] =	ssyncset.done $0x0  }
0x255: {  	s26 =	simm.s32 $0x0;
	[sflag:s14] =	ssyncadd.s32 $0xFFFFE000  }
0x256: {  	v0 =	vld [tilespmem:s26+$0x12070]  }
0x257: {  	v1 =	vld [tilespmem:s26+$0x12000]  }
0x258: {  	v2 =	vld [tilespmem:s26+$0x12010]  }
0x259: {  	v3 =	vld [tilespmem:s26+$0x12020]  }
0x25a: {  	v4 =	vld [tilespmem:s26+$0x12030]  }
0x25b: {  	v5 =	vld [tilespmem:s26+$0x12040]  }
0x25c: {  	v6 =	vld [tilespmem:s26+$0x12050]  }
0x25d: {  	[tilespmem:s26+$0x8070] =	vst.add.f32.msk $0xffff, v0  }
0x25e: {  	v0 =	vld [tilespmem:s26+$0x12060]  }
0x25f: {  	[tilespmem:s26+$0x8000] =	vst.add.f32.msk $0xffff, v1  }
0x260: {  	[tilespmem:s26+$0x8010] =	vst.add.f32.msk $0xffff, v2  }
0x261: {  	[tilespmem:s26+$0x8020] =	vst.add.f32.msk $0xffff, v3  }
0x262: {  	[tilespmem:s26+$0x8030] =	vst.add.f32.msk $0xffff, v4  }
0x263: {  	[tilespmem:s26+$0x8040] =	vst.add.f32.msk $0xffff, v5  }
0x264: {  	s9 =	simm.s32 $0x0;
	s10 =	simm.s32 $0x800;
	[tilespmem:s26+$0x8050] =	vst.add.f32.msk $0xffff, v6  }
.LBB2_35:
0x265: {  	s9 =	sadd.s32 $0x80, s9;
	[tilespmem:s26+$0x8060] =	vst.add.f32.msk $0xffff, v0;
	s26 =	sshra.s32 s10, $0x2  }
0x266: {  	v0 =	vld [tilespmem:s26+$0x12070];
	p1 =	slt.u32 s9, $0x780  }
0x267: {  	v1 =	vld [tilespmem:s26+$0x12000]  }
0x268: {  	v2 =	vld [tilespmem:s26+$0x12010]  }
0x269: {  	v3 =	vld [tilespmem:s26+$0x12020]  }
0x26a: {  	v4 =	vld [tilespmem:s26+$0x12030]  }
0x26b: {  	[tilespmem:s26+$0x8070] =	vst.add.f32.msk $0xffff, v0  }
0x26c: {  	v5 =	vld [tilespmem:s26+$0x12040]  }
0x26d: {  	v6 =	vld [tilespmem:s26+$0x12050]  }
0x26e: {  	v0 =	vld [tilespmem:s26+$0x12060]  }
0x26f: {  	[tilespmem:s26+$0x8000] =	vst.add.f32.msk $0xffff, v1  }
.Ltmp16:
0x270: {  	[tilespmem:s26+$0x8010] =	vst.add.f32.msk $0xffff, v2;
	(pc) =	sbr.rel @p1 .LBB2_35-.Ltmp16, $4  }
0x271: {  	[tilespmem:s26+$0x8020] =	vst.add.f32.msk $0xffff, v3  }
0x272: {  	[tilespmem:s26+$0x8030] =	vst.add.f32.msk $0xffff, v4  }
0x273: {  	[tilespmem:s26+$0x8040] =	vst.add.f32.msk $0xffff, v5  }
0x274: {  	s10 =	sadd.s32 $0x800, s10;
	[tilespmem:s26+$0x8050] =	vst.add.f32.msk $0xffff, v6  }
0x275: {  	[tilespmem:s26+$0x8060] =	vst.add.f32.msk $0xffff, v0;
	s26 =	simm.s32 $0x0  }
0x276: {  	v0 =	vld [tilespmem:s26+$0x120F0]  }
0x277: {  	v1 =	vld [tilespmem:s26+$0x12080]  }
0x278: {  	v2 =	vld [tilespmem:s26+$0x12090]  }
0x279: {  	v3 =	vld [tilespmem:s26+$0x120A0]  }
0x27a: {  	v4 =	vld [tilespmem:s26+$0x120B0]  }
0x27b: {  	v5 =	vld [tilespmem:s26+$0x120C0]  }
0x27c: {  	v6 =	vld [tilespmem:s26+$0x120D0]  }
0x27d: {  	[tilespmem:s26+$0x80F0] =	vst.add.f32.msk $0xffff, v0  }
0x27e: {  	v0 =	vld [tilespmem:s26+$0x120E0]  }
0x27f: {  	[tilespmem:s26+$0x8080] =	vst.add.f32.msk $0xffff, v1  }
0x280: {  	[tilespmem:s26+$0x8090] =	vst.add.f32.msk $0xffff, v2  }
0x281: {  	[tilespmem:s26+$0x80A0] =	vst.add.f32.msk $0xffff, v3  }
0x282: {  	[tilespmem:s26+$0x80B0] =	vst.add.f32.msk $0xffff, v4  }
0x283: {  	s9 =	simm.s32 $0x0;
	[tilespmem:s26+$0x80C0] =	vst.add.f32.msk $0xffff, v5  }
0x284: {  	s10 =	simm.s32 $0x800;
	s29 =	simm.s32 $0x8000;
	s31 =	simm.s32 $0xA000;
	[tilespmem:s26+$0x80D0] =	vst.add.f32.msk $0xffff, v6  }
.LBB2_37:
0x285: {  	s9 =	sadd.s32 $0x80, s9;
	[tilespmem:s26+$0x80E0] =	vst.add.f32.msk $0xffff, v0;
	s26 =	sshra.s32 s10, $0x2  }
0x286: {  	v0 =	vld [tilespmem:s26+$0x120F0];
	p1 =	slt.u32 s9, $0x780  }
0x287: {  	v1 =	vld [tilespmem:s26+$0x12080]  }
0x288: {  	v2 =	vld [tilespmem:s26+$0x12090]  }
0x289: {  	v3 =	vld [tilespmem:s26+$0x120A0]  }
0x28a: {  	v4 =	vld [tilespmem:s26+$0x120B0]  }
0x28b: {  	[tilespmem:s26+$0x80F0] =	vst.add.f32.msk $0xffff, v0  }
0x28c: {  	v5 =	vld [tilespmem:s26+$0x120C0]  }
0x28d: {  	v6 =	vld [tilespmem:s26+$0x120D0]  }
0x28e: {  	v0 =	vld [tilespmem:s26+$0x120E0]  }
0x28f: {  	[tilespmem:s26+$0x8080] =	vst.add.f32.msk $0xffff, v1  }
.Ltmp17:
0x290: {  	[tilespmem:s26+$0x8090] =	vst.add.f32.msk $0xffff, v2;
	(pc) =	sbr.rel @p1 .LBB2_37-.Ltmp17, $4  }
0x291: {  	[tilespmem:s26+$0x80A0] =	vst.add.f32.msk $0xffff, v3  }
0x292: {  	[tilespmem:s26+$0x80B0] =	vst.add.f32.msk $0xffff, v4  }
0x293: {  	[tilespmem:s26+$0x80C0] =	vst.add.f32.msk $0xffff, v5  }
0x294: {  	s10 =	sadd.s32 $0x800, s10;
	[tilespmem:s26+$0x80D0] =	vst.add.f32.msk $0xffff, v6  }
0x295: {  	[tilespmem:s26+$0x80E0] =	vst.add.f32.msk $0xffff, v0;
	s26 =	simm.s32 $0x0  }
0x296: {  	v0 =	vld [tilespmem:s26+$0x12170]  }
0x297: {  	v1 =	vld [tilespmem:s26+$0x12100]  }
0x298: {  	v2 =	vld [tilespmem:s26+$0x12110]  }
0x299: {  	v3 =	vld [tilespmem:s26+$0x12120]  }
0x29a: {  	v4 =	vld [tilespmem:s26+$0x12130]  }
0x29b: {  	v5 =	vld [tilespmem:s26+$0x12140]  }
0x29c: {  	v6 =	vld [tilespmem:s26+$0x12150]  }
0x29d: {  	[tilespmem:s26+$0x8170] =	vst.add.f32.msk $0xffff, v0  }
0x29e: {  	v0 =	vld [tilespmem:s26+$0x12160]  }
0x29f: {  	[tilespmem:s26+$0x8100] =	vst.add.f32.msk $0xffff, v1  }
0x2a0: {  	[tilespmem:s26+$0x8110] =	vst.add.f32.msk $0xffff, v2  }
0x2a1: {  	[tilespmem:s26+$0x8120] =	vst.add.f32.msk $0xffff, v3  }
0x2a2: {  	[tilespmem:s26+$0x8130] =	vst.add.f32.msk $0xffff, v4  }
0x2a3: {  	[tilespmem:s26+$0x8140] =	vst.add.f32.msk $0xffff, v5  }
0x2a4: {  	s9 =	simm.s32 $0x0;
	s10 =	simm.s32 $0x800;
	[tilespmem:s26+$0x8150] =	vst.add.f32.msk $0xffff, v6  }
.LBB2_39:
0x2a5: {  	s9 =	sadd.s32 $0x80, s9;
	[tilespmem:s26+$0x8160] =	vst.add.f32.msk $0xffff, v0;
	s26 =	sshra.s32 s10, $0x2  }
0x2a6: {  	v0 =	vld [tilespmem:s26+$0x12170];
	p1 =	slt.u32 s9, $0x780  }
0x2a7: {  	v1 =	vld [tilespmem:s26+$0x12100]  }
0x2a8: {  	v2 =	vld [tilespmem:s26+$0x12110]  }
0x2a9: {  	v3 =	vld [tilespmem:s26+$0x12120]  }
0x2aa: {  	v4 =	vld [tilespmem:s26+$0x12130]  }
0x2ab: {  	[tilespmem:s26+$0x8170] =	vst.add.f32.msk $0xffff, v0  }
0x2ac: {  	v5 =	vld [tilespmem:s26+$0x12140]  }
0x2ad: {  	v6 =	vld [tilespmem:s26+$0x12150]  }
0x2ae: {  	v0 =	vld [tilespmem:s26+$0x12160]  }
0x2af: {  	[tilespmem:s26+$0x8100] =	vst.add.f32.msk $0xffff, v1  }
.Ltmp18:
0x2b0: {  	[tilespmem:s26+$0x8110] =	vst.add.f32.msk $0xffff, v2;
	(pc) =	sbr.rel @p1 .LBB2_39-.Ltmp18, $4  }
0x2b1: {  	[tilespmem:s26+$0x8120] =	vst.add.f32.msk $0xffff, v3  }
0x2b2: {  	[tilespmem:s26+$0x8130] =	vst.add.f32.msk $0xffff, v4  }
0x2b3: {  	[tilespmem:s26+$0x8140] =	vst.add.f32.msk $0xffff, v5  }
0x2b4: {  	s10 =	sadd.s32 $0x800, s10;
	[tilespmem:s26+$0x8150] =	vst.add.f32.msk $0xffff, v6  }
0x2b5: {  	[tilespmem:s26+$0x8160] =	vst.add.f32.msk $0xffff, v0;
	s26 =	simm.s32 $0x0  }
0x2b6: {  	v0 =	vld [tilespmem:s26+$0x121F0]  }
0x2b7: {  	v1 =	vld [tilespmem:s26+$0x12180]  }
0x2b8: {  	v2 =	vld [tilespmem:s26+$0x12190]  }
0x2b9: {  	v3 =	vld [tilespmem:s26+$0x121A0]  }
0x2ba: {  	v4 =	vld [tilespmem:s26+$0x121B0]  }
0x2bb: {  	v5 =	vld [tilespmem:s26+$0x121C0]  }
0x2bc: {  	v6 =	vld [tilespmem:s26+$0x121D0]  }
0x2bd: {  	[tilespmem:s26+$0x81F0] =	vst.add.f32.msk $0xffff, v0  }
0x2be: {  	v0 =	vld [tilespmem:s26+$0x121E0]  }
0x2bf: {  	[tilespmem:s26+$0x8180] =	vst.add.f32.msk $0xffff, v1  }
0x2c0: {  	[tilespmem:s26+$0x8190] =	vst.add.f32.msk $0xffff, v2  }
0x2c1: {  	[tilespmem:s26+$0x81A0] =	vst.add.f32.msk $0xffff, v3  }
0x2c2: {  	[tilespmem:s26+$0x81B0] =	vst.add.f32.msk $0xffff, v4  }
0x2c3: {  	[tilespmem:s26+$0x81C0] =	vst.add.f32.msk $0xffff, v5  }
0x2c4: {  	s9 =	simm.s32 $0x0;
	s10 =	simm.s32 $0x800;
	[tilespmem:s26+$0x81D0] =	vst.add.f32.msk $0xffff, v6  }
.LBB2_41:
0x2c5: {  	s9 =	sadd.s32 $0x80, s9;
	[tilespmem:s26+$0x81E0] =	vst.add.f32.msk $0xffff, v0;
	s26 =	sshra.s32 s10, $0x2  }
0x2c6: {  	v0 =	vld [tilespmem:s26+$0x121F0];
	p1 =	slt.u32 s9, $0x780  }
0x2c7: {  	v1 =	vld [tilespmem:s26+$0x12180]  }
0x2c8: {  	v2 =	vld [tilespmem:s26+$0x12190]  }
0x2c9: {  	v3 =	vld [tilespmem:s26+$0x121A0]  }
0x2ca: {  	v4 =	vld [tilespmem:s26+$0x121B0]  }
0x2cb: {  	[tilespmem:s26+$0x81F0] =	vst.add.f32.msk $0xffff, v0  }
0x2cc: {  	v5 =	vld [tilespmem:s26+$0x121C0]  }
0x2cd: {  	v6 =	vld [tilespmem:s26+$0x121D0]  }
0x2ce: {  	v0 =	vld [tilespmem:s26+$0x121E0]  }
0x2cf: {  	[tilespmem:s26+$0x8180] =	vst.add.f32.msk $0xffff, v1  }
.Ltmp19:
0x2d0: {  	[tilespmem:s26+$0x8190] =	vst.add.f32.msk $0xffff, v2;
	(pc) =	sbr.rel @p1 .LBB2_41-.Ltmp19, $4  }
0x2d1: {  	[tilespmem:s26+$0x81A0] =	vst.add.f32.msk $0xffff, v3  }
0x2d2: {  	[tilespmem:s26+$0x81B0] =	vst.add.f32.msk $0xffff, v4  }
0x2d3: {  	[tilespmem:s26+$0x81C0] =	vst.add.f32.msk $0xffff, v5  }
0x2d4: {  	s10 =	sadd.s32 $0x800, s10;
	[tilespmem:s26+$0x81D0] =	vst.add.f32.msk $0xffff, v6  }
0x2d5: {  	[tilespmem:s26+$0x81E0] =	vst.add.f32.msk $0xffff, v0;
	s6 =	sadd.s32 s4, s6  }
0x2d6: {  	[hbm4b:s6+s16] =	stream.strided.scatter [tilespmem:s29], [sflag:$0xD], $0x2000, s17, s16, $0x38;
	[tilespmem:$0x14000] =	vst v63  }
0x2d7: {  	s9 =	simm.s32 @!p0 $0x200;
	_ =	swait.ge [sflag:s8], $0x2000  }
0x2d8: {  	s10 =	simm.s32 @!p0 $0x400;
	[sflag:s8] =	ssyncset.done $0x0;
	s6 =	rddreg [dreg:$0x6]  }
0x2d9: {  	s26 =	simm.s32 @!p0 $0x2000;
	[sflag:s8] =	ssyncadd.s32 $0xFFFFE000;
	s6 =	sadd.s32 @!p0 s24, s6  }
0x2da: {  	[tilespmem:s26], [sflag:$0x2] =	stream.strided.gather @!p0 [hbm4b:s6+s9], $0x2000, s10, s9, $0x38;
	[tilespmem:$0x14000] =	vst v63  }
0x2db: {  	_ =	swait.ge [sflag:s3], $0x2000  }
0x2dc: {  	[sflag:s3] =	ssyncset.done $0x0  }
0x2dd: {  	s6 =	simm.s32 $0x0;
	[sflag:s3] =	ssyncadd.s32 $0xFFFFE000  }
0x2de: {  	v0 =	vld [tilespmem:s6+$0x12070]  }
0x2df: {  	v1 =	vld [tilespmem:s6+$0x12000]  }
0x2e0: {  	v2 =	vld [tilespmem:s6+$0x12010]  }
0x2e1: {  	v3 =	vld [tilespmem:s6+$0x12020]  }
0x2e2: {  	v4 =	vld [tilespmem:s6+$0x12030]  }
0x2e3: {  	v5 =	vld [tilespmem:s6+$0x12040]  }
0x2e4: {  	v6 =	vld [tilespmem:s6+$0x12050]  }
0x2e5: {  	[tilespmem:s6+$0xA070] =	vst.add.f32.msk $0xffff, v0  }
0x2e6: {  	v0 =	vld [tilespmem:s6+$0x12060]  }
0x2e7: {  	[tilespmem:s6+$0xA000] =	vst.add.f32.msk $0xffff, v1  }
0x2e8: {  	[tilespmem:s6+$0xA010] =	vst.add.f32.msk $0xffff, v2  }
0x2e9: {  	[tilespmem:s6+$0xA020] =	vst.add.f32.msk $0xffff, v3  }
0x2ea: {  	[tilespmem:s6+$0xA030] =	vst.add.f32.msk $0xffff, v4  }
0x2eb: {  	[tilespmem:s6+$0xA040] =	vst.add.f32.msk $0xffff, v5  }
0x2ec: {  	s9 =	simm.s32 $0x0;
	s10 =	simm.s32 $0x800;
	[tilespmem:s6+$0xA050] =	vst.add.f32.msk $0xffff, v6  }
.LBB2_43:
0x2ed: {  	s9 =	sadd.s32 $0x80, s9;
	[tilespmem:s6+$0xA060] =	vst.add.f32.msk $0xffff, v0;
	s6 =	sshra.s32 s10, $0x2  }
0x2ee: {  	v0 =	vld [tilespmem:s6+$0x12070];
	p1 =	slt.u32 s9, $0x780  }
0x2ef: {  	v1 =	vld [tilespmem:s6+$0x12000]  }
0x2f0: {  	v2 =	vld [tilespmem:s6+$0x12010]  }
0x2f1: {  	v3 =	vld [tilespmem:s6+$0x12020]  }
0x2f2: {  	v4 =	vld [tilespmem:s6+$0x12030]  }
0x2f3: {  	[tilespmem:s6+$0xA070] =	vst.add.f32.msk $0xffff, v0  }
0x2f4: {  	v5 =	vld [tilespmem:s6+$0x12040]  }
0x2f5: {  	v6 =	vld [tilespmem:s6+$0x12050]  }
0x2f6: {  	v0 =	vld [tilespmem:s6+$0x12060]  }
0x2f7: {  	[tilespmem:s6+$0xA000] =	vst.add.f32.msk $0xffff, v1  }
.Ltmp20:
0x2f8: {  	[tilespmem:s6+$0xA010] =	vst.add.f32.msk $0xffff, v2;
	(pc) =	sbr.rel @p1 .LBB2_43-.Ltmp20, $4  }
0x2f9: {  	[tilespmem:s6+$0xA020] =	vst.add.f32.msk $0xffff, v3  }
0x2fa: {  	[tilespmem:s6+$0xA030] =	vst.add.f32.msk $0xffff, v4  }
0x2fb: {  	[tilespmem:s6+$0xA040] =	vst.add.f32.msk $0xffff, v5  }
0x2fc: {  	s10 =	sadd.s32 $0x800, s10;
	[tilespmem:s6+$0xA050] =	vst.add.f32.msk $0xffff, v6  }
0x2fd: {  	[tilespmem:s6+$0xA060] =	vst.add.f32.msk $0xffff, v0;
	s6 =	simm.s32 $0x0  }
0x2fe: {  	v0 =	vld [tilespmem:s6+$0x120F0]  }
0x2ff: {  	v1 =	vld [tilespmem:s6+$0x12080]  }
0x300: {  	v2 =	vld [tilespmem:s6+$0x12090]  }
0x301: {  	v3 =	vld [tilespmem:s6+$0x120A0]  }
0x302: {  	v4 =	vld [tilespmem:s6+$0x120B0]  }
0x303: {  	v5 =	vld [tilespmem:s6+$0x120C0]  }
0x304: {  	v6 =	vld [tilespmem:s6+$0x120D0]  }
0x305: {  	[tilespmem:s6+$0xA0F0] =	vst.add.f32.msk $0xffff, v0  }
0x306: {  	v0 =	vld [tilespmem:s6+$0x120E0]  }
0x307: {  	[tilespmem:s6+$0xA080] =	vst.add.f32.msk $0xffff, v1  }
0x308: {  	[tilespmem:s6+$0xA090] =	vst.add.f32.msk $0xffff, v2  }
0x309: {  	[tilespmem:s6+$0xA0A0] =	vst.add.f32.msk $0xffff, v3  }
0x30a: {  	[tilespmem:s6+$0xA0B0] =	vst.add.f32.msk $0xffff, v4  }
0x30b: {  	[tilespmem:s6+$0xA0C0] =	vst.add.f32.msk $0xffff, v5  }
0x30c: {  	s9 =	simm.s32 $0x0;
	s10 =	simm.s32 $0x800;
	[tilespmem:s6+$0xA0D0] =	vst.add.f32.msk $0xffff, v6  }
.LBB2_45:
0x30d: {  	s9 =	sadd.s32 $0x80, s9;
	[tilespmem:s6+$0xA0E0] =	vst.add.f32.msk $0xffff, v0;
	s6 =	sshra.s32 s10, $0x2  }
0x30e: {  	v0 =	vld [tilespmem:s6+$0x120F0];
	p1 =	slt.u32 s9, $0x780  }
0x30f: {  	v1 =	vld [tilespmem:s6+$0x12080]  }
0x310: {  	v2 =	vld [tilespmem:s6+$0x12090]  }
0x311: {  	v3 =	vld [tilespmem:s6+$0x120A0]  }
0x312: {  	v4 =	vld [tilespmem:s6+$0x120B0]  }
0x313: {  	[tilespmem:s6+$0xA0F0] =	vst.add.f32.msk $0xffff, v0  }
0x314: {  	v5 =	vld [tilespmem:s6+$0x120C0]  }
0x315: {  	v6 =	vld [tilespmem:s6+$0x120D0]  }
0x316: {  	v0 =	vld [tilespmem:s6+$0x120E0]  }
0x317: {  	[tilespmem:s6+$0xA080] =	vst.add.f32.msk $0xffff, v1  }
.Ltmp21:
0x318: {  	[tilespmem:s6+$0xA090] =	vst.add.f32.msk $0xffff, v2;
	(pc) =	sbr.rel @p1 .LBB2_45-.Ltmp21, $4  }
0x319: {  	[tilespmem:s6+$0xA0A0] =	vst.add.f32.msk $0xffff, v3  }
0x31a: {  	[tilespmem:s6+$0xA0B0] =	vst.add.f32.msk $0xffff, v4  }
0x31b: {  	[tilespmem:s6+$0xA0C0] =	vst.add.f32.msk $0xffff, v5  }
0x31c: {  	s10 =	sadd.s32 $0x800, s10;
	[tilespmem:s6+$0xA0D0] =	vst.add.f32.msk $0xffff, v6  }
0x31d: {  	[tilespmem:s6+$0xA0E0] =	vst.add.f32.msk $0xffff, v0;
	s6 =	simm.s32 $0x0  }
0x31e: {  	v0 =	vld [tilespmem:s6+$0x12170]  }
0x31f: {  	v1 =	vld [tilespmem:s6+$0x12100]  }
0x320: {  	v2 =	vld [tilespmem:s6+$0x12110]  }
0x321: {  	v3 =	vld [tilespmem:s6+$0x12120]  }
0x322: {  	v4 =	vld [tilespmem:s6+$0x12130]  }
0x323: {  	v5 =	vld [tilespmem:s6+$0x12140]  }
0x324: {  	v6 =	vld [tilespmem:s6+$0x12150]  }
0x325: {  	[tilespmem:s6+$0xA170] =	vst.add.f32.msk $0xffff, v0  }
0x326: {  	v0 =	vld [tilespmem:s6+$0x12160]  }
0x327: {  	[tilespmem:s6+$0xA100] =	vst.add.f32.msk $0xffff, v1  }
0x328: {  	[tilespmem:s6+$0xA110] =	vst.add.f32.msk $0xffff, v2  }
0x329: {  	[tilespmem:s6+$0xA120] =	vst.add.f32.msk $0xffff, v3  }
0x32a: {  	[tilespmem:s6+$0xA130] =	vst.add.f32.msk $0xffff, v4  }
0x32b: {  	[tilespmem:s6+$0xA140] =	vst.add.f32.msk $0xffff, v5  }
0x32c: {  	s9 =	simm.s32 $0x0;
	s10 =	simm.s32 $0x800;
	[tilespmem:s6+$0xA150] =	vst.add.f32.msk $0xffff, v6  }
.LBB2_47:
0x32d: {  	s9 =	sadd.s32 $0x80, s9;
	[tilespmem:s6+$0xA160] =	vst.add.f32.msk $0xffff, v0;
	s6 =	sshra.s32 s10, $0x2  }
0x32e: {  	v0 =	vld [tilespmem:s6+$0x12170];
	p1 =	slt.u32 s9, $0x780  }
0x32f: {  	v1 =	vld [tilespmem:s6+$0x12100]  }
0x330: {  	v2 =	vld [tilespmem:s6+$0x12110]  }
0x331: {  	v3 =	vld [tilespmem:s6+$0x12120]  }
0x332: {  	v4 =	vld [tilespmem:s6+$0x12130]  }
0x333: {  	[tilespmem:s6+$0xA170] =	vst.add.f32.msk $0xffff, v0  }
0x334: {  	v5 =	vld [tilespmem:s6+$0x12140]  }
0x335: {  	v6 =	vld [tilespmem:s6+$0x12150]  }
0x336: {  	v0 =	vld [tilespmem:s6+$0x12160]  }
0x337: {  	[tilespmem:s6+$0xA100] =	vst.add.f32.msk $0xffff, v1  }
.Ltmp22:
0x338: {  	[tilespmem:s6+$0xA110] =	vst.add.f32.msk $0xffff, v2;
	(pc) =	sbr.rel @p1 .LBB2_47-.Ltmp22, $4  }
0x339: {  	[tilespmem:s6+$0xA120] =	vst.add.f32.msk $0xffff, v3  }
0x33a: {  	[tilespmem:s6+$0xA130] =	vst.add.f32.msk $0xffff, v4  }
0x33b: {  	[tilespmem:s6+$0xA140] =	vst.add.f32.msk $0xffff, v5  }
0x33c: {  	s10 =	sadd.s32 $0x800, s10;
	[tilespmem:s6+$0xA150] =	vst.add.f32.msk $0xffff, v6  }
0x33d: {  	[tilespmem:s6+$0xA160] =	vst.add.f32.msk $0xffff, v0;
	s6 =	simm.s32 $0x0  }
0x33e: {  	v0 =	vld [tilespmem:s6+$0x121F0]  }
0x33f: {  	v1 =	vld [tilespmem:s6+$0x12180]  }
0x340: {  	v2 =	vld [tilespmem:s6+$0x12190]  }
0x341: {  	v3 =	vld [tilespmem:s6+$0x121A0]  }
0x342: {  	v4 =	vld [tilespmem:s6+$0x121B0]  }
0x343: {  	v5 =	vld [tilespmem:s6+$0x121C0]  }
0x344: {  	v6 =	vld [tilespmem:s6+$0x121D0]  }
0x345: {  	[tilespmem:s6+$0xA1F0] =	vst.add.f32.msk $0xffff, v0  }
0x346: {  	v0 =	vld [tilespmem:s6+$0x121E0]  }
0x347: {  	[tilespmem:s6+$0xA180] =	vst.add.f32.msk $0xffff, v1  }
0x348: {  	[tilespmem:s6+$0xA190] =	vst.add.f32.msk $0xffff, v2  }
0x349: {  	[tilespmem:s6+$0xA1A0] =	vst.add.f32.msk $0xffff, v3  }
0x34a: {  	[tilespmem:s6+$0xA1B0] =	vst.add.f32.msk $0xffff, v4  }
0x34b: {  	[tilespmem:s6+$0xA1C0] =	vst.add.f32.msk $0xffff, v5  }
0x34c: {  	s9 =	simm.s32 $0x0;
	s10 =	simm.s32 $0x800;
	[tilespmem:s6+$0xA1D0] =	vst.add.f32.msk $0xffff, v6  }
.LBB2_49:
0x34d: {  	s9 =	sadd.s32 $0x80, s9;
	[tilespmem:s6+$0xA1E0] =	vst.add.f32.msk $0xffff, v0;
	s6 =	sshra.s32 s10, $0x2  }
0x34e: {  	v0 =	vld [tilespmem:s6+$0x121F0];
	p1 =	slt.u32 s9, $0x780  }
0x34f: {  	v1 =	vld [tilespmem:s6+$0x12180]  }
0x350: {  	v2 =	vld [tilespmem:s6+$0x12190]  }
0x351: {  	v3 =	vld [tilespmem:s6+$0x121A0]  }
0x352: {  	v4 =	vld [tilespmem:s6+$0x121B0]  }
0x353: {  	[tilespmem:s6+$0xA1F0] =	vst.add.f32.msk $0xffff, v0  }
0x354: {  	v5 =	vld [tilespmem:s6+$0x121C0]  }
0x355: {  	v6 =	vld [tilespmem:s6+$0x121D0]  }
0x356: {  	v0 =	vld [tilespmem:s6+$0x121E0]  }
0x357: {  	[tilespmem:s6+$0xA180] =	vst.add.f32.msk $0xffff, v1  }
.Ltmp23:
0x358: {  	[tilespmem:s6+$0xA190] =	vst.add.f32.msk $0xffff, v2;
	(pc) =	sbr.rel @p1 .LBB2_49-.Ltmp23, $4  }
0x359: {  	[tilespmem:s6+$0xA1A0] =	vst.add.f32.msk $0xffff, v3  }
0x35a: {  	[tilespmem:s6+$0xA1B0] =	vst.add.f32.msk $0xffff, v4  }
0x35b: {  	[tilespmem:s6+$0xA1C0] =	vst.add.f32.msk $0xffff, v5  }
0x35c: {  	s10 =	sadd.s32 $0x800, s10;
	[tilespmem:s6+$0xA1D0] =	vst.add.f32.msk $0xffff, v6  }
0x35d: {  	[tilespmem:s6+$0xA1E0] =	vst.add.f32.msk $0xffff, v0;
	s26 =	sadd.s32 s4, s12  }
0x35e: {  	[hbm4b:s26+s16] =	stream.strided.scatter [tilespmem:s31], [sflag:$0xE], $0x2000, s17, s16, $0x38;
	[tilespmem:$0x14000] =	vst v63  }
0x35f: {  	s9 =	simm.s32 @!p0 $0x200;
	_ =	swait.ge [sflag:s23], $0x2000  }
0x360: {  	s10 =	simm.s32 @!p0 $0x400;
	[sflag:s23] =	ssyncset.done $0x0;
	s6 =	rddreg [dreg:$0x7]  }
0x361: {  	s12 =	simm.s32 @!p0 $0x4000;
	[sflag:s23] =	ssyncadd.s32 $0xFFFFE000;
	s6 =	sadd.s32 @!p0 s24, s6  }
0x362: {  	[tilespmem:s12], [sflag:$0x3] =	stream.strided.gather @!p0 [hbm4b:s6+s9], $0x2000, s10, s9, $0x38;
	[tilespmem:$0x14000] =	vst v63  }
0x363: {  	_ =	swait.ge [sflag:s5], $0x2000  }
0x364: {  	[sflag:s5] =	ssyncset.done $0x0  }
0x365: {  	s6 =	simm.s32 $0x0;
	[sflag:s5] =	ssyncadd.s32 $0xFFFFE000  }
0x366: {  	v0 =	vld [tilespmem:s6+$0x12070]  }
0x367: {  	v1 =	vld [tilespmem:s6+$0x12000]  }
0x368: {  	v2 =	vld [tilespmem:s6+$0x12010]  }
0x369: {  	v3 =	vld [tilespmem:s6+$0x12020]  }
0x36a: {  	v4 =	vld [tilespmem:s6+$0x12030]  }
0x36b: {  	v5 =	vld [tilespmem:s6+$0x12040]  }
0x36c: {  	v6 =	vld [tilespmem:s6+$0x12050]  }
0x36d: {  	[tilespmem:s6+$0xC070] =	vst.add.f32.msk $0xffff, v0  }
0x36e: {  	v0 =	vld [tilespmem:s6+$0x12060]  }
0x36f: {  	[tilespmem:s6+$0xC000] =	vst.add.f32.msk $0xffff, v1  }
0x370: {  	[tilespmem:s6+$0xC010] =	vst.add.f32.msk $0xffff, v2  }
0x371: {  	[tilespmem:s6+$0xC020] =	vst.add.f32.msk $0xffff, v3  }
0x372: {  	[tilespmem:s6+$0xC030] =	vst.add.f32.msk $0xffff, v4  }
0x373: {  	[tilespmem:s6+$0xC040] =	vst.add.f32.msk $0xffff, v5  }
0x374: {  	s9 =	simm.s32 $0x0;
	s10 =	simm.s32 $0x800;
	[tilespmem:s6+$0xC050] =	vst.add.f32.msk $0xffff, v6  }
.LBB2_51:
0x375: {  	s9 =	sadd.s32 $0x80, s9;
	[tilespmem:s6+$0xC060] =	vst.add.f32.msk $0xffff, v0;
	s6 =	sshra.s32 s10, $0x2  }
0x376: {  	v0 =	vld [tilespmem:s6+$0x12070];
	p1 =	slt.u32 s9, $0x780  }
0x377: {  	v1 =	vld [tilespmem:s6+$0x12000]  }
0x378: {  	v2 =	vld [tilespmem:s6+$0x12010]  }
0x379: {  	v3 =	vld [tilespmem:s6+$0x12020]  }
0x37a: {  	v4 =	vld [tilespmem:s6+$0x12030]  }
0x37b: {  	[tilespmem:s6+$0xC070] =	vst.add.f32.msk $0xffff, v0  }
0x37c: {  	v5 =	vld [tilespmem:s6+$0x12040]  }
0x37d: {  	v6 =	vld [tilespmem:s6+$0x12050]  }
0x37e: {  	v0 =	vld [tilespmem:s6+$0x12060]  }
0x37f: {  	[tilespmem:s6+$0xC000] =	vst.add.f32.msk $0xffff, v1  }
.Ltmp24:
0x380: {  	[tilespmem:s6+$0xC010] =	vst.add.f32.msk $0xffff, v2;
	(pc) =	sbr.rel @p1 .LBB2_51-.Ltmp24, $4  }
0x381: {  	[tilespmem:s6+$0xC020] =	vst.add.f32.msk $0xffff, v3  }
0x382: {  	[tilespmem:s6+$0xC030] =	vst.add.f32.msk $0xffff, v4  }
0x383: {  	[tilespmem:s6+$0xC040] =	vst.add.f32.msk $0xffff, v5  }
0x384: {  	s10 =	sadd.s32 $0x800, s10;
	[tilespmem:s6+$0xC050] =	vst.add.f32.msk $0xffff, v6  }
0x385: {  	[tilespmem:s6+$0xC060] =	vst.add.f32.msk $0xffff, v0;
	s6 =	simm.s32 $0x0  }
0x386: {  	v0 =	vld [tilespmem:s6+$0x120F0]  }
0x387: {  	v1 =	vld [tilespmem:s6+$0x12080]  }
0x388: {  	v2 =	vld [tilespmem:s6+$0x12090]  }
0x389: {  	v3 =	vld [tilespmem:s6+$0x120A0]  }
0x38a: {  	v4 =	vld [tilespmem:s6+$0x120B0]  }
0x38b: {  	v5 =	vld [tilespmem:s6+$0x120C0]  }
0x38c: {  	v6 =	vld [tilespmem:s6+$0x120D0]  }
0x38d: {  	[tilespmem:s6+$0xC0F0] =	vst.add.f32.msk $0xffff, v0  }
0x38e: {  	v0 =	vld [tilespmem:s6+$0x120E0]  }
0x38f: {  	[tilespmem:s6+$0xC080] =	vst.add.f32.msk $0xffff, v1  }
0x390: {  	[tilespmem:s6+$0xC090] =	vst.add.f32.msk $0xffff, v2  }
0x391: {  	[tilespmem:s6+$0xC0A0] =	vst.add.f32.msk $0xffff, v3  }
0x392: {  	[tilespmem:s6+$0xC0B0] =	vst.add.f32.msk $0xffff, v4  }
0x393: {  	[tilespmem:s6+$0xC0C0] =	vst.add.f32.msk $0xffff, v5  }
0x394: {  	s9 =	simm.s32 $0x0;
	s10 =	simm.s32 $0x800;
	[tilespmem:s6+$0xC0D0] =	vst.add.f32.msk $0xffff, v6  }
.LBB2_53:
0x395: {  	s9 =	sadd.s32 $0x80, s9;
	[tilespmem:s6+$0xC0E0] =	vst.add.f32.msk $0xffff, v0;
	s6 =	sshra.s32 s10, $0x2  }
0x396: {  	v0 =	vld [tilespmem:s6+$0x120F0];
	p1 =	slt.u32 s9, $0x780  }
0x397: {  	v1 =	vld [tilespmem:s6+$0x12080]  }
0x398: {  	v2 =	vld [tilespmem:s6+$0x12090]  }
0x399: {  	v3 =	vld [tilespmem:s6+$0x120A0]  }
0x39a: {  	v4 =	vld [tilespmem:s6+$0x120B0]  }
0x39b: {  	[tilespmem:s6+$0xC0F0] =	vst.add.f32.msk $0xffff, v0  }
0x39c: {  	v5 =	vld [tilespmem:s6+$0x120C0]  }
0x39d: {  	v6 =	vld [tilespmem:s6+$0x120D0]  }
0x39e: {  	v0 =	vld [tilespmem:s6+$0x120E0]  }
0x39f: {  	[tilespmem:s6+$0xC080] =	vst.add.f32.msk $0xffff, v1  }
.Ltmp25:
0x3a0: {  	[tilespmem:s6+$0xC090] =	vst.add.f32.msk $0xffff, v2;
	(pc) =	sbr.rel @p1 .LBB2_53-.Ltmp25, $4  }
0x3a1: {  	[tilespmem:s6+$0xC0A0] =	vst.add.f32.msk $0xffff, v3  }
0x3a2: {  	[tilespmem:s6+$0xC0B0] =	vst.add.f32.msk $0xffff, v4  }
0x3a3: {  	[tilespmem:s6+$0xC0C0] =	vst.add.f32.msk $0xffff, v5  }
0x3a4: {  	s10 =	sadd.s32 $0x800, s10;
	[tilespmem:s6+$0xC0D0] =	vst.add.f32.msk $0xffff, v6  }
0x3a5: {  	[tilespmem:s6+$0xC0E0] =	vst.add.f32.msk $0xffff, v0;
	s6 =	simm.s32 $0x0  }
0x3a6: {  	v0 =	vld [tilespmem:s6+$0x12170]  }
0x3a7: {  	v1 =	vld [tilespmem:s6+$0x12100]  }
0x3a8: {  	v2 =	vld [tilespmem:s6+$0x12110]  }
0x3a9: {  	v3 =	vld [tilespmem:s6+$0x12120]  }
0x3aa: {  	v4 =	vld [tilespmem:s6+$0x12130]  }
0x3ab: {  	v5 =	vld [tilespmem:s6+$0x12140]  }
0x3ac: {  	v6 =	vld [tilespmem:s6+$0x12150]  }
0x3ad: {  	[tilespmem:s6+$0xC170] =	vst.add.f32.msk $0xffff, v0  }
0x3ae: {  	v0 =	vld [tilespmem:s6+$0x12160]  }
0x3af: {  	[tilespmem:s6+$0xC100] =	vst.add.f32.msk $0xffff, v1  }
0x3b0: {  	[tilespmem:s6+$0xC110] =	vst.add.f32.msk $0xffff, v2  }
0x3b1: {  	[tilespmem:s6+$0xC120] =	vst.add.f32.msk $0xffff, v3  }
0x3b2: {  	[tilespmem:s6+$0xC130] =	vst.add.f32.msk $0xffff, v4  }
0x3b3: {  	[tilespmem:s6+$0xC140] =	vst.add.f32.msk $0xffff, v5  }
0x3b4: {  	s9 =	simm.s32 $0x0;
	s10 =	simm.s32 $0x800;
	[tilespmem:s6+$0xC150] =	vst.add.f32.msk $0xffff, v6  }
.LBB2_55:
0x3b5: {  	s9 =	sadd.s32 $0x80, s9;
	[tilespmem:s6+$0xC160] =	vst.add.f32.msk $0xffff, v0;
	s6 =	sshra.s32 s10, $0x2  }
0x3b6: {  	v0 =	vld [tilespmem:s6+$0x12170];
	p1 =	slt.u32 s9, $0x780  }
0x3b7: {  	v1 =	vld [tilespmem:s6+$0x12100]  }
0x3b8: {  	v2 =	vld [tilespmem:s6+$0x12110]  }
0x3b9: {  	v3 =	vld [tilespmem:s6+$0x12120]  }
0x3ba: {  	v4 =	vld [tilespmem:s6+$0x12130]  }
0x3bb: {  	[tilespmem:s6+$0xC170] =	vst.add.f32.msk $0xffff, v0  }
0x3bc: {  	v5 =	vld [tilespmem:s6+$0x12140]  }
0x3bd: {  	v6 =	vld [tilespmem:s6+$0x12150]  }
0x3be: {  	v0 =	vld [tilespmem:s6+$0x12160]  }
0x3bf: {  	[tilespmem:s6+$0xC100] =	vst.add.f32.msk $0xffff, v1  }
.Ltmp26:
0x3c0: {  	[tilespmem:s6+$0xC110] =	vst.add.f32.msk $0xffff, v2;
	(pc) =	sbr.rel @p1 .LBB2_55-.Ltmp26, $4  }
0x3c1: {  	[tilespmem:s6+$0xC120] =	vst.add.f32.msk $0xffff, v3  }
0x3c2: {  	[tilespmem:s6+$0xC130] =	vst.add.f32.msk $0xffff, v4  }
0x3c3: {  	[tilespmem:s6+$0xC140] =	vst.add.f32.msk $0xffff, v5  }
0x3c4: {  	s10 =	sadd.s32 $0x800, s10;
	[tilespmem:s6+$0xC150] =	vst.add.f32.msk $0xffff, v6  }
0x3c5: {  	[tilespmem:s6+$0xC160] =	vst.add.f32.msk $0xffff, v0;
	s6 =	simm.s32 $0x0  }
0x3c6: {  	v0 =	vld [tilespmem:s6+$0x121F0]  }
0x3c7: {  	v1 =	vld [tilespmem:s6+$0x12180]  }
0x3c8: {  	v2 =	vld [tilespmem:s6+$0x12190]  }
0x3c9: {  	v3 =	vld [tilespmem:s6+$0x121A0]  }
0x3ca: {  	v4 =	vld [tilespmem:s6+$0x121B0]  }
0x3cb: {  	v5 =	vld [tilespmem:s6+$0x121C0]  }
0x3cc: {  	v6 =	vld [tilespmem:s6+$0x121D0]  }
0x3cd: {  	[tilespmem:s6+$0xC1F0] =	vst.add.f32.msk $0xffff, v0  }
0x3ce: {  	v0 =	vld [tilespmem:s6+$0x121E0]  }
0x3cf: {  	[tilespmem:s6+$0xC180] =	vst.add.f32.msk $0xffff, v1  }
0x3d0: {  	[tilespmem:s6+$0xC190] =	vst.add.f32.msk $0xffff, v2  }
0x3d1: {  	[tilespmem:s6+$0xC1A0] =	vst.add.f32.msk $0xffff, v3  }
0x3d2: {  	[tilespmem:s6+$0xC1B0] =	vst.add.f32.msk $0xffff, v4  }
0x3d3: {  	[tilespmem:s6+$0xC1C0] =	vst.add.f32.msk $0xffff, v5  }
0x3d4: {  	s9 =	simm.s32 $0x0;
	s10 =	simm.s32 $0x800;
	[tilespmem:s6+$0xC1D0] =	vst.add.f32.msk $0xffff, v6  }
.LBB2_57:
0x3d5: {  	s9 =	sadd.s32 $0x80, s9;
	[tilespmem:s6+$0xC1E0] =	vst.add.f32.msk $0xffff, v0;
	s6 =	sshra.s32 s10, $0x2  }
0x3d6: {  	v0 =	vld [tilespmem:s6+$0x121F0];
	p1 =	slt.u32 s9, $0x780  }
0x3d7: {  	v1 =	vld [tilespmem:s6+$0x12180]  }
0x3d8: {  	v2 =	vld [tilespmem:s6+$0x12190]  }
0x3d9: {  	v3 =	vld [tilespmem:s6+$0x121A0]  }
0x3da: {  	v4 =	vld [tilespmem:s6+$0x121B0]  }
0x3db: {  	[tilespmem:s6+$0xC1F0] =	vst.add.f32.msk $0xffff, v0  }
0x3dc: {  	v5 =	vld [tilespmem:s6+$0x121C0]  }
0x3dd: {  	v6 =	vld [tilespmem:s6+$0x121D0]  }
0x3de: {  	v0 =	vld [tilespmem:s6+$0x121E0]  }
0x3df: {  	[tilespmem:s6+$0xC180] =	vst.add.f32.msk $0xffff, v1  }
.Ltmp27:
0x3e0: {  	[tilespmem:s6+$0xC190] =	vst.add.f32.msk $0xffff, v2;
	(pc) =	sbr.rel @p1 .LBB2_57-.Ltmp27, $4  }
0x3e1: {  	[tilespmem:s6+$0xC1A0] =	vst.add.f32.msk $0xffff, v3  }
0x3e2: {  	[tilespmem:s6+$0xC1B0] =	vst.add.f32.msk $0xffff, v4  }
0x3e3: {  	[tilespmem:s6+$0xC1C0] =	vst.add.f32.msk $0xffff, v5  }
0x3e4: {  	s10 =	sadd.s32 $0x800, s10;
	[tilespmem:s6+$0xC1D0] =	vst.add.f32.msk $0xffff, v6  }
0x3e5: {  	[tilespmem:s6+$0xC1E0] =	vst.add.f32.msk $0xffff, v0;
	s26 =	sadd.s32 s4, s13;
	s9 =	simm.s32 $0xC000  }
0x3e6: {  	[hbm4b:s26+s16] =	stream.strided.scatter [tilespmem:s9], [sflag:$0xF], $0x2000, s17, s16, $0x38;
	[tilespmem:$0x14000] =	vst v63  }
0x3e7: {  	_ =	swait.ge [sflag:s19], $0x2000  }
0x3e8: {  	s6 =	sadd.s32 @!p0 s24, s11;
	s10 =	simm.s32 @!p0 $0x400;
	[sflag:s19] =	ssyncset.done $0x0  }
0x3e9: {  	s12 =	simm.s32 @!p0 $0x6000;
	s9 =	simm.s32 @!p0 $0x200;
	[sflag:s19] =	ssyncadd.s32 $0xFFFFE000  }
0x3ea: {  	[tilespmem:s12], [sflag:$0x4] =	stream.strided.gather @!p0 [hbm4b:s6+s9], $0x2000, s10, s9, $0x38;
	[tilespmem:$0x14000] =	vst v63  }
0x3eb: {  	_ =	swait.ge [sflag:s20], $0x2000  }
0x3ec: {  	[sflag:s20] =	ssyncset.done $0x0  }
0x3ed: {  	s6 =	simm.s32 $0x0;
	[sflag:s20] =	ssyncadd.s32 $0xFFFFE000  }
0x3ee: {  	v0 =	vld [tilespmem:s6+$0x12070]  }
0x3ef: {  	v1 =	vld [tilespmem:s6+$0x12000]  }
0x3f0: {  	v2 =	vld [tilespmem:s6+$0x12010]  }
0x3f1: {  	v3 =	vld [tilespmem:s6+$0x12020]  }
0x3f2: {  	v4 =	vld [tilespmem:s6+$0x12030]  }
0x3f3: {  	v5 =	vld [tilespmem:s6+$0x12040]  }
0x3f4: {  	v6 =	vld [tilespmem:s6+$0x12050]  }
0x3f5: {  	[tilespmem:s6+$0xE070] =	vst.add.f32.msk $0xffff, v0  }
0x3f6: {  	v0 =	vld [tilespmem:s6+$0x12060]  }
0x3f7: {  	[tilespmem:s6+$0xE000] =	vst.add.f32.msk $0xffff, v1  }
0x3f8: {  	[tilespmem:s6+$0xE010] =	vst.add.f32.msk $0xffff, v2  }
0x3f9: {  	[tilespmem:s6+$0xE020] =	vst.add.f32.msk $0xffff, v3  }
0x3fa: {  	[tilespmem:s6+$0xE030] =	vst.add.f32.msk $0xffff, v4  }
0x3fb: {  	[tilespmem:s6+$0xE040] =	vst.add.f32.msk $0xffff, v5  }
0x3fc: {  	s9 =	simm.s32 $0x0;
	s10 =	simm.s32 $0x800;
	[tilespmem:s6+$0xE050] =	vst.add.f32.msk $0xffff, v6  }
.LBB2_59:
0x3fd: {  	s9 =	sadd.s32 $0x80, s9;
	[tilespmem:s6+$0xE060] =	vst.add.f32.msk $0xffff, v0;
	s6 =	sshra.s32 s10, $0x2  }
0x3fe: {  	v0 =	vld [tilespmem:s6+$0x12070];
	p0 =	slt.u32 s9, $0x780  }
0x3ff: {  	v1 =	vld [tilespmem:s6+$0x12000]  }
0x400: {  	v2 =	vld [tilespmem:s6+$0x12010]  }
0x401: {  	v3 =	vld [tilespmem:s6+$0x12020]  }
0x402: {  	v4 =	vld [tilespmem:s6+$0x12030]  }
0x403: {  	[tilespmem:s6+$0xE070] =	vst.add.f32.msk $0xffff, v0  }
0x404: {  	v5 =	vld [tilespmem:s6+$0x12040]  }
0x405: {  	v6 =	vld [tilespmem:s6+$0x12050]  }
0x406: {  	v0 =	vld [tilespmem:s6+$0x12060]  }
0x407: {  	[tilespmem:s6+$0xE000] =	vst.add.f32.msk $0xffff, v1  }
.Ltmp28:
0x408: {  	[tilespmem:s6+$0xE010] =	vst.add.f32.msk $0xffff, v2;
	(pc) =	sbr.rel @p0 .LBB2_59-.Ltmp28, $4  }
0x409: {  	[tilespmem:s6+$0xE020] =	vst.add.f32.msk $0xffff, v3  }
0x40a: {  	[tilespmem:s6+$0xE030] =	vst.add.f32.msk $0xffff, v4  }
0x40b: {  	[tilespmem:s6+$0xE040] =	vst.add.f32.msk $0xffff, v5  }
0x40c: {  	s10 =	sadd.s32 $0x800, s10;
	[tilespmem:s6+$0xE050] =	vst.add.f32.msk $0xffff, v6  }
0x40d: {  	[tilespmem:s6+$0xE060] =	vst.add.f32.msk $0xffff, v0;
	s6 =	simm.s32 $0x0  }
0x40e: {  	v0 =	vld [tilespmem:s6+$0x120F0]  }
0x40f: {  	v1 =	vld [tilespmem:s6+$0x12080]  }
0x410: {  	v2 =	vld [tilespmem:s6+$0x12090]  }
0x411: {  	v3 =	vld [tilespmem:s6+$0x120A0]  }
0x412: {  	v4 =	vld [tilespmem:s6+$0x120B0]  }
0x413: {  	v5 =	vld [tilespmem:s6+$0x120C0]  }
0x414: {  	v6 =	vld [tilespmem:s6+$0x120D0]  }
0x415: {  	[tilespmem:s6+$0xE0F0] =	vst.add.f32.msk $0xffff, v0  }
0x416: {  	v0 =	vld [tilespmem:s6+$0x120E0]  }
0x417: {  	[tilespmem:s6+$0xE080] =	vst.add.f32.msk $0xffff, v1  }
0x418: {  	[tilespmem:s6+$0xE090] =	vst.add.f32.msk $0xffff, v2  }
0x419: {  	[tilespmem:s6+$0xE0A0] =	vst.add.f32.msk $0xffff, v3  }
0x41a: {  	[tilespmem:s6+$0xE0B0] =	vst.add.f32.msk $0xffff, v4  }
0x41b: {  	[tilespmem:s6+$0xE0C0] =	vst.add.f32.msk $0xffff, v5  }
0x41c: {  	s9 =	simm.s32 $0x0;
	s10 =	simm.s32 $0x800;
	[tilespmem:s6+$0xE0D0] =	vst.add.f32.msk $0xffff, v6  }
.LBB2_61:
0x41d: {  	s9 =	sadd.s32 $0x80, s9;
	[tilespmem:s6+$0xE0E0] =	vst.add.f32.msk $0xffff, v0;
	s6 =	sshra.s32 s10, $0x2  }
0x41e: {  	v0 =	vld [tilespmem:s6+$0x120F0];
	p0 =	slt.u32 s9, $0x780  }
0x41f: {  	v1 =	vld [tilespmem:s6+$0x12080]  }
0x420: {  	v2 =	vld [tilespmem:s6+$0x12090]  }
0x421: {  	v3 =	vld [tilespmem:s6+$0x120A0]  }
0x422: {  	v4 =	vld [tilespmem:s6+$0x120B0]  }
0x423: {  	[tilespmem:s6+$0xE0F0] =	vst.add.f32.msk $0xffff, v0  }
0x424: {  	v5 =	vld [tilespmem:s6+$0x120C0]  }
0x425: {  	v6 =	vld [tilespmem:s6+$0x120D0]  }
0x426: {  	v0 =	vld [tilespmem:s6+$0x120E0]  }
0x427: {  	[tilespmem:s6+$0xE080] =	vst.add.f32.msk $0xffff, v1  }
.Ltmp29:
0x428: {  	[tilespmem:s6+$0xE090] =	vst.add.f32.msk $0xffff, v2;
	(pc) =	sbr.rel @p0 .LBB2_61-.Ltmp29, $4  }
0x429: {  	[tilespmem:s6+$0xE0A0] =	vst.add.f32.msk $0xffff, v3  }
0x42a: {  	[tilespmem:s6+$0xE0B0] =	vst.add.f32.msk $0xffff, v4  }
0x42b: {  	[tilespmem:s6+$0xE0C0] =	vst.add.f32.msk $0xffff, v5  }
0x42c: {  	s10 =	sadd.s32 $0x800, s10;
	[tilespmem:s6+$0xE0D0] =	vst.add.f32.msk $0xffff, v6  }
0x42d: {  	[tilespmem:s6+$0xE0E0] =	vst.add.f32.msk $0xffff, v0;
	s6 =	simm.s32 $0x0  }
0x42e: {  	v0 =	vld [tilespmem:s6+$0x12170]  }
0x42f: {  	v1 =	vld [tilespmem:s6+$0x12100]  }
0x430: {  	v2 =	vld [tilespmem:s6+$0x12110]  }
0x431: {  	v3 =	vld [tilespmem:s6+$0x12120]  }
0x432: {  	v4 =	vld [tilespmem:s6+$0x12130]  }
0x433: {  	v5 =	vld [tilespmem:s6+$0x12140]  }
0x434: {  	v6 =	vld [tilespmem:s6+$0x12150]  }
0x435: {  	[tilespmem:s6+$0xE170] =	vst.add.f32.msk $0xffff, v0  }
0x436: {  	v0 =	vld [tilespmem:s6+$0x12160]  }
0x437: {  	[tilespmem:s6+$0xE100] =	vst.add.f32.msk $0xffff, v1  }
0x438: {  	[tilespmem:s6+$0xE110] =	vst.add.f32.msk $0xffff, v2  }
0x439: {  	[tilespmem:s6+$0xE120] =	vst.add.f32.msk $0xffff, v3  }
0x43a: {  	[tilespmem:s6+$0xE130] =	vst.add.f32.msk $0xffff, v4  }
0x43b: {  	[tilespmem:s6+$0xE140] =	vst.add.f32.msk $0xffff, v5  }
0x43c: {  	s9 =	simm.s32 $0x0;
	s10 =	simm.s32 $0x800;
	[tilespmem:s6+$0xE150] =	vst.add.f32.msk $0xffff, v6  }
.LBB2_63:
0x43d: {  	s9 =	sadd.s32 $0x80, s9;
	[tilespmem:s6+$0xE160] =	vst.add.f32.msk $0xffff, v0;
	s6 =	sshra.s32 s10, $0x2  }
0x43e: {  	v0 =	vld [tilespmem:s6+$0x12170];
	p0 =	slt.u32 s9, $0x780  }
0x43f: {  	v1 =	vld [tilespmem:s6+$0x12100]  }
0x440: {  	v2 =	vld [tilespmem:s6+$0x12110]  }
0x441: {  	v3 =	vld [tilespmem:s6+$0x12120]  }
0x442: {  	v4 =	vld [tilespmem:s6+$0x12130]  }
0x443: {  	[tilespmem:s6+$0xE170] =	vst.add.f32.msk $0xffff, v0  }
0x444: {  	v5 =	vld [tilespmem:s6+$0x12140]  }
0x445: {  	v6 =	vld [tilespmem:s6+$0x12150]  }
0x446: {  	v0 =	vld [tilespmem:s6+$0x12160]  }
0x447: {  	[tilespmem:s6+$0xE100] =	vst.add.f32.msk $0xffff, v1  }
.Ltmp30:
0x448: {  	[tilespmem:s6+$0xE110] =	vst.add.f32.msk $0xffff, v2;
	(pc) =	sbr.rel @p0 .LBB2_63-.Ltmp30, $4  }
0x449: {  	[tilespmem:s6+$0xE120] =	vst.add.f32.msk $0xffff, v3  }
0x44a: {  	[tilespmem:s6+$0xE130] =	vst.add.f32.msk $0xffff, v4  }
0x44b: {  	[tilespmem:s6+$0xE140] =	vst.add.f32.msk $0xffff, v5  }
0x44c: {  	s10 =	sadd.s32 $0x800, s10;
	[tilespmem:s6+$0xE150] =	vst.add.f32.msk $0xffff, v6  }
0x44d: {  	[tilespmem:s6+$0xE160] =	vst.add.f32.msk $0xffff, v0;
	s6 =	simm.s32 $0x0  }
0x44e: {  	v0 =	vld [tilespmem:s6+$0x121F0]  }
0x44f: {  	v1 =	vld [tilespmem:s6+$0x12180]  }
0x450: {  	v2 =	vld [tilespmem:s6+$0x12190]  }
0x451: {  	v3 =	vld [tilespmem:s6+$0x121A0]  }
0x452: {  	v4 =	vld [tilespmem:s6+$0x121B0]  }
0x453: {  	v5 =	vld [tilespmem:s6+$0x121C0]  }
0x454: {  	v6 =	vld [tilespmem:s6+$0x121D0]  }
0x455: {  	[tilespmem:s6+$0xE1F0] =	vst.add.f32.msk $0xffff, v0  }
0x456: {  	v0 =	vld [tilespmem:s6+$0x121E0]  }
0x457: {  	[tilespmem:s6+$0xE180] =	vst.add.f32.msk $0xffff, v1  }
0x458: {  	[tilespmem:s6+$0xE190] =	vst.add.f32.msk $0xffff, v2  }
0x459: {  	[tilespmem:s6+$0xE1A0] =	vst.add.f32.msk $0xffff, v3  }
0x45a: {  	[tilespmem:s6+$0xE1B0] =	vst.add.f32.msk $0xffff, v4  }
0x45b: {  	[tilespmem:s6+$0xE1C0] =	vst.add.f32.msk $0xffff, v5  }
0x45c: {  	s9 =	simm.s32 $0x0;
	s10 =	simm.s32 $0x800;
	[tilespmem:s6+$0xE1D0] =	vst.add.f32.msk $0xffff, v6  }
.LBB2_65:
0x45d: {  	s9 =	sadd.s32 $0x80, s9;
	[tilespmem:s6+$0xE1E0] =	vst.add.f32.msk $0xffff, v0;
	s6 =	sshra.s32 s10, $0x2  }
0x45e: {  	v0 =	vld [tilespmem:s6+$0x121F0];
	p0 =	slt.u32 s9, $0x780  }
0x45f: {  	v1 =	vld [tilespmem:s6+$0x12180]  }
0x460: {  	v2 =	vld [tilespmem:s6+$0x12190]  }
0x461: {  	v3 =	vld [tilespmem:s6+$0x121A0]  }
0x462: {  	v4 =	vld [tilespmem:s6+$0x121B0]  }
0x463: {  	[tilespmem:s6+$0xE1F0] =	vst.add.f32.msk $0xffff, v0  }
0x464: {  	v5 =	vld [tilespmem:s6+$0x121C0]  }
0x465: {  	v6 =	vld [tilespmem:s6+$0x121D0]  }
0x466: {  	v0 =	vld [tilespmem:s6+$0x121E0]  }
0x467: {  	[tilespmem:s6+$0xE180] =	vst.add.f32.msk $0xffff, v1  }
.Ltmp31:
0x468: {  	[tilespmem:s6+$0xE190] =	vst.add.f32.msk $0xffff, v2;
	(pc) =	sbr.rel @p0 .LBB2_65-.Ltmp31, $4  }
0x469: {  	[tilespmem:s6+$0xE1A0] =	vst.add.f32.msk $0xffff, v3  }
0x46a: {  	[tilespmem:s6+$0xE1B0] =	vst.add.f32.msk $0xffff, v4  }
0x46b: {  	[tilespmem:s6+$0xE1C0] =	vst.add.f32.msk $0xffff, v5  }
0x46c: {  	s10 =	sadd.s32 $0x800, s10;
	[tilespmem:s6+$0xE1D0] =	vst.add.f32.msk $0xffff, v6  }
0x46d: {  	s21 =	sadd.s32 $0x1, s21  }
0x46e: {  	p0 =	sne.s32 s21, $0x10  }
.Ltmp32:
0x46f: {  	_ = 	snop;
	(pc) =	sbr.rel @p0 .LBB2_2-.Ltmp32, $3  }
0x470: {  	_ =	sdelay $0x1  }
0x471: {  	[tilespmem:s6+$0xE1E0] =	vst.add.f32.msk $0xffff, v0;
	s26 =	sadd.s32 s4, s15;
	s9 =	simm.s32 $0xE000  }
0x472: {  	[hbm4b:s26+s16] =	stream.strided.scatter [tilespmem:s9], [sflag:$0x10], $0x2000, s17, s16, $0x38;
	[tilespmem:$0x14000] =	vst v63  }
0x473: {  	s6 =	simm.s32 $0xD  }
0x474: {  	_ =	swait.ge [sflag:s6], $0x2000  }
0x475: {  	[sflag:s6] =	ssyncset.done $0x0  }
0x476: {  	s21 =	simm.s32 $0xE;
	[sflag:s6] =	ssyncadd.s32 $0xFFFFE000  }
0x477: {  	_ =	swait.ge [sflag:s21], $0x2000  }
0x478: {  	[sflag:s21] =	ssyncset.done $0x0  }
0x479: {  	s24 =	simm.s32 $0xF;
	[sflag:s21] =	ssyncadd.s32 $0xFFFFE000  }
0x47a: {  	_ =	swait.ge [sflag:s24], $0x2000  }
0x47b: {  	[sflag:s24] =	ssyncset.done $0x0  }
0x47c: {  	s9 =	simm.s32 $0x10;
	[sflag:s24] =	ssyncadd.s32 $0xFFFFE000  }
0x47d: {  	_ =	swait.ge [sflag:s9], $0x2000  }
0x47e: {  	s10 =	rddreg [dreg:$0xc]  }
0x47f: {  	s26 =	rddreg [dreg:$0xa];
	s10 =	sadd.s32 $0x1, s10  }
0x480: {  	p0 =	sne.s32 s10, s26  }
.Ltmp33:
0x481: {  	_ = 	snop;
	(pc) =	sbr.rel @p0 .LBB2_1-.Ltmp33, $3  }
0x482: {  	_ =	sdelay $0x1  }
0x483: {  	[sflag:s9] =	ssyncset.done $0x0  }
0x484: {  	[sflag:s9] =	ssyncadd.s32 $0xFFFFE000  }
0x485: {  	_ =	sfence.sel $0x180000  }
0x486: {  	[bflag:$0x0] =	sbarrier.arrive $0xFFFF  }
0x487: {  	_ =	strace $0x90000047  }
0x488: {  	s0 =	stileid.u32;
	[bflag:$0x2] =	sbarrier.arrive $0xFFFF  }
0x489: {  	p0 =	sne.s32 s0, $0x0;
	s0 =	rddreg [dreg:$0x3]  }
0x48a: {  	s0 =	sadd.s32 @!p0 $0x100000, s0  }
0x48b: {  	[sflag:s0] =	ssyncadd.tile.s32 @!p0 $0x1;
	_ =	shalt  }
.Lfunc_end2:
_tile_overlayer_lowered:
.L_overlay_start_2:
0x48c: {  	(tag) =	ssettag $0x2  }
0x48d: {  	s0 =	rddreg [dreg:$0x0];
	s2 =	stileid.u32  }
0x48e: {  	s1 =	rddreg [dreg:$0x1];
	p0 =	sne.s32 s2, $0x0  }
0x48f: {  	s3 =	rddreg [dreg:$0x2];
	[bflag:$0x3] =	sbarrier.arrive $0xFFFF;
	s2 =	simm.s32 @!p0 $0x1C13  }
0x490: {  	[timem:s3], [sflag:s2] =	dma.local @!p0 [hbm:s0], s1  }
0x491: {  	s0 =	simm.s32 @!p0 $0x13  }
0x492: {  	_ =	swait.ge @!p0 [sflag:s0], s1  }
0x493: {  	s1 =	ssub.s32 @!p0 $0x0, s1;
	[sflag:s0] =	ssyncset.done @!p0 $0x0  }
0x494: {  	[sflag:s0] =	ssyncadd.s32 @!p0 s1  }
0x495: {  	[bflag:$0x3] =	sbarrier.arrive $0xFFFF  }
0x496: {  	_ =	shalt  }

</sc_bundles>
